<compile_context>
chip_gen: v7x
topology: tpu7x:2x2x1
jax: 0.10.2.dev20260603
libtpu: 0.0.44.dev20260713+nightly
codegen_flags: <defaults>
</compile_context>

<pallas_src>
import functools

import jax
import jax.numpy as jnp
from jax import lax
from jax.experimental import pallas as pl
from jax.experimental.pallas import tpu as pltpu
from jax.experimental.pallas import tpu_sc as plsc

N_NODES = 10000
N_EDGES = 320000
D = 128

NC, NS = 2, 16
NW = NC * NS
CHUNK = 128
TOT_CHUNK = N_EDGES // CHUNK
SG = 40
SGW = SG + 8
IDX_ROWS = 2560
ROWS_PER_TILE = 632
ACC_ROWS = NS * ROWS_PER_TILE

_sc_mesh = plsc.VectorSubcoreMesh(core_axis_name="c", subcore_axis_name="s")


@functools.partial(
    pl.kernel,
    out_type=jax.ShapeDtypeStruct((NC, ACC_ROWS, D), jnp.float32),
    mesh=_sc_mesh,
    scratch_types=[
        pltpu.VMEM((SGW, CHUNK), jnp.int32),
        pltpu.VMEM((SGW, CHUNK), jnp.int32),
        pltpu.VMEM((CHUNK, D), jnp.float32),
        pltpu.VMEM((CHUNK, D), jnp.float32),
        pltpu.VMEM_SHARED((ACC_ROWS, D), jnp.float32),
        pltpu.SemaphoreType.DMA,
        pltpu.SemaphoreType.DMA,
        pltpu.SemaphoreType.DMA,
    ],
)
def _sc_aggregate(x_hbm, src_hbm, dst_hbm, out_hbm,
                  src_v, dst_v, rows0, rows1, acc, sem0, sem1, ssem):
    c = lax.axis_index("c")
    s = lax.axis_index("s")
    row0 = s * ROWS_PER_TILE

    wid = c * NS + s
    first = 78 * wid + (wid + 7) // 8
    nchunk = 78 + jnp.where(wid % 8 == 0, 1, 0)
    aligned0 = (first // 8) * 8

    def zfill(r, carry):
        for cp in range(8):
            rows0[r, pl.ds(cp * 16, 16)] = jnp.zeros((16,), jnp.float32)
        return carry

    lax.fori_loop(0, CHUNK, zfill, 0)
    pltpu.async_copy(src_hbm.at[pl.ds(aligned0, SGW)], src_v, ssem)
    pltpu.async_copy(dst_hbm.at[pl.ds(aligned0, SGW)], dst_v, ssem)
    for k in range(ROWS_PER_TILE // CHUNK):
        pltpu.sync_copy(rows0, acc.at[pl.ds(row0 + k * CHUNK, CHUNK)])
    _rem = ROWS_PER_TILE % CHUNK
    pltpu.sync_copy(rows0.at[pl.ds(0, _rem)],
                    acc.at[pl.ds(row0 + ROWS_PER_TILE - _rem, _rem)])
    plsc.subcore_barrier()
    pltpu.make_async_copy(src_hbm.at[pl.ds(aligned0, SGW)], src_v,
                          ssem).wait()
    pltpu.make_async_copy(dst_hbm.at[pl.ds(aligned0, SGW)], dst_v,
                          ssem).wait()

    def stage(start, size, prestaged=False):
        aligned = (start // 8) * 8
        off = start - aligned
        if not prestaged:
            pltpu.sync_copy(src_hbm.at[pl.ds(aligned, SGW)], src_v)
            pltpu.sync_copy(dst_hbm.at[pl.ds(aligned, SGW)], dst_v)
        pltpu.async_copy(x_hbm.at[src_v.at[off]], rows0, sem0)
        pltpu.async_copy(x_hbm.at[src_v.at[off + 1]], rows1, sem1)

        def body(k, carry2):
            i = 2 * k
            for b, rows, sem in ((0, rows0, sem0), (1, rows1, sem1)):
                j = i + b

                @pl.when(j < size)
                def _():
                    pltpu.make_async_copy(
                        x_hbm.at[src_v.at[off + j]], rows, sem).wait()
                    pltpu.sync_copy(rows, acc.at[dst_v.at[off + j]],
                                    add=True)

                    @pl.when(j + 2 < size)
                    def _():
                        pltpu.async_copy(
                            x_hbm.at[src_v.at[off + j + 2]], rows, sem)
            return carry2

        lax.fori_loop(0, (size + 1) // 2, body, 0)

    stage(first, SG, prestaged=True)
    stage(first + SG, nchunk - SG)
    plsc.subcore_barrier()
    pltpu.sync_copy(acc.at[pl.ds(row0, ROWS_PER_TILE)],
                    out_hbm.at[c].at[pl.ds(row0, ROWS_PER_TILE)])


def _tc_mlp(p_ref, w1_ref, b1_ref, w2_ref, t_ref):
    x = p_ref[0] + p_ref[1]
    h = lax.dot_general(x, w1_ref[...], (((1,), (1,)), ((), ())),
                        preferred_element_type=jnp.float32)
    h = jnp.maximum(h + b1_ref[...], 0.0)
    t_ref[...] = lax.dot_general(h, w2_ref[...], (((1,), (1,)), ((), ())),
                                 preferred_element_type=jnp.float32)


def _tc_bias_relu(q_ref, b2_ref, o_ref):
    o_ref[...] = jnp.maximum(q_ref[0] + q_ref[1] + b2_ref[...], 0.0)


_ROW_BLK = 1000
_N_BLK = N_NODES // _ROW_BLK


def kernel(feature, edge_index, W1, b1, W2, b2):
    src = edge_index[0].astype(jnp.int32)
    dst = edge_index[1].astype(jnp.int32)
    tail = jnp.zeros((IDX_ROWS - TOT_CHUNK, CHUNK), jnp.int32)
    src = jnp.concatenate([src.reshape(TOT_CHUNK, CHUNK), tail])
    dst = jnp.concatenate([dst.reshape(TOT_CHUNK, CHUNK), tail])
    b1r = b1.reshape(1, -1)
    b2r = b2.reshape(1, -1)

    p = _sc_aggregate(feature, src, dst)

    t = pl.pallas_call(
        _tc_mlp,
        grid=(_N_BLK,),
        in_specs=[
            pl.BlockSpec((NC, _ROW_BLK, D), lambda i: (0, i, 0)),
            pl.BlockSpec(W1.shape, lambda i: (0, 0)),
            pl.BlockSpec(b1r.shape, lambda i: (0, 0)),
            pl.BlockSpec(W2.shape, lambda i: (0, 0)),
        ],
        out_specs=pl.BlockSpec((_ROW_BLK, D), lambda i: (i, 0)),
        out_shape=jax.ShapeDtypeStruct((N_NODES, D), jnp.float32),
    )(p, W1, b1r, W2)

    q = _sc_aggregate(t, src, dst)

    out = pl.pallas_call(
        _tc_bias_relu,
        grid=(_N_BLK,),
        in_specs=[
            pl.BlockSpec((NC, _ROW_BLK, D), lambda i: (0, i, 0)),
            pl.BlockSpec(b2r.shape, lambda i: (0, 0)),
        ],
        out_specs=pl.BlockSpec((_ROW_BLK, D), lambda i: (i, 0)),
        out_shape=jax.ShapeDtypeStruct((N_NODES, D), jnp.float32),
    )(q, b2r)
    return out

# --- scband reference (transcript-rebuilt; emitter-appended) ---
"""Pipeline reference for scband-gcn-16518444220918 (READ-ONLY COPY).

The authoritative reference and input builder live on the scoring server;
editing this copy changes nothing except your own understanding.
"""

import jax, jax.numpy as jnp
import numpy as np

N_NODES = 10000
N_EDGES = 320000
D_IN = 128
D_HID = 256
D_OUT = 128

def setup_inputs(seed: int = 0) -> dict:
    key = jax.random.key(seed)
    k1, k2, k3, k4, k5, k6 = jax.random.split(key, 6)
    feature = jax.random.normal(k1, (N_NODES, D_IN), dtype=jnp.float32)
    edge_index = jax.random.randint(k2, (2, N_EDGES), 0, N_NODES, dtype=jnp.int64)
    # Linear layers: PyTorch nn.Linear stores weight as [out, in]
    W1 = jax.random.normal(k3, (D_HID, D_IN), dtype=jnp.float32) * (1.0 / np.sqrt(D_IN))
    b1 = jax.random.normal(k4, (D_HID,), dtype=jnp.float32) * 0.01
    W2 = jax.random.normal(k5, (D_OUT, D_HID), dtype=jnp.float32) * (1.0 / np.sqrt(D_HID))
    b2 = jax.random.normal(k6, (D_OUT,), dtype=jnp.float32) * 0.01
    return {"feature": feature, "edge_index": edge_index, "W1": W1, "b1": b1, "W2": W2, "b2": b2}

def reference(feature, edge_index, W1, b1, W2, b2):
    # GCNLayer: g.update_all(copy_src('h'), sum('m')) == scatter-add src features to dst nodes
    src = edge_index[0]
    dst = edge_index[1]
    n = feature.shape[0]
    # Layer 1
    msgs1 = jnp.take(feature, src, axis=0)
    agg1 = jax.ops.segment_sum(msgs1, dst, num_segments=n)
    h = jax.nn.relu(agg1 @ W1.T + b1)
    # Layer 2
    msgs2 = jnp.take(h, src, axis=0)
    agg2 = jax.ops.segment_sum(msgs2, dst, num_segments=n)
    out = jax.nn.relu(agg2 @ W2.T + b2)
    return out

if __name__ == "__main__":
    import jax
    _d = setup_inputs()
    print(jax.jit(kernel)(*tuple(_d.values())))

</pallas_src>

<mosaic_0001>
#map = affine_map<(d0, d1) -> (0, 0)>
#map1 = affine_map<(d0, d1) -> (0, 0, 0)>
module attributes {stable_mosaic.version = 14 : i64} {
  func.func @_sc_aggregate(%arg0: i32, %arg1: i32, %arg2: memref<10000x128xf32, #tpu.memory_space<hbm>>, %arg3: memref<2560x128xi32, #tpu.memory_space<hbm>>, %arg4: memref<2560x128xi32, #tpu.memory_space<hbm>>, %arg5: memref<2x10112x128xf32, #tpu.memory_space<hbm>>, %arg6: memref<48x128xi32, #tpu.memory_space<vmem>>, %arg7: memref<48x128xi32, #tpu.memory_space<vmem>>, %arg8: memref<128x128xf32, #tpu.memory_space<vmem>>, %arg9: memref<128x128xf32, #tpu.memory_space<vmem>>, %arg10: memref<10112x128xf32, #tpu.memory_space<vmem_shared>>, %arg11: memref<!tpu.dma_semaphore, #tpu.memory_space<semaphore_mem>>, %arg12: memref<!tpu.dma_semaphore, #tpu.memory_space<semaphore_mem>>, %arg13: memref<!tpu.dma_semaphore, #tpu.memory_space<semaphore_mem>>) attributes {dimension_semantics = [#tpu.dimension_semantics<core_parallel>, #tpu.dimension_semantics<subcore_parallel>], iteration_bounds = array<i64: 2, 16>, scalar_prefetch = 0 : i64, scratch_operands = 8 : i64, tpu.core_type = #tpu.core_type<sc_vector_subcore>, window_params = [{transform_indices = #map}, {transform_indices = #map}, {transform_indices = #map}, {transform_indices = #map1}]} {
    %mul3A = arith.constant 632 : i32
    %mul3A_0 = arith.muli %arg1, %mul3A : i32
    %mul3A_1 = arith.constant 16 : i32
    %mul3A_2 = arith.muli %arg0, %mul3A_1 : i32
    %add3A = arith.addi %mul3A_2, %arg1 : i32
    %mul3A_3 = arith.constant 78 : i32
    %mul3A_4 = arith.muli %mul3A_3, %add3A : i32
    %add3A_5 = arith.constant 7 : i32
    %add3A_6 = arith.addi %add3A, %add3A_5 : i32
    %jit3A = arith.constant 8 : i32
    %div3A = arith.divsi %add3A_6, %jit3A : i32
    %sign3A = arith.constant 0 : i32
    %sign3A_7 = arith.cmpi sgt, %add3A_6, %sign3A : i32
    %sign3A_8 = arith.extui %sign3A_7 : i1 to i32
    %sign3A_9 = arith.constant 0 : i32
    %sign3A_10 = arith.cmpi slt, %add3A_6, %sign3A_9 : i32
    %sign3A_11 = arith.extui %sign3A_10 : i1 to i32
    %sign3A_12 = arith.subi %sign3A_8, %sign3A_11 : i32
    %sign3A_13 = arith.constant 0 : i32
    %sign3A_14 = arith.cmpi sgt, %jit3A, %sign3A_13 : i32
    %sign3A_15 = arith.extui %sign3A_14 : i1 to i32
    %sign3A_16 = arith.constant 0 : i32
    %sign3A_17 = arith.cmpi slt, %jit3A, %sign3A_16 : i32
    %sign3A_18 = arith.extui %sign3A_17 : i1 to i32
    %sign3A_19 = arith.subi %sign3A_15, %sign3A_18 : i32
    %ne3A = arith.cmpi ne, %sign3A_12, %sign3A_19 : i32
    %rem3A = arith.remsi %add3A_6, %jit3A : i32
    %ne3A_20 = arith.constant 0 : i32
    %ne3A_21 = arith.cmpi ne, %rem3A, %ne3A_20 : i32
    %and3A = arith.andi %ne3A, %ne3A_21 : i1
    %sub3A = arith.constant 1 : i32
    %sub3A_22 = arith.subi %div3A, %sub3A : i32
    %select_n3A = arith.select %and3A, %sub3A_22, %div3A : i32
    %add3A_23 = arith.addi %mul3A_4, %select_n3A : i32
    %jit3A_24 = arith.constant 8 : i32
    %eq3A = arith.constant 0 : i32
    %eq3A_25 = arith.cmpi eq, %jit3A_24, %eq3A : i32
    %jit3A_26 = arith.constant 1 : i32
    %select_n3A_27 = arith.select %eq3A_25, %jit3A_26, %jit3A_24 : i32
    %rem3A_28 = arith.remsi %add3A, %select_n3A_27 : i32
    %ne3A_29 = arith.constant 0 : i32
    %ne3A_30 = arith.cmpi ne, %rem3A_28, %ne3A_29 : i32
    %lt3A = arith.constant 0 : i32
    %lt3A_31 = arith.cmpi slt, %rem3A_28, %lt3A : i32
    %lt3A_32 = arith.constant 0 : i32
    %lt3A_33 = arith.cmpi slt, %select_n3A_27, %lt3A_32 : i32
    %ne3A_34 = arith.xori %lt3A_31, %lt3A_33 : i1
    %and3A_35 = arith.andi %ne3A_34, %ne3A_30 : i1
    %add3A_36 = arith.addi %rem3A_28, %select_n3A_27 : i32
    %select_n3A_37 = arith.select %and3A_35, %add3A_36, %rem3A_28 : i32
    %eq3A_38 = arith.constant 0 : i32
    %eq3A_39 = arith.cmpi eq, %select_n3A_37, %eq3A_38 : i32
    %jit3A_40 = arith.constant 1 : i32
    %jit3A_41 = arith.constant 0 : i32
    %select_n3A_42 = arith.select %eq3A_39, %jit3A_40, %jit3A_41 : i32
    %add3A_43 = arith.constant 78 : i32
    %add3A_44 = arith.addi %add3A_43, %select_n3A_42 : i32
    %jit3A_45 = arith.constant 8 : i32
    %div3A_46 = arith.divsi %add3A_23, %jit3A_45 : i32
    %sign3A_47 = arith.constant 0 : i32
    %sign3A_48 = arith.cmpi sgt, %add3A_23, %sign3A_47 : i32
    %sign3A_49 = arith.extui %sign3A_48 : i1 to i32
    %sign3A_50 = arith.constant 0 : i32
    %sign3A_51 = arith.cmpi slt, %add3A_23, %sign3A_50 : i32
    %sign3A_52 = arith.extui %sign3A_51 : i1 to i32
    %sign3A_53 = arith.subi %sign3A_49, %sign3A_52 : i32
    %sign3A_54 = arith.constant 0 : i32
    %sign3A_55 = arith.cmpi sgt, %jit3A_45, %sign3A_54 : i32
    %sign3A_56 = arith.extui %sign3A_55 : i1 to i32
    %sign3A_57 = arith.constant 0 : i32
    %sign3A_58 = arith.cmpi slt, %jit3A_45, %sign3A_57 : i32
    %sign3A_59 = arith.extui %sign3A_58 : i1 to i32
    %sign3A_60 = arith.subi %sign3A_56, %sign3A_59 : i32
    %ne3A_61 = arith.cmpi ne, %sign3A_53, %sign3A_60 : i32
    %rem3A_62 = arith.remsi %add3A_23, %jit3A_45 : i32
    %ne3A_63 = arith.constant 0 : i32
    %ne3A_64 = arith.cmpi ne, %rem3A_62, %ne3A_63 : i32
    %and3A_65 = arith.andi %ne3A_61, %ne3A_64 : i1
    %sub3A_66 = arith.constant 1 : i32
    %sub3A_67 = arith.subi %div3A_46, %sub3A_66 : i32
    %select_n3A_68 = arith.select %and3A_65, %sub3A_67, %div3A_46 : i32
    %mul3A_69 = arith.constant 8 : i32
    %mul3A_70 = arith.muli %select_n3A_68, %mul3A_69 : i32
    %scan3A = arith.constant 0 : i32
    %scan3A_71 = arith.constant 0 : i32
    %scan3A_72 = arith.constant 128 : i32
    %scan3A_73 = arith.addi %scan3A_71, %scan3A_72 : i32
    %scan3A_74 = arith.constant 1 : i32
    scf.for %scan3A_230 = %scan3A_71 to %scan3A_73 step %scan3A_74  : i32 {
      %broadcast_in_dim3A = arith.constant 0.000000e+00 : f32
      %broadcast_in_dim3A_231 = vector.broadcast %broadcast_in_dim3A : f32 to vector<16xf32>
      %swap3A = arith.index_cast %scan3A_230 : i32 to index
      %swap3A_232 = arith.constant 0 : index
      %swap3A_233 = tpu.vector_load %arg8[%swap3A, %swap3A_232] {strides = array<i32>} : memref<128x128xf32, #tpu.memory_space<vmem>>, vector<1x16xf32>,
      %swap3A_234 = vector.shape_cast %swap3A_233 : vector<1x16xf32> to vector<16xf32>
      %swap3A_235 = vector.shape_cast %broadcast_in_dim3A_231 : vector<16xf32> to vector<1x16xf32>
      tpu.vector_store %arg8[%swap3A, %swap3A_232], %swap3A_235 {strides = array<i32>} : memref<128x128xf32, #tpu.memory_space<vmem>>, vector<1x16xf32>,
      %broadcast_in_dim3A_236 = arith.constant 0.000000e+00 : f32
      %broadcast_in_dim3A_237 = vector.broadcast %broadcast_in_dim3A_236 : f32 to vector<16xf32>
      %swap3A_238 = arith.index_cast %scan3A_230 : i32 to index
      %swap3A_239 = arith.constant 16 : index
      %swap3A_240 = tpu.vector_load %arg8[%swap3A_238, %swap3A_239] {strides = array<i32>} : memref<128x128xf32, #tpu.memory_space<vmem>>, vector<1x16xf32>,
      %swap3A_241 = vector.shape_cast %swap3A_240 : vector<1x16xf32> to vector<16xf32>
      %swap3A_242 = vector.shape_cast %broadcast_in_dim3A_237 : vector<16xf32> to vector<1x16xf32>
      tpu.vector_store %arg8[%swap3A_238, %swap3A_239], %swap3A_242 {strides = array<i32>} : memref<128x128xf32, #tpu.memory_space<vmem>>, vector<1x16xf32>,
      %broadcast_in_dim3A_243 = arith.constant 0.000000e+00 : f32
      %broadcast_in_dim3A_244 = vector.broadcast %broadcast_in_dim3A_243 : f32 to vector<16xf32>
      %swap3A_245 = arith.index_cast %scan3A_230 : i32 to index
      %swap3A_246 = arith.constant 32 : index
      %swap3A_247 = tpu.vector_load %arg8[%swap3A_245, %swap3A_246] {strides = array<i32>} : memref<128x128xf32, #tpu.memory_space<vmem>>, vector<1x16xf32>,
      %swap3A_248 = vector.shape_cast %swap3A_247 : vector<1x16xf32> to vector<16xf32>
      %swap3A_249 = vector.shape_cast %broadcast_in_dim3A_244 : vector<16xf32> to vector<1x16xf32>
      tpu.vector_store %arg8[%swap3A_245, %swap3A_246], %swap3A_249 {strides = array<i32>} : memref<128x128xf32, #tpu.memory_space<vmem>>, vector<1x16xf32>,
      %broadcast_in_dim3A_250 = arith.constant 0.000000e+00 : f32
      %broadcast_in_dim3A_251 = vector.broadcast %broadcast_in_dim3A_250 : f32 to vector<16xf32>
      %swap3A_252 = arith.index_cast %scan3A_230 : i32 to index
      %swap3A_253 = arith.constant 48 : index
      %swap3A_254 = tpu.vector_load %arg8[%swap3A_252, %swap3A_253] {strides = array<i32>} : memref<128x128xf32, #tpu.memory_space<vmem>>, vector<1x16xf32>,
      %swap3A_255 = vector.shape_cast %swap3A_254 : vector<1x16xf32> to vector<16xf32>
      %swap3A_256 = vector.shape_cast %broadcast_in_dim3A_251 : vector<16xf32> to vector<1x16xf32>
      tpu.vector_store %arg8[%swap3A_252, %swap3A_253], %swap3A_256 {strides = array<i32>} : memref<128x128xf32, #tpu.memory_space<vmem>>, vector<1x16xf32>,
      %broadcast_in_dim3A_257 = arith.constant 0.000000e+00 : f32
      %broadcast_in_dim3A_258 = vector.broadcast %broadcast_in_dim3A_257 : f32 to vector<16xf32>
      %swap3A_259 = arith.index_cast %scan3A_230 : i32 to index
      %swap3A_260 = arith.constant 64 : index
      %swap3A_261 = tpu.vector_load %arg8[%swap3A_259, %swap3A_260] {strides = array<i32>} : memref<128x128xf32, #tpu.memory_space<vmem>>, vector<1x16xf32>,
      %swap3A_262 = vector.shape_cast %swap3A_261 : vector<1x16xf32> to vector<16xf32>
      %swap3A_263 = vector.shape_cast %broadcast_in_dim3A_258 : vector<16xf32> to vector<1x16xf32>
      tpu.vector_store %arg8[%swap3A_259, %swap3A_260], %swap3A_263 {strides = array<i32>} : memref<128x128xf32, #tpu.memory_space<vmem>>, vector<1x16xf32>,
      %broadcast_in_dim3A_264 = arith.constant 0.000000e+00 : f32
      %broadcast_in_dim3A_265 = vector.broadcast %broadcast_in_dim3A_264 : f32 to vector<16xf32>
      %swap3A_266 = arith.index_cast %scan3A_230 : i32 to index
      %swap3A_267 = arith.constant 80 : index
      %swap3A_268 = tpu.vector_load %arg8[%swap3A_266, %swap3A_267] {strides = array<i32>} : memref<128x128xf32, #tpu.memory_space<vmem>>, vector<1x16xf32>,
      %swap3A_269 = vector.shape_cast %swap3A_268 : vector<1x16xf32> to vector<16xf32>
      %swap3A_270 = vector.shape_cast %broadcast_in_dim3A_265 : vector<16xf32> to vector<1x16xf32>
      tpu.vector_store %arg8[%swap3A_266, %swap3A_267], %swap3A_270 {strides = array<i32>} : memref<128x128xf32, #tpu.memory_space<vmem>>, vector<1x16xf32>,
      %broadcast_in_dim3A_271 = arith.constant 0.000000e+00 : f32
      %broadcast_in_dim3A_272 = vector.broadcast %broadcast_in_dim3A_271 : f32 to vector<16xf32>
      %swap3A_273 = arith.index_cast %scan3A_230 : i32 to index
      %swap3A_274 = arith.constant 96 : index
      %swap3A_275 = tpu.vector_load %arg8[%swap3A_273, %swap3A_274] {strides = array<i32>} : memref<128x128xf32, #tpu.memory_space<vmem>>, vector<1x16xf32>,
      %swap3A_276 = vector.shape_cast %swap3A_275 : vector<1x16xf32> to vector<16xf32>
      %swap3A_277 = vector.shape_cast %broadcast_in_dim3A_272 : vector<16xf32> to vector<1x16xf32>
      tpu.vector_store %arg8[%swap3A_273, %swap3A_274], %swap3A_277 {strides = array<i32>} : memref<128x128xf32, #tpu.memory_space<vmem>>, vector<1x16xf32>,
      %broadcast_in_dim3A_278 = arith.constant 0.000000e+00 : f32
      %broadcast_in_dim3A_279 = vector.broadcast %broadcast_in_dim3A_278 : f32 to vector<16xf32>
      %swap3A_280 = arith.index_cast %scan3A_230 : i32 to index
      %swap3A_281 = arith.constant 112 : index
      %swap3A_282 = tpu.vector_load %arg8[%swap3A_280, %swap3A_281] {strides = array<i32>} : memref<128x128xf32, #tpu.memory_space<vmem>>, vector<1x16xf32>,
      %swap3A_283 = vector.shape_cast %swap3A_282 : vector<1x16xf32> to vector<16xf32>
      %swap3A_284 = vector.shape_cast %broadcast_in_dim3A_279 : vector<16xf32> to vector<1x16xf32>
      tpu.vector_store %arg8[%swap3A_280, %swap3A_281], %swap3A_284 {strides = array<i32>} : memref<128x128xf32, #tpu.memory_space<vmem>>, vector<1x16xf32>,
    }
    %scan3A_75 = arith.constant 128 : i32
    %dma_start3A = arith.constant 0 : i32
    %dma_start3A_76 = tpu.memref_slice %arg3[%mul3A_70, %dma_start3A] : memref<2560x128xi32, #tpu.memory_space<hbm>> -> memref<48x128xi32, #tpu.memory_space<hbm>>
    %dma_start3A_77 = arith.constant 0 : i32
    %dma_start3A_78 = tpu.memref_slice %arg3[%mul3A_70, %dma_start3A_77] : memref<2560x128xi32, #tpu.memory_space<hbm>> -> memref<48x128xi32, #tpu.memory_space<hbm>>
    tpu.enqueue_dma source(%dma_start3A_78 : memref<48x128xi32, #tpu.memory_space<hbm>>) target(%arg6 : memref<48x128xi32, #tpu.memory_space<vmem>>) target_semaphore(%arg13 : memref<!tpu.dma_semaphore, #tpu.memory_space<semaphore_mem>>)
    %dma_start3A_79 = arith.constant 0 : i32
    %dma_start3A_80 = tpu.memref_slice %arg4[%mul3A_70, %dma_start3A_79] : memref<2560x128xi32, #tpu.memory_space<hbm>> -> memref<48x128xi32, #tpu.memory_space<hbm>>
    %dma_start3A_81 = arith.constant 0 : i32
    %dma_start3A_82 = tpu.memref_slice %arg4[%mul3A_70, %dma_start3A_81] : memref<2560x128xi32, #tpu.memory_space<hbm>> -> memref<48x128xi32, #tpu.memory_space<hbm>>
    tpu.enqueue_dma source(%dma_start3A_82 : memref<48x128xi32, #tpu.memory_space<hbm>>) target(%arg7 : memref<48x128xi32, #tpu.memory_space<vmem>>) target_semaphore(%arg13 : memref<!tpu.dma_semaphore, #tpu.memory_space<semaphore_mem>>)
    %add3A_83 = arith.constant 0 : i32
    %add3A_84 = arith.addi %mul3A_0, %add3A_83 : i32
    "tpu.region"() ({
      %run_scoped3A = tpu.sem_alloc : memref<!tpu.dma_semaphore, #tpu.memory_space<semaphore_mem>>
      %dma_start3A_230 = arith.constant 0 : i32
      %dma_start3A_231 = tpu.memref_slice %arg10[%add3A_84, %dma_start3A_230] : memref<10112x128xf32, #tpu.memory_space<vmem_shared>> -> memref<128x128xf32, #tpu.memory_space<vmem_shared>>
      %dma_start3A_232 = arith.constant 0 : i32
      %dma_start3A_233 = tpu.memref_slice %arg10[%add3A_84, %dma_start3A_232] : memref<10112x128xf32, #tpu.memory_space<vmem_shared>> -> memref<128x128xf32, #tpu.memory_space<vmem_shared>>
      tpu.enqueue_dma source(%arg8 : memref<128x128xf32, #tpu.memory_space<vmem>>) target(%dma_start3A_233 : memref<128x128xf32, #tpu.memory_space<vmem_shared>>) target_semaphore(%run_scoped3A : memref<!tpu.dma_semaphore, #tpu.memory_space<semaphore_mem>>)
      %dma_wait3A_234 = arith.constant 0 : i32
      %dma_wait3A_235 = tpu.memref_slice %arg10[%add3A_84, %dma_wait3A_234] : memref<10112x128xf32, #tpu.memory_space<vmem_shared>> -> memref<128x128xf32, #tpu.memory_space<vmem_shared>>
      %dma_wait3A_236 = arith.constant 0 : i32
      %dma_wait3A_237 = tpu.memref_slice %arg10[%add3A_84, %dma_wait3A_236] : memref<10112x128xf32, #tpu.memory_space<vmem_shared>> -> memref<128x128xf32, #tpu.memory_space<vmem_shared>>
      tpu.wait_dma2 semaphore(%run_scoped3A : memref<!tpu.dma_semaphore, #tpu.memory_space<semaphore_mem>>) src(%arg8 : memref<128x128xf32, #tpu.memory_space<vmem>>) dst(%dma_wait3A_237 : memref<128x128xf32, #tpu.memory_space<vmem_shared>>)
      tpu.yield
    }) : () -> ()
    %add3A_85 = arith.constant 128 : i32
    %add3A_86 = arith.addi %mul3A_0, %add3A_85 : i32
    "tpu.region"() ({
      %run_scoped3A = tpu.sem_alloc : memref<!tpu.dma_semaphore, #tpu.memory_space<semaphore_mem>>
      %dma_start3A_230 = arith.constant 0 : i32
      %dma_start3A_231 = tpu.memref_slice %arg10[%add3A_86, %dma_start3A_230] : memref<10112x128xf32, #tpu.memory_space<vmem_shared>> -> memref<128x128xf32, #tpu.memory_space<vmem_shared>>
      %dma_start3A_232 = arith.constant 0 : i32
      %dma_start3A_233 = tpu.memref_slice %arg10[%add3A_86, %dma_start3A_232] : memref<10112x128xf32, #tpu.memory_space<vmem_shared>> -> memref<128x128xf32, #tpu.memory_space<vmem_shared>>
      tpu.enqueue_dma source(%arg8 : memref<128x128xf32, #tpu.memory_space<vmem>>) target(%dma_start3A_233 : memref<128x128xf32, #tpu.memory_space<vmem_shared>>) target_semaphore(%run_scoped3A : memref<!tpu.dma_semaphore, #tpu.memory_space<semaphore_mem>>)
      %dma_wait3A_234 = arith.constant 0 : i32
      %dma_wait3A_235 = tpu.memref_slice %arg10[%add3A_86, %dma_wait3A_234] : memref<10112x128xf32, #tpu.memory_space<vmem_shared>> -> memref<128x128xf32, #tpu.memory_space<vmem_shared>>
      %dma_wait3A_236 = arith.constant 0 : i32
      %dma_wait3A_237 = tpu.memref_slice %arg10[%add3A_86, %dma_wait3A_236] : memref<10112x128xf32, #tpu.memory_space<vmem_shared>> -> memref<128x128xf32, #tpu.memory_space<vmem_shared>>
      tpu.wait_dma2 semaphore(%run_scoped3A : memref<!tpu.dma_semaphore, #tpu.memory_space<semaphore_mem>>) src(%arg8 : memref<128x128xf32, #tpu.memory_space<vmem>>) dst(%dma_wait3A_237 : memref<128x128xf32, #tpu.memory_space<vmem_shared>>)
      tpu.yield
    }) : () -> ()
    %add3A_87 = arith.constant 256 : i32
    %add3A_88 = arith.addi %mul3A_0, %add3A_87 : i32
    "tpu.region"() ({
      %run_scoped3A = tpu.sem_alloc : memref<!tpu.dma_semaphore, #tpu.memory_space<semaphore_mem>>
      %dma_start3A_230 = arith.constant 0 : i32
      %dma_start3A_231 = tpu.memref_slice %arg10[%add3A_88, %dma_start3A_230] : memref<10112x128xf32, #tpu.memory_space<vmem_shared>> -> memref<128x128xf32, #tpu.memory_space<vmem_shared>>
      %dma_start3A_232 = arith.constant 0 : i32
      %dma_start3A_233 = tpu.memref_slice %arg10[%add3A_88, %dma_start3A_232] : memref<10112x128xf32, #tpu.memory_space<vmem_shared>> -> memref<128x128xf32, #tpu.memory_space<vmem_shared>>
      tpu.enqueue_dma source(%arg8 : memref<128x128xf32, #tpu.memory_space<vmem>>) target(%dma_start3A_233 : memref<128x128xf32, #tpu.memory_space<vmem_shared>>) target_semaphore(%run_scoped3A : memref<!tpu.dma_semaphore, #tpu.memory_space<semaphore_mem>>)
      %dma_wait3A_234 = arith.constant 0 : i32
      %dma_wait3A_235 = tpu.memref_slice %arg10[%add3A_88, %dma_wait3A_234] : memref<10112x128xf32, #tpu.memory_space<vmem_shared>> -> memref<128x128xf32, #tpu.memory_space<vmem_shared>>
      %dma_wait3A_236 = arith.constant 0 : i32
      %dma_wait3A_237 = tpu.memref_slice %arg10[%add3A_88, %dma_wait3A_236] : memref<10112x128xf32, #tpu.memory_space<vmem_shared>> -> memref<128x128xf32, #tpu.memory_space<vmem_shared>>
      tpu.wait_dma2 semaphore(%run_scoped3A : memref<!tpu.dma_semaphore, #tpu.memory_space<semaphore_mem>>) src(%arg8 : memref<128x128xf32, #tpu.memory_space<vmem>>) dst(%dma_wait3A_237 : memref<128x128xf32, #tpu.memory_space<vmem_shared>>)
      tpu.yield
    }) : () -> ()
    %add3A_89 = arith.constant 384 : i32
    %add3A_90 = arith.addi %mul3A_0, %add3A_89 : i32
    "tpu.region"() ({
      %run_scoped3A = tpu.sem_alloc : memref<!tpu.dma_semaphore, #tpu.memory_space<semaphore_mem>>
      %dma_start3A_230 = arith.constant 0 : i32
      %dma_start3A_231 = tpu.memref_slice %arg10[%add3A_90, %dma_start3A_230] : memref<10112x128xf32, #tpu.memory_space<vmem_shared>> -> memref<128x128xf32, #tpu.memory_space<vmem_shared>>
      %dma_start3A_232 = arith.constant 0 : i32
      %dma_start3A_233 = tpu.memref_slice %arg10[%add3A_90, %dma_start3A_232] : memref<10112x128xf32, #tpu.memory_space<vmem_shared>> -> memref<128x128xf32, #tpu.memory_space<vmem_shared>>
      tpu.enqueue_dma source(%arg8 : memref<128x128xf32, #tpu.memory_space<vmem>>) target(%dma_start3A_233 : memref<128x128xf32, #tpu.memory_space<vmem_shared>>) target_semaphore(%run_scoped3A : memref<!tpu.dma_semaphore, #tpu.memory_space<semaphore_mem>>)
      %dma_wait3A_234 = arith.constant 0 : i32
      %dma_wait3A_235 = tpu.memref_slice %arg10[%add3A_90, %dma_wait3A_234] : memref<10112x128xf32, #tpu.memory_space<vmem_shared>> -> memref<128x128xf32, #tpu.memory_space<vmem_shared>>
      %dma_wait3A_236 = arith.constant 0 : i32
      %dma_wait3A_237 = tpu.memref_slice %arg10[%add3A_90, %dma_wait3A_236] : memref<10112x128xf32, #tpu.memory_space<vmem_shared>> -> memref<128x128xf32, #tpu.memory_space<vmem_shared>>
      tpu.wait_dma2 semaphore(%run_scoped3A : memref<!tpu.dma_semaphore, #tpu.memory_space<semaphore_mem>>) src(%arg8 : memref<128x128xf32, #tpu.memory_space<vmem>>) dst(%dma_wait3A_237 : memref<128x128xf32, #tpu.memory_space<vmem_shared>>)
      tpu.yield
    }) : () -> ()
    %add3A_91 = arith.constant 632 : i32
    %add3A_92 = arith.addi %mul3A_0, %add3A_91 : i32
    %sub3A_93 = arith.constant 120 : i32
    %sub3A_94 = arith.subi %add3A_92, %sub3A_93 : i32
    "tpu.region"() ({
      %run_scoped3A = tpu.sem_alloc : memref<!tpu.dma_semaphore, #tpu.memory_space<semaphore_mem>>
      %dma_start3A_230 = arith.constant 0 : i32
      %dma_start3A_231 = arith.constant 0 : i32
      %dma_start3A_232 = tpu.memref_slice %arg8[%dma_start3A_230, %dma_start3A_231] : memref<128x128xf32, #tpu.memory_space<vmem>> -> memref<120x128xf32, #tpu.memory_space<vmem>>
      %dma_start3A_233 = arith.constant 0 : i32
      %dma_start3A_234 = tpu.memref_slice %arg10[%sub3A_94, %dma_start3A_233] : memref<10112x128xf32, #tpu.memory_space<vmem_shared>> -> memref<120x128xf32, #tpu.memory_space<vmem_shared>>
      %dma_start3A_235 = arith.constant 0 : i32
      %dma_start3A_236 = tpu.memref_slice %arg10[%sub3A_94, %dma_start3A_235] : memref<10112x128xf32, #tpu.memory_space<vmem_shared>> -> memref<120x128xf32, #tpu.memory_space<vmem_shared>>
      %dma_start3A_237 = arith.constant 0 : i32
      %dma_start3A_238 = arith.constant 0 : i32
      %dma_start3A_239 = tpu.memref_slice %arg8[%dma_start3A_237, %dma_start3A_238] : memref<128x128xf32, #tpu.memory_space<vmem>> -> memref<120x128xf32, #tpu.memory_space<vmem>>
      tpu.enqueue_dma source(%dma_start3A_239 : memref<120x128xf32, #tpu.memory_space<vmem>>) target(%dma_start3A_236 : memref<120x128xf32, #tpu.memory_space<vmem_shared>>) target_semaphore(%run_scoped3A : memref<!tpu.dma_semaphore, #tpu.memory_space<semaphore_mem>>)
      %dma_wait3A_240 = arith.constant 0 : i32
      %dma_wait3A_241 = arith.constant 0 : i32
      %dma_wait3A_242 = tpu.memref_slice %arg8[%dma_wait3A_240, %dma_wait3A_241] : memref<128x128xf32, #tpu.memory_space<vmem>> -> memref<120x128xf32, #tpu.memory_space<vmem>>
      %dma_wait3A_243 = arith.constant 0 : i32
      %dma_wait3A_244 = tpu.memref_slice %arg10[%sub3A_94, %dma_wait3A_243] : memref<10112x128xf32, #tpu.memory_space<vmem_shared>> -> memref<120x128xf32, #tpu.memory_space<vmem_shared>>
      %dma_wait3A_245 = arith.constant 0 : i32
      %dma_wait3A_246 = tpu.memref_slice %arg10[%sub3A_94, %dma_wait3A_245] : memref<10112x128xf32, #tpu.memory_space<vmem_shared>> -> memref<120x128xf32, #tpu.memory_space<vmem_shared>>
      %dma_wait3A_247 = arith.constant 0 : i32
      %dma_wait3A_248 = arith.constant 0 : i32
      %dma_wait3A_249 = tpu.memref_slice %arg8[%dma_wait3A_247, %dma_wait3A_248] : memref<128x128xf32, #tpu.memory_space<vmem>> -> memref<120x128xf32, #tpu.memory_space<vmem>>
      tpu.wait_dma2 semaphore(%run_scoped3A : memref<!tpu.dma_semaphore, #tpu.memory_space<semaphore_mem>>) src(%dma_wait3A_249 : memref<120x128xf32, #tpu.memory_space<vmem>>) dst(%dma_wait3A_246 : memref<120x128xf32, #tpu.memory_space<vmem_shared>>)
      tpu.yield
    }) : () -> ()
    %barrier3A = arith.constant 0 : index
    tpu.barrier barrier_id(%barrier3A)
    %dma_wait3A = arith.constant 0 : i32
    %dma_wait3A_95 = tpu.memref_slice %arg3[%mul3A_70, %dma_wait3A] : memref<2560x128xi32, #tpu.memory_space<hbm>> -> memref<48x128xi32, #tpu.memory_space<hbm>>
    %dma_wait3A_96 = arith.constant 0 : i32
    %dma_wait3A_97 = tpu.memref_slice %arg3[%mul3A_70, %dma_wait3A_96] : memref<2560x128xi32, #tpu.memory_space<hbm>> -> memref<48x128xi32, #tpu.memory_space<hbm>>
    tpu.wait_dma2 semaphore(%arg13 : memref<!tpu.dma_semaphore, #tpu.memory_space<semaphore_mem>>) src(%dma_wait3A_97 : memref<48x128xi32, #tpu.memory_space<hbm>>) dst(%arg6 : memref<48x128xi32, #tpu.memory_space<vmem>>)
    %dma_wait3A_98 = arith.constant 0 : i32
    %dma_wait3A_99 = tpu.memref_slice %arg4[%mul3A_70, %dma_wait3A_98] : memref<2560x128xi32, #tpu.memory_space<hbm>> -> memref<48x128xi32, #tpu.memory_space<hbm>>
    %dma_wait3A_100 = arith.constant 0 : i32
    %dma_wait3A_101 = tpu.memref_slice %arg4[%mul3A_70, %dma_wait3A_100] : memref<2560x128xi32, #tpu.memory_space<hbm>> -> memref<48x128xi32, #tpu.memory_space<hbm>>
    tpu.wait_dma2 semaphore(%arg13 : memref<!tpu.dma_semaphore, #tpu.memory_space<semaphore_mem>>) src(%dma_wait3A_101 : memref<48x128xi32, #tpu.memory_space<hbm>>) dst(%arg7 : memref<48x128xi32, #tpu.memory_space<vmem>>)
    %jit3A_102 = arith.constant 8 : i32
    %div3A_103 = arith.divsi %add3A_23, %jit3A_102 : i32
    %sign3A_104 = arith.constant 0 : i32
    %sign3A_105 = arith.cmpi sgt, %add3A_23, %sign3A_104 : i32
    %sign3A_106 = arith.extui %sign3A_105 : i1 to i32
    %sign3A_107 = arith.constant 0 : i32
    %sign3A_108 = arith.cmpi slt, %add3A_23, %sign3A_107 : i32
    %sign3A_109 = arith.extui %sign3A_108 : i1 to i32
    %sign3A_110 = arith.subi %sign3A_106, %sign3A_109 : i32
    %sign3A_111 = arith.constant 0 : i32
    %sign3A_112 = arith.cmpi sgt, %jit3A_102, %sign3A_111 : i32
    %sign3A_113 = arith.extui %sign3A_112 : i1 to i32
    %sign3A_114 = arith.constant 0 : i32
    %sign3A_115 = arith.cmpi slt, %jit3A_102, %sign3A_114 : i32
    %sign3A_116 = arith.extui %sign3A_115 : i1 to i32
    %sign3A_117 = arith.subi %sign3A_113, %sign3A_116 : i32
    %ne3A_118 = arith.cmpi ne, %sign3A_110, %sign3A_117 : i32
    %rem3A_119 = arith.remsi %add3A_23, %jit3A_102 : i32
    %ne3A_120 = arith.constant 0 : i32
    %ne3A_121 = arith.cmpi ne, %rem3A_119, %ne3A_120 : i32
    %and3A_122 = arith.andi %ne3A_118, %ne3A_121 : i1
    %sub3A_123 = arith.constant 1 : i32
    %sub3A_124 = arith.subi %div3A_103, %sub3A_123 : i32
    %select_n3A_125 = arith.select %and3A_122, %sub3A_124, %div3A_103 : i32
    %mul3A_126 = arith.constant 8 : i32
    %mul3A_127 = arith.muli %select_n3A_125, %mul3A_126 : i32
    %sub3A_128 = arith.subi %add3A_23, %mul3A_127 : i32
    %dma_start3A_129 = arith.constant 0 : i32
    %dma_start3A_130 = tpu.memref_slice %arg6[%sub3A_128, %dma_start3A_129] : memref<48x128xi32, #tpu.memory_space<vmem>> -> memref<1x128xi32, #tpu.memory_space<vmem>>
    %dma_start3A_131 = tpu.memref_squeeze %dma_start3A_130 : memref<1x128xi32, #tpu.memory_space<vmem>> -> memref<128xi32, #tpu.memory_space<vmem>>
    %dma_start3A_132 = arith.constant 0 : i32
    %dma_start3A_133 = arith.constant 0 : i32
    %dma_start3A_134 = tpu.memref_slice %arg2[%dma_start3A_132, %dma_start3A_133] : memref<10000x128xf32, #tpu.memory_space<hbm>> -> memref<10000x128xf32, #tpu.memory_space<hbm>>
    tpu.enqueue_indirect_dma source(%dma_start3A_134 : memref<10000x128xf32, #tpu.memory_space<hbm>>) target(%arg8 : memref<128x128xf32, #tpu.memory_space<vmem>>) offsets(%dma_start3A_131 : memref<128xi32, #tpu.memory_space<vmem>>) semaphore(%arg11 : memref<!tpu.dma_semaphore, #tpu.memory_space<semaphore_mem>>)
    %add3A_135 = arith.constant 1 : i32
    %add3A_136 = arith.addi %sub3A_128, %add3A_135 : i32
    %dma_start3A_137 = arith.constant 0 : i32
    %dma_start3A_138 = tpu.memref_slice %arg6[%add3A_136, %dma_start3A_137] : memref<48x128xi32, #tpu.memory_space<vmem>> -> memref<1x128xi32, #tpu.memory_space<vmem>>
    %dma_start3A_139 = tpu.memref_squeeze %dma_start3A_138 : memref<1x128xi32, #tpu.memory_space<vmem>> -> memref<128xi32, #tpu.memory_space<vmem>>
    %dma_start3A_140 = arith.constant 0 : i32
    %dma_start3A_141 = arith.constant 0 : i32
    %dma_start3A_142 = tpu.memref_slice %arg2[%dma_start3A_140, %dma_start3A_141] : memref<10000x128xf32, #tpu.memory_space<hbm>> -> memref<10000x128xf32, #tpu.memory_space<hbm>>
    tpu.enqueue_indirect_dma source(%dma_start3A_142 : memref<10000x128xf32, #tpu.memory_space<hbm>>) target(%arg9 : memref<128x128xf32, #tpu.memory_space<vmem>>) offsets(%dma_start3A_139 : memref<128xi32, #tpu.memory_space<vmem>>) semaphore(%arg12 : memref<!tpu.dma_semaphore, #tpu.memory_space<semaphore_mem>>)
    %scan3A_143 = arith.constant 0 : i32
    %scan3A_144 = arith.constant 0 : i32
    %scan3A_145 = arith.constant 20 : i32
    %scan3A_146 = arith.addi %scan3A_144, %scan3A_145 : i32
    %scan3A_147 = arith.constant 1 : i32
    scf.for %scan3A_230 = %scan3A_144 to %scan3A_146 step %scan3A_147  : i32 {
      %mul3A_231 = arith.constant 2 : i32
      %mul3A_232 = arith.muli %mul3A_231, %scan3A_230 : i32
      %add3A_233 = arith.constant 0 : i32
      %add3A_234 = arith.addi %mul3A_232, %add3A_233 : i32
      %lt3A_235 = arith.constant 40 : i32
      %lt3A_236 = arith.cmpi slt, %add3A_234, %lt3A_235 : i32
      %convert_element_type3A = arith.extui %lt3A_236 : i1 to i32
      %cond3A = arith.constant 0 : i32
      %cond3A_237 = arith.cmpi ne, %convert_element_type3A, %cond3A : i32
      scf.if %cond3A_237 {
        %add3A_245 = arith.addi %sub3A_128, %add3A_234 : i32
        %dma_wait3A_246 = arith.constant 0 : i32
        %dma_wait3A_247 = tpu.memref_slice %arg6[%add3A_245, %dma_wait3A_246] : memref<48x128xi32, #tpu.memory_space<vmem>> -> memref<1x128xi32, #tpu.memory_space<vmem>>
        %dma_wait3A_248 = tpu.memref_squeeze %dma_wait3A_247 : memref<1x128xi32, #tpu.memory_space<vmem>> -> memref<128xi32, #tpu.memory_space<vmem>>
        %dma_wait3A_249 = arith.constant 0 : i32
        %dma_wait3A_250 = arith.constant 0 : i32
        %dma_wait3A_251 = tpu.memref_slice %arg2[%dma_wait3A_249, %dma_wait3A_250] : memref<10000x128xf32, #tpu.memory_space<hbm>> -> memref<10000x128xf32, #tpu.memory_space<hbm>>
        tpu.wait_indirect_dma semaphore(%arg11 : memref<!tpu.dma_semaphore, #tpu.memory_space<semaphore_mem>>) src(%dma_wait3A_251 : memref<10000x128xf32, #tpu.memory_space<hbm>>) dst(%arg8 : memref<128x128xf32, #tpu.memory_space<vmem>>)
        %add3A_252 = arith.addi %sub3A_128, %add3A_234 : i32
        "tpu.region"() ({
          %run_scoped3A = tpu.sem_alloc : memref<!tpu.dma_semaphore, #tpu.memory_space<semaphore_mem>>
          %dma_start3A_260 = arith.constant 0 : i32
          %dma_start3A_261 = tpu.memref_slice %arg7[%add3A_252, %dma_start3A_260] : memref<48x128xi32, #tpu.memory_space<vmem>> -> memref<1x128xi32, #tpu.memory_space<vmem>>
          %dma_start3A_262 = tpu.memref_squeeze %dma_start3A_261 : memref<1x128xi32, #tpu.memory_space<vmem>> -> memref<128xi32, #tpu.memory_space<vmem>>
          %dma_start3A_263 = arith.constant 0 : i32
          %dma_start3A_264 = arith.constant 0 : i32
          %dma_start3A_265 = tpu.memref_slice %arg10[%dma_start3A_263, %dma_start3A_264] : memref<10112x128xf32, #tpu.memory_space<vmem_shared>> -> memref<10112x128xf32, #tpu.memory_space<vmem_shared>>
          tpu.enqueue_indirect_dma source(%arg8 : memref<128x128xf32, #tpu.memory_space<vmem>>) target(%dma_start3A_265 : memref<10112x128xf32, #tpu.memory_space<vmem_shared>>) offsets(%dma_start3A_262 : memref<128xi32, #tpu.memory_space<vmem>>) semaphore(%run_scoped3A : memref<!tpu.dma_semaphore, #tpu.memory_space<semaphore_mem>>) {add = true}
          %dma_wait3A_266 = arith.constant 0 : i32
          %dma_wait3A_267 = tpu.memref_slice %arg7[%add3A_252, %dma_wait3A_266] : memref<48x128xi32, #tpu.memory_space<vmem>> -> memref<1x128xi32, #tpu.memory_space<vmem>>
          %dma_wait3A_268 = tpu.memref_squeeze %dma_wait3A_267 : memref<1x128xi32, #tpu.memory_space<vmem>> -> memref<128xi32, #tpu.memory_space<vmem>>
          %dma_wait3A_269 = arith.constant 0 : i32
          %dma_wait3A_270 = arith.constant 0 : i32
          %dma_wait3A_271 = tpu.memref_slice %arg10[%dma_wait3A_269, %dma_wait3A_270] : memref<10112x128xf32, #tpu.memory_space<vmem_shared>> -> memref<10112x128xf32, #tpu.memory_space<vmem_shared>>
          tpu.wait_indirect_dma semaphore(%run_scoped3A : memref<!tpu.dma_semaphore, #tpu.memory_space<semaphore_mem>>) src(%arg8 : memref<128x128xf32, #tpu.memory_space<vmem>>) dst(%dma_wait3A_271 : memref<10112x128xf32, #tpu.memory_space<vmem_shared>>)
          tpu.yield
        }) : () -> ()
        %add3A_253 = arith.constant 2 : i32
        %add3A_254 = arith.addi %add3A_234, %add3A_253 : i32
        %lt3A_255 = arith.constant 40 : i32
        %lt3A_256 = arith.cmpi slt, %add3A_254, %lt3A_255 : i32
        %convert_element_type3A_257 = arith.extui %lt3A_256 : i1 to i32
        %cond3A_258 = arith.constant 0 : i32
        %cond3A_259 = arith.cmpi ne, %convert_element_type3A_257, %cond3A_258 : i32
        scf.if %cond3A_259 {
          %add3A_260 = arith.addi %sub3A_128, %add3A_234 : i32
          %add3A_261 = arith.constant 2 : i32
          %add3A_262 = arith.addi %add3A_260, %add3A_261 : i32
          %dma_start3A_263 = arith.constant 0 : i32
          %dma_start3A_264 = tpu.memref_slice %arg6[%add3A_262, %dma_start3A_263] : memref<48x128xi32, #tpu.memory_space<vmem>> -> memref<1x128xi32, #tpu.memory_space<vmem>>
          %dma_start3A_265 = tpu.memref_squeeze %dma_start3A_264 : memref<1x128xi32, #tpu.memory_space<vmem>> -> memref<128xi32, #tpu.memory_space<vmem>>
          %dma_start3A_266 = arith.constant 0 : i32
          %dma_start3A_267 = arith.constant 0 : i32
          %dma_start3A_268 = tpu.memref_slice %arg2[%dma_start3A_266, %dma_start3A_267] : memref<10000x128xf32, #tpu.memory_space<hbm>> -> memref<10000x128xf32, #tpu.memory_space<hbm>>
          tpu.enqueue_indirect_dma source(%dma_start3A_268 : memref<10000x128xf32, #tpu.memory_space<hbm>>) target(%arg8 : memref<128x128xf32, #tpu.memory_space<vmem>>) offsets(%dma_start3A_265 : memref<128xi32, #tpu.memory_space<vmem>>) semaphore(%arg11 : memref<!tpu.dma_semaphore, #tpu.memory_space<semaphore_mem>>)
        } else {
        }
      } else {
      }
      %add3A_238 = arith.constant 1 : i32
      %add3A_239 = arith.addi %mul3A_232, %add3A_238 : i32
      %lt3A_240 = arith.constant 40 : i32
      %lt3A_241 = arith.cmpi slt, %add3A_239, %lt3A_240 : i32
      %convert_element_type3A_242 = arith.extui %lt3A_241 : i1 to i32
      %cond3A_243 = arith.constant 0 : i32
      %cond3A_244 = arith.cmpi ne, %convert_element_type3A_242, %cond3A_243 : i32
      scf.if %cond3A_244 {
        %add3A_245 = arith.addi %sub3A_128, %add3A_239 : i32
        %dma_wait3A_246 = arith.constant 0 : i32
        %dma_wait3A_247 = tpu.memref_slice %arg6[%add3A_245, %dma_wait3A_246] : memref<48x128xi32, #tpu.memory_space<vmem>> -> memref<1x128xi32, #tpu.memory_space<vmem>>
        %dma_wait3A_248 = tpu.memref_squeeze %dma_wait3A_247 : memref<1x128xi32, #tpu.memory_space<vmem>> -> memref<128xi32, #tpu.memory_space<vmem>>
        %dma_wait3A_249 = arith.constant 0 : i32
        %dma_wait3A_250 = arith.constant 0 : i32
        %dma_wait3A_251 = tpu.memref_slice %arg2[%dma_wait3A_249, %dma_wait3A_250] : memref<10000x128xf32, #tpu.memory_space<hbm>> -> memref<10000x128xf32, #tpu.memory_space<hbm>>
        tpu.wait_indirect_dma semaphore(%arg12 : memref<!tpu.dma_semaphore, #tpu.memory_space<semaphore_mem>>) src(%dma_wait3A_251 : memref<10000x128xf32, #tpu.memory_space<hbm>>) dst(%arg9 : memref<128x128xf32, #tpu.memory_space<vmem>>)
        %add3A_252 = arith.addi %sub3A_128, %add3A_239 : i32
        "tpu.region"() ({
          %run_scoped3A = tpu.sem_alloc : memref<!tpu.dma_semaphore, #tpu.memory_space<semaphore_mem>>
          %dma_start3A_260 = arith.constant 0 : i32
          %dma_start3A_261 = tpu.memref_slice %arg7[%add3A_252, %dma_start3A_260] : memref<48x128xi32, #tpu.memory_space<vmem>> -> memref<1x128xi32, #tpu.memory_space<vmem>>
          %dma_start3A_262 = tpu.memref_squeeze %dma_start3A_261 : memref<1x128xi32, #tpu.memory_space<vmem>> -> memref<128xi32, #tpu.memory_space<vmem>>
          %dma_start3A_263 = arith.constant 0 : i32
          %dma_start3A_264 = arith.constant 0 : i32
          %dma_start3A_265 = tpu.memref_slice %arg10[%dma_start3A_263, %dma_start3A_264] : memref<10112x128xf32, #tpu.memory_space<vmem_shared>> -> memref<10112x128xf32, #tpu.memory_space<vmem_shared>>
          tpu.enqueue_indirect_dma source(%arg9 : memref<128x128xf32, #tpu.memory_space<vmem>>) target(%dma_start3A_265 : memref<10112x128xf32, #tpu.memory_space<vmem_shared>>) offsets(%dma_start3A_262 : memref<128xi32, #tpu.memory_space<vmem>>) semaphore(%run_scoped3A : memref<!tpu.dma_semaphore, #tpu.memory_space<semaphore_mem>>) {add = true}
          %dma_wait3A_266 = arith.constant 0 : i32
          %dma_wait3A_267 = tpu.memref_slice %arg7[%add3A_252, %dma_wait3A_266] : memref<48x128xi32, #tpu.memory_space<vmem>> -> memref<1x128xi32, #tpu.memory_space<vmem>>
          %dma_wait3A_268 = tpu.memref_squeeze %dma_wait3A_267 : memref<1x128xi32, #tpu.memory_space<vmem>> -> memref<128xi32, #tpu.memory_space<vmem>>
          %dma_wait3A_269 = arith.constant 0 : i32
          %dma_wait3A_270 = arith.constant 0 : i32
          %dma_wait3A_271 = tpu.memref_slice %arg10[%dma_wait3A_269, %dma_wait3A_270] : memref<10112x128xf32, #tpu.memory_space<vmem_shared>> -> memref<10112x128xf32, #tpu.memory_space<vmem_shared>>
          tpu.wait_indirect_dma semaphore(%run_scoped3A : memref<!tpu.dma_semaphore, #tpu.memory_space<semaphore_mem>>) src(%arg9 : memref<128x128xf32, #tpu.memory_space<vmem>>) dst(%dma_wait3A_271 : memref<10112x128xf32, #tpu.memory_space<vmem_shared>>)
          tpu.yield
        }) : () -> ()
        %add3A_253 = arith.constant 2 : i32
        %add3A_254 = arith.addi %add3A_239, %add3A_253 : i32
        %lt3A_255 = arith.constant 40 : i32
        %lt3A_256 = arith.cmpi slt, %add3A_254, %lt3A_255 : i32
        %convert_element_type3A_257 = arith.extui %lt3A_256 : i1 to i32
        %cond3A_258 = arith.constant 0 : i32
        %cond3A_259 = arith.cmpi ne, %convert_element_type3A_257, %cond3A_258 : i32
        scf.if %cond3A_259 {
          %add3A_260 = arith.addi %sub3A_128, %add3A_239 : i32
          %add3A_261 = arith.constant 2 : i32
          %add3A_262 = arith.addi %add3A_260, %add3A_261 : i32
          %dma_start3A_263 = arith.constant 0 : i32
          %dma_start3A_264 = tpu.memref_slice %arg6[%add3A_262, %dma_start3A_263] : memref<48x128xi32, #tpu.memory_space<vmem>> -> memref<1x128xi32, #tpu.memory_space<vmem>>
          %dma_start3A_265 = tpu.memref_squeeze %dma_start3A_264 : memref<1x128xi32, #tpu.memory_space<vmem>> -> memref<128xi32, #tpu.memory_space<vmem>>
          %dma_start3A_266 = arith.constant 0 : i32
          %dma_start3A_267 = arith.constant 0 : i32
          %dma_start3A_268 = tpu.memref_slice %arg2[%dma_start3A_266, %dma_start3A_267] : memref<10000x128xf32, #tpu.memory_space<hbm>> -> memref<10000x128xf32, #tpu.memory_space<hbm>>
          tpu.enqueue_indirect_dma source(%dma_start3A_268 : memref<10000x128xf32, #tpu.memory_space<hbm>>) target(%arg9 : memref<128x128xf32, #tpu.memory_space<vmem>>) offsets(%dma_start3A_265 : memref<128xi32, #tpu.memory_space<vmem>>) semaphore(%arg12 : memref<!tpu.dma_semaphore, #tpu.memory_space<semaphore_mem>>)
        } else {
        }
      } else {
      }
    }
    %scan3A_148 = arith.constant 20 : i32
    %add3A_149 = arith.constant 40 : i32
    %add3A_150 = arith.addi %add3A_23, %add3A_149 : i32
    %sub3A_151 = arith.constant 40 : i32
    %sub3A_152 = arith.subi %add3A_44, %sub3A_151 : i32
    %jit3A_153 = arith.constant 8 : i32
    %div3A_154 = arith.divsi %add3A_150, %jit3A_153 : i32
    %sign3A_155 = arith.constant 0 : i32
    %sign3A_156 = arith.cmpi sgt, %add3A_150, %sign3A_155 : i32
    %sign3A_157 = arith.extui %sign3A_156 : i1 to i32
    %sign3A_158 = arith.constant 0 : i32
    %sign3A_159 = arith.cmpi slt, %add3A_150, %sign3A_158 : i32
    %sign3A_160 = arith.extui %sign3A_159 : i1 to i32
    %sign3A_161 = arith.subi %sign3A_157, %sign3A_160 : i32
    %sign3A_162 = arith.constant 0 : i32
    %sign3A_163 = arith.cmpi sgt, %jit3A_153, %sign3A_162 : i32
    %sign3A_164 = arith.extui %sign3A_163 : i1 to i32
    %sign3A_165 = arith.constant 0 : i32
    %sign3A_166 = arith.cmpi slt, %jit3A_153, %sign3A_165 : i32
    %sign3A_167 = arith.extui %sign3A_166 : i1 to i32
    %sign3A_168 = arith.subi %sign3A_164, %sign3A_167 : i32
    %ne3A_169 = arith.cmpi ne, %sign3A_161, %sign3A_168 : i32
    %rem3A_170 = arith.remsi %add3A_150, %jit3A_153 : i32
    %ne3A_171 = arith.constant 0 : i32
    %ne3A_172 = arith.cmpi ne, %rem3A_170, %ne3A_171 : i32
    %and3A_173 = arith.andi %ne3A_169, %ne3A_172 : i1
    %sub3A_174 = arith.constant 1 : i32
    %sub3A_175 = arith.subi %div3A_154, %sub3A_174 : i32
    %select_n3A_176 = arith.select %and3A_173, %sub3A_175, %div3A_154 : i32
    %mul3A_177 = arith.constant 8 : i32
    %mul3A_178 = arith.muli %select_n3A_176, %mul3A_177 : i32
    %sub3A_179 = arith.subi %add3A_150, %mul3A_178 : i32
    "tpu.region"() ({
      %run_scoped3A = tpu.sem_alloc : memref<!tpu.dma_semaphore, #tpu.memory_space<semaphore_mem>>
      %dma_start3A_230 = arith.constant 0 : i32
      %dma_start3A_231 = tpu.memref_slice %arg3[%mul3A_178, %dma_start3A_230] : memref<2560x128xi32, #tpu.memory_space<hbm>> -> memref<48x128xi32, #tpu.memory_space<hbm>>
      %dma_start3A_232 = arith.constant 0 : i32
      %dma_start3A_233 = tpu.memref_slice %arg3[%mul3A_178, %dma_start3A_232] : memref<2560x128xi32, #tpu.memory_space<hbm>> -> memref<48x128xi32, #tpu.memory_space<hbm>>
      tpu.enqueue_dma source(%dma_start3A_233 : memref<48x128xi32, #tpu.memory_space<hbm>>) target(%arg6 : memref<48x128xi32, #tpu.memory_space<vmem>>) target_semaphore(%run_scoped3A : memref<!tpu.dma_semaphore, #tpu.memory_space<semaphore_mem>>)
      %dma_wait3A_234 = arith.constant 0 : i32
      %dma_wait3A_235 = tpu.memref_slice %arg3[%mul3A_178, %dma_wait3A_234] : memref<2560x128xi32, #tpu.memory_space<hbm>> -> memref<48x128xi32, #tpu.memory_space<hbm>>
      %dma_wait3A_236 = arith.constant 0 : i32
      %dma_wait3A_237 = tpu.memref_slice %arg3[%mul3A_178, %dma_wait3A_236] : memref<2560x128xi32, #tpu.memory_space<hbm>> -> memref<48x128xi32, #tpu.memory_space<hbm>>
      tpu.wait_dma2 semaphore(%run_scoped3A : memref<!tpu.dma_semaphore, #tpu.memory_space<semaphore_mem>>) src(%dma_wait3A_237 : memref<48x128xi32, #tpu.memory_space<hbm>>) dst(%arg6 : memref<48x128xi32, #tpu.memory_space<vmem>>)
      tpu.yield
    }) : () -> ()
    "tpu.region"() ({
      %run_scoped3A = tpu.sem_alloc : memref<!tpu.dma_semaphore, #tpu.memory_space<semaphore_mem>>
      %dma_start3A_230 = arith.constant 0 : i32
      %dma_start3A_231 = tpu.memref_slice %arg4[%mul3A_178, %dma_start3A_230] : memref<2560x128xi32, #tpu.memory_space<hbm>> -> memref<48x128xi32, #tpu.memory_space<hbm>>
      %dma_start3A_232 = arith.constant 0 : i32
      %dma_start3A_233 = tpu.memref_slice %arg4[%mul3A_178, %dma_start3A_232] : memref<2560x128xi32, #tpu.memory_space<hbm>> -> memref<48x128xi32, #tpu.memory_space<hbm>>
      tpu.enqueue_dma source(%dma_start3A_233 : memref<48x128xi32, #tpu.memory_space<hbm>>) target(%arg7 : memref<48x128xi32, #tpu.memory_space<vmem>>) target_semaphore(%run_scoped3A : memref<!tpu.dma_semaphore, #tpu.memory_space<semaphore_mem>>)
      %dma_wait3A_234 = arith.constant 0 : i32
      %dma_wait3A_235 = tpu.memref_slice %arg4[%mul3A_178, %dma_wait3A_234] : memref<2560x128xi32, #tpu.memory_space<hbm>> -> memref<48x128xi32, #tpu.memory_space<hbm>>
      %dma_wait3A_236 = arith.constant 0 : i32
      %dma_wait3A_237 = tpu.memref_slice %arg4[%mul3A_178, %dma_wait3A_236] : memref<2560x128xi32, #tpu.memory_space<hbm>> -> memref<48x128xi32, #tpu.memory_space<hbm>>
      tpu.wait_dma2 semaphore(%run_scoped3A : memref<!tpu.dma_semaphore, #tpu.memory_space<semaphore_mem>>) src(%dma_wait3A_237 : memref<48x128xi32, #tpu.memory_space<hbm>>) dst(%arg7 : memref<48x128xi32, #tpu.memory_space<vmem>>)
      tpu.yield
    }) : () -> ()
    %dma_start3A_180 = arith.constant 0 : i32
    %dma_start3A_181 = tpu.memref_slice %arg6[%sub3A_179, %dma_start3A_180] : memref<48x128xi32, #tpu.memory_space<vmem>> -> memref<1x128xi32, #tpu.memory_space<vmem>>
    %dma_start3A_182 = tpu.memref_squeeze %dma_start3A_181 : memref<1x128xi32, #tpu.memory_space<vmem>> -> memref<128xi32, #tpu.memory_space<vmem>>
    %dma_start3A_183 = arith.constant 0 : i32
    %dma_start3A_184 = arith.constant 0 : i32
    %dma_start3A_185 = tpu.memref_slice %arg2[%dma_start3A_183, %dma_start3A_184] : memref<10000x128xf32, #tpu.memory_space<hbm>> -> memref<10000x128xf32, #tpu.memory_space<hbm>>
    tpu.enqueue_indirect_dma source(%dma_start3A_185 : memref<10000x128xf32, #tpu.memory_space<hbm>>) target(%arg8 : memref<128x128xf32, #tpu.memory_space<vmem>>) offsets(%dma_start3A_182 : memref<128xi32, #tpu.memory_space<vmem>>) semaphore(%arg11 : memref<!tpu.dma_semaphore, #tpu.memory_space<semaphore_mem>>)
    %add3A_186 = arith.constant 1 : i32
    %add3A_187 = arith.addi %sub3A_179, %add3A_186 : i32
    %dma_start3A_188 = arith.constant 0 : i32
    %dma_start3A_189 = tpu.memref_slice %arg6[%add3A_187, %dma_start3A_188] : memref<48x128xi32, #tpu.memory_space<vmem>> -> memref<1x128xi32, #tpu.memory_space<vmem>>
    %dma_start3A_190 = tpu.memref_squeeze %dma_start3A_189 : memref<1x128xi32, #tpu.memory_space<vmem>> -> memref<128xi32, #tpu.memory_space<vmem>>
    %dma_start3A_191 = arith.constant 0 : i32
    %dma_start3A_192 = arith.constant 0 : i32
    %dma_start3A_193 = tpu.memref_slice %arg2[%dma_start3A_191, %dma_start3A_192] : memref<10000x128xf32, #tpu.memory_space<hbm>> -> memref<10000x128xf32, #tpu.memory_space<hbm>>
    tpu.enqueue_indirect_dma source(%dma_start3A_193 : memref<10000x128xf32, #tpu.memory_space<hbm>>) target(%arg9 : memref<128x128xf32, #tpu.memory_space<vmem>>) offsets(%dma_start3A_190 : memref<128xi32, #tpu.memory_space<vmem>>) semaphore(%arg12 : memref<!tpu.dma_semaphore, #tpu.memory_space<semaphore_mem>>)
    %add3A_194 = arith.constant 1 : i32
    %add3A_195 = arith.addi %sub3A_152, %add3A_194 : i32
    %jit3A_196 = arith.constant 2 : i32
    %div3A_197 = arith.divsi %add3A_195, %jit3A_196 : i32
    %sign3A_198 = arith.constant 0 : i32
    %sign3A_199 = arith.cmpi sgt, %add3A_195, %sign3A_198 : i32
    %sign3A_200 = arith.extui %sign3A_199 : i1 to i32
    %sign3A_201 = arith.constant 0 : i32
    %sign3A_202 = arith.cmpi slt, %add3A_195, %sign3A_201 : i32
    %sign3A_203 = arith.extui %sign3A_202 : i1 to i32
    %sign3A_204 = arith.subi %sign3A_200, %sign3A_203 : i32
    %sign3A_205 = arith.constant 0 : i32
    %sign3A_206 = arith.cmpi sgt, %jit3A_196, %sign3A_205 : i32
    %sign3A_207 = arith.extui %sign3A_206 : i1 to i32
    %sign3A_208 = arith.constant 0 : i32
    %sign3A_209 = arith.cmpi slt, %jit3A_196, %sign3A_208 : i32
    %sign3A_210 = arith.extui %sign3A_209 : i1 to i32
    %sign3A_211 = arith.subi %sign3A_207, %sign3A_210 : i32
    %ne3A_212 = arith.cmpi ne, %sign3A_204, %sign3A_211 : i32
    %rem3A_213 = arith.remsi %add3A_195, %jit3A_196 : i32
    %ne3A_214 = arith.constant 0 : i32
    %ne3A_215 = arith.cmpi ne, %rem3A_213, %ne3A_214 : i32
    %and3A_216 = arith.andi %ne3A_212, %ne3A_215 : i1
    %sub3A_217 = arith.constant 1 : i32
    %sub3A_218 = arith.subi %div3A_197, %sub3A_217 : i32
    %select_n3A_219 = arith.select %and3A_216, %sub3A_218, %div3A_197 : i32
    %while3A = arith.constant 0 : i32
    %while3A_220 = arith.constant 0 : i32
    %while3A_221 = arith.subi %select_n3A_219, %while3A_220 : i32
    %while3A_222 = arith.addi %while3A_220, %while3A_221 : i32
    %while3A_223 = arith.constant 1 : i32
    %while3A_224 = arith.divsi %while3A_221, %while3A_223 : i32
    %while3A_225 = arith.muli %while3A_224, %while3A_223 : i32
    %while3A_226 = arith.addi %while3A_220, %while3A_225 : i32
    %while3A_227 = arith.constant 1 : i32
    scf.for %while3A_230 = %while3A_220 to %while3A_226 step %while3A_227  : i32 {
      %mul3A_231 = arith.constant 2 : i32
      %mul3A_232 = arith.muli %mul3A_231, %while3A_230 : i32
      %add3A_233 = arith.constant 0 : i32
      %add3A_234 = arith.addi %mul3A_232, %add3A_233 : i32
      %lt3A_235 = arith.cmpi slt, %add3A_234, %sub3A_152 : i32
      %convert_element_type3A = arith.extui %lt3A_235 : i1 to i32
      %cond3A = arith.constant 0 : i32
      %cond3A_236 = arith.cmpi ne, %convert_element_type3A, %cond3A : i32
      scf.if %cond3A_236 {
        %add3A_243 = arith.addi %sub3A_179, %add3A_234 : i32
        %dma_wait3A_244 = arith.constant 0 : i32
        %dma_wait3A_245 = tpu.memref_slice %arg6[%add3A_243, %dma_wait3A_244] : memref<48x128xi32, #tpu.memory_space<vmem>> -> memref<1x128xi32, #tpu.memory_space<vmem>>
        %dma_wait3A_246 = tpu.memref_squeeze %dma_wait3A_245 : memref<1x128xi32, #tpu.memory_space<vmem>> -> memref<128xi32, #tpu.memory_space<vmem>>
        %dma_wait3A_247 = arith.constant 0 : i32
        %dma_wait3A_248 = arith.constant 0 : i32
        %dma_wait3A_249 = tpu.memref_slice %arg2[%dma_wait3A_247, %dma_wait3A_248] : memref<10000x128xf32, #tpu.memory_space<hbm>> -> memref<10000x128xf32, #tpu.memory_space<hbm>>
        tpu.wait_indirect_dma semaphore(%arg11 : memref<!tpu.dma_semaphore, #tpu.memory_space<semaphore_mem>>) src(%dma_wait3A_249 : memref<10000x128xf32, #tpu.memory_space<hbm>>) dst(%arg8 : memref<128x128xf32, #tpu.memory_space<vmem>>)
        %add3A_250 = arith.addi %sub3A_179, %add3A_234 : i32
        "tpu.region"() ({
          %run_scoped3A = tpu.sem_alloc : memref<!tpu.dma_semaphore, #tpu.memory_space<semaphore_mem>>
          %dma_start3A_257 = arith.constant 0 : i32
          %dma_start3A_258 = tpu.memref_slice %arg7[%add3A_250, %dma_start3A_257] : memref<48x128xi32, #tpu.memory_space<vmem>> -> memref<1x128xi32, #tpu.memory_space<vmem>>
          %dma_start3A_259 = tpu.memref_squeeze %dma_start3A_258 : memref<1x128xi32, #tpu.memory_space<vmem>> -> memref<128xi32, #tpu.memory_space<vmem>>
          %dma_start3A_260 = arith.constant 0 : i32
          %dma_start3A_261 = arith.constant 0 : i32
          %dma_start3A_262 = tpu.memref_slice %arg10[%dma_start3A_260, %dma_start3A_261] : memref<10112x128xf32, #tpu.memory_space<vmem_shared>> -> memref<10112x128xf32, #tpu.memory_space<vmem_shared>>
          tpu.enqueue_indirect_dma source(%arg8 : memref<128x128xf32, #tpu.memory_space<vmem>>) target(%dma_start3A_262 : memref<10112x128xf32, #tpu.memory_space<vmem_shared>>) offsets(%dma_start3A_259 : memref<128xi32, #tpu.memory_space<vmem>>) semaphore(%run_scoped3A : memref<!tpu.dma_semaphore, #tpu.memory_space<semaphore_mem>>) {add = true}
          %dma_wait3A_263 = arith.constant 0 : i32
          %dma_wait3A_264 = tpu.memref_slice %arg7[%add3A_250, %dma_wait3A_263] : memref<48x128xi32, #tpu.memory_space<vmem>> -> memref<1x128xi32, #tpu.memory_space<vmem>>
          %dma_wait3A_265 = tpu.memref_squeeze %dma_wait3A_264 : memref<1x128xi32, #tpu.memory_space<vmem>> -> memref<128xi32, #tpu.memory_space<vmem>>
          %dma_wait3A_266 = arith.constant 0 : i32
          %dma_wait3A_267 = arith.constant 0 : i32
          %dma_wait3A_268 = tpu.memref_slice %arg10[%dma_wait3A_266, %dma_wait3A_267] : memref<10112x128xf32, #tpu.memory_space<vmem_shared>> -> memref<10112x128xf32, #tpu.memory_space<vmem_shared>>
          tpu.wait_indirect_dma semaphore(%run_scoped3A : memref<!tpu.dma_semaphore, #tpu.memory_space<semaphore_mem>>) src(%arg8 : memref<128x128xf32, #tpu.memory_space<vmem>>) dst(%dma_wait3A_268 : memref<10112x128xf32, #tpu.memory_space<vmem_shared>>)
          tpu.yield
        }) : () -> ()
        %add3A_251 = arith.constant 2 : i32
        %add3A_252 = arith.addi %add3A_234, %add3A_251 : i32
        %lt3A_253 = arith.cmpi slt, %add3A_252, %sub3A_152 : i32
        %convert_element_type3A_254 = arith.extui %lt3A_253 : i1 to i32
        %cond3A_255 = arith.constant 0 : i32
        %cond3A_256 = arith.cmpi ne, %convert_element_type3A_254, %cond3A_255 : i32
        scf.if %cond3A_256 {
          %add3A_257 = arith.addi %sub3A_179, %add3A_234 : i32
          %add3A_258 = arith.constant 2 : i32
          %add3A_259 = arith.addi %add3A_257, %add3A_258 : i32
          %dma_start3A_260 = arith.constant 0 : i32
          %dma_start3A_261 = tpu.memref_slice %arg6[%add3A_259, %dma_start3A_260] : memref<48x128xi32, #tpu.memory_space<vmem>> -> memref<1x128xi32, #tpu.memory_space<vmem>>
          %dma_start3A_262 = tpu.memref_squeeze %dma_start3A_261 : memref<1x128xi32, #tpu.memory_space<vmem>> -> memref<128xi32, #tpu.memory_space<vmem>>
          %dma_start3A_263 = arith.constant 0 : i32
          %dma_start3A_264 = arith.constant 0 : i32
          %dma_start3A_265 = tpu.memref_slice %arg2[%dma_start3A_263, %dma_start3A_264] : memref<10000x128xf32, #tpu.memory_space<hbm>> -> memref<10000x128xf32, #tpu.memory_space<hbm>>
          tpu.enqueue_indirect_dma source(%dma_start3A_265 : memref<10000x128xf32, #tpu.memory_space<hbm>>) target(%arg8 : memref<128x128xf32, #tpu.memory_space<vmem>>) offsets(%dma_start3A_262 : memref<128xi32, #tpu.memory_space<vmem>>) semaphore(%arg11 : memref<!tpu.dma_semaphore, #tpu.memory_space<semaphore_mem>>)
        } else {
        }
      } else {
      }
      %add3A_237 = arith.constant 1 : i32
      %add3A_238 = arith.addi %mul3A_232, %add3A_237 : i32
      %lt3A_239 = arith.cmpi slt, %add3A_238, %sub3A_152 : i32
      %convert_element_type3A_240 = arith.extui %lt3A_239 : i1 to i32
      %cond3A_241 = arith.constant 0 : i32
      %cond3A_242 = arith.cmpi ne, %convert_element_type3A_240, %cond3A_241 : i32
      scf.if %cond3A_242 {
        %add3A_243 = arith.addi %sub3A_179, %add3A_238 : i32
        %dma_wait3A_244 = arith.constant 0 : i32
        %dma_wait3A_245 = tpu.memref_slice %arg6[%add3A_243, %dma_wait3A_244] : memref<48x128xi32, #tpu.memory_space<vmem>> -> memref<1x128xi32, #tpu.memory_space<vmem>>
        %dma_wait3A_246 = tpu.memref_squeeze %dma_wait3A_245 : memref<1x128xi32, #tpu.memory_space<vmem>> -> memref<128xi32, #tpu.memory_space<vmem>>
        %dma_wait3A_247 = arith.constant 0 : i32
        %dma_wait3A_248 = arith.constant 0 : i32
        %dma_wait3A_249 = tpu.memref_slice %arg2[%dma_wait3A_247, %dma_wait3A_248] : memref<10000x128xf32, #tpu.memory_space<hbm>> -> memref<10000x128xf32, #tpu.memory_space<hbm>>
        tpu.wait_indirect_dma semaphore(%arg12 : memref<!tpu.dma_semaphore, #tpu.memory_space<semaphore_mem>>) src(%dma_wait3A_249 : memref<10000x128xf32, #tpu.memory_space<hbm>>) dst(%arg9 : memref<128x128xf32, #tpu.memory_space<vmem>>)
        %add3A_250 = arith.addi %sub3A_179, %add3A_238 : i32
        "tpu.region"() ({
          %run_scoped3A = tpu.sem_alloc : memref<!tpu.dma_semaphore, #tpu.memory_space<semaphore_mem>>
          %dma_start3A_257 = arith.constant 0 : i32
          %dma_start3A_258 = tpu.memref_slice %arg7[%add3A_250, %dma_start3A_257] : memref<48x128xi32, #tpu.memory_space<vmem>> -> memref<1x128xi32, #tpu.memory_space<vmem>>
          %dma_start3A_259 = tpu.memref_squeeze %dma_start3A_258 : memref<1x128xi32, #tpu.memory_space<vmem>> -> memref<128xi32, #tpu.memory_space<vmem>>
          %dma_start3A_260 = arith.constant 0 : i32
          %dma_start3A_261 = arith.constant 0 : i32
          %dma_start3A_262 = tpu.memref_slice %arg10[%dma_start3A_260, %dma_start3A_261] : memref<10112x128xf32, #tpu.memory_space<vmem_shared>> -> memref<10112x128xf32, #tpu.memory_space<vmem_shared>>
          tpu.enqueue_indirect_dma source(%arg9 : memref<128x128xf32, #tpu.memory_space<vmem>>) target(%dma_start3A_262 : memref<10112x128xf32, #tpu.memory_space<vmem_shared>>) offsets(%dma_start3A_259 : memref<128xi32, #tpu.memory_space<vmem>>) semaphore(%run_scoped3A : memref<!tpu.dma_semaphore, #tpu.memory_space<semaphore_mem>>) {add = true}
          %dma_wait3A_263 = arith.constant 0 : i32
          %dma_wait3A_264 = tpu.memref_slice %arg7[%add3A_250, %dma_wait3A_263] : memref<48x128xi32, #tpu.memory_space<vmem>> -> memref<1x128xi32, #tpu.memory_space<vmem>>
          %dma_wait3A_265 = tpu.memref_squeeze %dma_wait3A_264 : memref<1x128xi32, #tpu.memory_space<vmem>> -> memref<128xi32, #tpu.memory_space<vmem>>
          %dma_wait3A_266 = arith.constant 0 : i32
          %dma_wait3A_267 = arith.constant 0 : i32
          %dma_wait3A_268 = tpu.memref_slice %arg10[%dma_wait3A_266, %dma_wait3A_267] : memref<10112x128xf32, #tpu.memory_space<vmem_shared>> -> memref<10112x128xf32, #tpu.memory_space<vmem_shared>>
          tpu.wait_indirect_dma semaphore(%run_scoped3A : memref<!tpu.dma_semaphore, #tpu.memory_space<semaphore_mem>>) src(%arg9 : memref<128x128xf32, #tpu.memory_space<vmem>>) dst(%dma_wait3A_268 : memref<10112x128xf32, #tpu.memory_space<vmem_shared>>)
          tpu.yield
        }) : () -> ()
        %add3A_251 = arith.constant 2 : i32
        %add3A_252 = arith.addi %add3A_238, %add3A_251 : i32
        %lt3A_253 = arith.cmpi slt, %add3A_252, %sub3A_152 : i32
        %convert_element_type3A_254 = arith.extui %lt3A_253 : i1 to i32
        %cond3A_255 = arith.constant 0 : i32
        %cond3A_256 = arith.cmpi ne, %convert_element_type3A_254, %cond3A_255 : i32
        scf.if %cond3A_256 {
          %add3A_257 = arith.addi %sub3A_179, %add3A_238 : i32
          %add3A_258 = arith.constant 2 : i32
          %add3A_259 = arith.addi %add3A_257, %add3A_258 : i32
          %dma_start3A_260 = arith.constant 0 : i32
          %dma_start3A_261 = tpu.memref_slice %arg6[%add3A_259, %dma_start3A_260] : memref<48x128xi32, #tpu.memory_space<vmem>> -> memref<1x128xi32, #tpu.memory_space<vmem>>
          %dma_start3A_262 = tpu.memref_squeeze %dma_start3A_261 : memref<1x128xi32, #tpu.memory_space<vmem>> -> memref<128xi32, #tpu.memory_space<vmem>>
          %dma_start3A_263 = arith.constant 0 : i32
          %dma_start3A_264 = arith.constant 0 : i32
          %dma_start3A_265 = tpu.memref_slice %arg2[%dma_start3A_263, %dma_start3A_264] : memref<10000x128xf32, #tpu.memory_space<hbm>> -> memref<10000x128xf32, #tpu.memory_space<hbm>>
          tpu.enqueue_indirect_dma source(%dma_start3A_265 : memref<10000x128xf32, #tpu.memory_space<hbm>>) target(%arg9 : memref<128x128xf32, #tpu.memory_space<vmem>>) offsets(%dma_start3A_262 : memref<128xi32, #tpu.memory_space<vmem>>) semaphore(%arg12 : memref<!tpu.dma_semaphore, #tpu.memory_space<semaphore_mem>>)
        } else {
        }
      } else {
      }
    }
    %while3A_228 = arith.constant 1 : i32
    scf.for %while3A_230 = %while3A_226 to %while3A_222 step %while3A_228  : i32 {
      %mul3A_231 = arith.constant 2 : i32
      %mul3A_232 = arith.muli %mul3A_231, %while3A_230 : i32
      %add3A_233 = arith.constant 0 : i32
      %add3A_234 = arith.addi %mul3A_232, %add3A_233 : i32
      %lt3A_235 = arith.cmpi slt, %add3A_234, %sub3A_152 : i32
      %convert_element_type3A = arith.extui %lt3A_235 : i1 to i32
      %cond3A = arith.constant 0 : i32
      %cond3A_236 = arith.cmpi ne, %convert_element_type3A, %cond3A : i32
      scf.if %cond3A_236 {
        %add3A_243 = arith.addi %sub3A_179, %add3A_234 : i32
        %dma_wait3A_244 = arith.constant 0 : i32
        %dma_wait3A_245 = tpu.memref_slice %arg6[%add3A_243, %dma_wait3A_244] : memref<48x128xi32, #tpu.memory_space<vmem>> -> memref<1x128xi32, #tpu.memory_space<vmem>>
        %dma_wait3A_246 = tpu.memref_squeeze %dma_wait3A_245 : memref<1x128xi32, #tpu.memory_space<vmem>> -> memref<128xi32, #tpu.memory_space<vmem>>
        %dma_wait3A_247 = arith.constant 0 : i32
        %dma_wait3A_248 = arith.constant 0 : i32
        %dma_wait3A_249 = tpu.memref_slice %arg2[%dma_wait3A_247, %dma_wait3A_248] : memref<10000x128xf32, #tpu.memory_space<hbm>> -> memref<10000x128xf32, #tpu.memory_space<hbm>>
        tpu.wait_indirect_dma semaphore(%arg11 : memref<!tpu.dma_semaphore, #tpu.memory_space<semaphore_mem>>) src(%dma_wait3A_249 : memref<10000x128xf32, #tpu.memory_space<hbm>>) dst(%arg8 : memref<128x128xf32, #tpu.memory_space<vmem>>)
        %add3A_250 = arith.addi %sub3A_179, %add3A_234 : i32
        "tpu.region"() ({
          %run_scoped3A = tpu.sem_alloc : memref<!tpu.dma_semaphore, #tpu.memory_space<semaphore_mem>>
          %dma_start3A_257 = arith.constant 0 : i32
          %dma_start3A_258 = tpu.memref_slice %arg7[%add3A_250, %dma_start3A_257] : memref<48x128xi32, #tpu.memory_space<vmem>> -> memref<1x128xi32, #tpu.memory_space<vmem>>
          %dma_start3A_259 = tpu.memref_squeeze %dma_start3A_258 : memref<1x128xi32, #tpu.memory_space<vmem>> -> memref<128xi32, #tpu.memory_space<vmem>>
          %dma_start3A_260 = arith.constant 0 : i32
          %dma_start3A_261 = arith.constant 0 : i32
          %dma_start3A_262 = tpu.memref_slice %arg10[%dma_start3A_260, %dma_start3A_261] : memref<10112x128xf32, #tpu.memory_space<vmem_shared>> -> memref<10112x128xf32, #tpu.memory_space<vmem_shared>>
          tpu.enqueue_indirect_dma source(%arg8 : memref<128x128xf32, #tpu.memory_space<vmem>>) target(%dma_start3A_262 : memref<10112x128xf32, #tpu.memory_space<vmem_shared>>) offsets(%dma_start3A_259 : memref<128xi32, #tpu.memory_space<vmem>>) semaphore(%run_scoped3A : memref<!tpu.dma_semaphore, #tpu.memory_space<semaphore_mem>>) {add = true}
          %dma_wait3A_263 = arith.constant 0 : i32
          %dma_wait3A_264 = tpu.memref_slice %arg7[%add3A_250, %dma_wait3A_263] : memref<48x128xi32, #tpu.memory_space<vmem>> -> memref<1x128xi32, #tpu.memory_space<vmem>>
          %dma_wait3A_265 = tpu.memref_squeeze %dma_wait3A_264 : memref<1x128xi32, #tpu.memory_space<vmem>> -> memref<128xi32, #tpu.memory_space<vmem>>
          %dma_wait3A_266 = arith.constant 0 : i32
          %dma_wait3A_267 = arith.constant 0 : i32
          %dma_wait3A_268 = tpu.memref_slice %arg10[%dma_wait3A_266, %dma_wait3A_267] : memref<10112x128xf32, #tpu.memory_space<vmem_shared>> -> memref<10112x128xf32, #tpu.memory_space<vmem_shared>>
          tpu.wait_indirect_dma semaphore(%run_scoped3A : memref<!tpu.dma_semaphore, #tpu.memory_space<semaphore_mem>>) src(%arg8 : memref<128x128xf32, #tpu.memory_space<vmem>>) dst(%dma_wait3A_268 : memref<10112x128xf32, #tpu.memory_space<vmem_shared>>)
          tpu.yield
        }) : () -> ()
        %add3A_251 = arith.constant 2 : i32
        %add3A_252 = arith.addi %add3A_234, %add3A_251 : i32
        %lt3A_253 = arith.cmpi slt, %add3A_252, %sub3A_152 : i32
        %convert_element_type3A_254 = arith.extui %lt3A_253 : i1 to i32
        %cond3A_255 = arith.constant 0 : i32
        %cond3A_256 = arith.cmpi ne, %convert_element_type3A_254, %cond3A_255 : i32
        scf.if %cond3A_256 {
          %add3A_257 = arith.addi %sub3A_179, %add3A_234 : i32
          %add3A_258 = arith.constant 2 : i32
          %add3A_259 = arith.addi %add3A_257, %add3A_258 : i32
          %dma_start3A_260 = arith.constant 0 : i32
          %dma_start3A_261 = tpu.memref_slice %arg6[%add3A_259, %dma_start3A_260] : memref<48x128xi32, #tpu.memory_space<vmem>> -> memref<1x128xi32, #tpu.memory_space<vmem>>
          %dma_start3A_262 = tpu.memref_squeeze %dma_start3A_261 : memref<1x128xi32, #tpu.memory_space<vmem>> -> memref<128xi32, #tpu.memory_space<vmem>>
          %dma_start3A_263 = arith.constant 0 : i32
          %dma_start3A_264 = arith.constant 0 : i32
          %dma_start3A_265 = tpu.memref_slice %arg2[%dma_start3A_263, %dma_start3A_264] : memref<10000x128xf32, #tpu.memory_space<hbm>> -> memref<10000x128xf32, #tpu.memory_space<hbm>>
          tpu.enqueue_indirect_dma source(%dma_start3A_265 : memref<10000x128xf32, #tpu.memory_space<hbm>>) target(%arg8 : memref<128x128xf32, #tpu.memory_space<vmem>>) offsets(%dma_start3A_262 : memref<128xi32, #tpu.memory_space<vmem>>) semaphore(%arg11 : memref<!tpu.dma_semaphore, #tpu.memory_space<semaphore_mem>>)
        } else {
        }
      } else {
      }
      %add3A_237 = arith.constant 1 : i32
      %add3A_238 = arith.addi %mul3A_232, %add3A_237 : i32
      %lt3A_239 = arith.cmpi slt, %add3A_238, %sub3A_152 : i32
      %convert_element_type3A_240 = arith.extui %lt3A_239 : i1 to i32
      %cond3A_241 = arith.constant 0 : i32
      %cond3A_242 = arith.cmpi ne, %convert_element_type3A_240, %cond3A_241 : i32
      scf.if %cond3A_242 {
        %add3A_243 = arith.addi %sub3A_179, %add3A_238 : i32
        %dma_wait3A_244 = arith.constant 0 : i32
        %dma_wait3A_245 = tpu.memref_slice %arg6[%add3A_243, %dma_wait3A_244] : memref<48x128xi32, #tpu.memory_space<vmem>> -> memref<1x128xi32, #tpu.memory_space<vmem>>
        %dma_wait3A_246 = tpu.memref_squeeze %dma_wait3A_245 : memref<1x128xi32, #tpu.memory_space<vmem>> -> memref<128xi32, #tpu.memory_space<vmem>>
        %dma_wait3A_247 = arith.constant 0 : i32
        %dma_wait3A_248 = arith.constant 0 : i32
        %dma_wait3A_249 = tpu.memref_slice %arg2[%dma_wait3A_247, %dma_wait3A_248] : memref<10000x128xf32, #tpu.memory_space<hbm>> -> memref<10000x128xf32, #tpu.memory_space<hbm>>
        tpu.wait_indirect_dma semaphore(%arg12 : memref<!tpu.dma_semaphore, #tpu.memory_space<semaphore_mem>>) src(%dma_wait3A_249 : memref<10000x128xf32, #tpu.memory_space<hbm>>) dst(%arg9 : memref<128x128xf32, #tpu.memory_space<vmem>>)
        %add3A_250 = arith.addi %sub3A_179, %add3A_238 : i32
        "tpu.region"() ({
          %run_scoped3A = tpu.sem_alloc : memref<!tpu.dma_semaphore, #tpu.memory_space<semaphore_mem>>
          %dma_start3A_257 = arith.constant 0 : i32
          %dma_start3A_258 = tpu.memref_slice %arg7[%add3A_250, %dma_start3A_257] : memref<48x128xi32, #tpu.memory_space<vmem>> -> memref<1x128xi32, #tpu.memory_space<vmem>>
          %dma_start3A_259 = tpu.memref_squeeze %dma_start3A_258 : memref<1x128xi32, #tpu.memory_space<vmem>> -> memref<128xi32, #tpu.memory_space<vmem>>
          %dma_start3A_260 = arith.constant 0 : i32
          %dma_start3A_261 = arith.constant 0 : i32
          %dma_start3A_262 = tpu.memref_slice %arg10[%dma_start3A_260, %dma_start3A_261] : memref<10112x128xf32, #tpu.memory_space<vmem_shared>> -> memref<10112x128xf32, #tpu.memory_space<vmem_shared>>
          tpu.enqueue_indirect_dma source(%arg9 : memref<128x128xf32, #tpu.memory_space<vmem>>) target(%dma_start3A_262 : memref<10112x128xf32, #tpu.memory_space<vmem_shared>>) offsets(%dma_start3A_259 : memref<128xi32, #tpu.memory_space<vmem>>) semaphore(%run_scoped3A : memref<!tpu.dma_semaphore, #tpu.memory_space<semaphore_mem>>) {add = true}
          %dma_wait3A_263 = arith.constant 0 : i32
          %dma_wait3A_264 = tpu.memref_slice %arg7[%add3A_250, %dma_wait3A_263] : memref<48x128xi32, #tpu.memory_space<vmem>> -> memref<1x128xi32, #tpu.memory_space<vmem>>
          %dma_wait3A_265 = tpu.memref_squeeze %dma_wait3A_264 : memref<1x128xi32, #tpu.memory_space<vmem>> -> memref<128xi32, #tpu.memory_space<vmem>>
          %dma_wait3A_266 = arith.constant 0 : i32
          %dma_wait3A_267 = arith.constant 0 : i32
          %dma_wait3A_268 = tpu.memref_slice %arg10[%dma_wait3A_266, %dma_wait3A_267] : memref<10112x128xf32, #tpu.memory_space<vmem_shared>> -> memref<10112x128xf32, #tpu.memory_space<vmem_shared>>
          tpu.wait_indirect_dma semaphore(%run_scoped3A : memref<!tpu.dma_semaphore, #tpu.memory_space<semaphore_mem>>) src(%arg9 : memref<128x128xf32, #tpu.memory_space<vmem>>) dst(%dma_wait3A_268 : memref<10112x128xf32, #tpu.memory_space<vmem_shared>>)
          tpu.yield
        }) : () -> ()
        %add3A_251 = arith.constant 2 : i32
        %add3A_252 = arith.addi %add3A_238, %add3A_251 : i32
        %lt3A_253 = arith.cmpi slt, %add3A_252, %sub3A_152 : i32
        %convert_element_type3A_254 = arith.extui %lt3A_253 : i1 to i32
        %cond3A_255 = arith.constant 0 : i32
        %cond3A_256 = arith.cmpi ne, %convert_element_type3A_254, %cond3A_255 : i32
        scf.if %cond3A_256 {
          %add3A_257 = arith.addi %sub3A_179, %add3A_238 : i32
          %add3A_258 = arith.constant 2 : i32
          %add3A_259 = arith.addi %add3A_257, %add3A_258 : i32
          %dma_start3A_260 = arith.constant 0 : i32
          %dma_start3A_261 = tpu.memref_slice %arg6[%add3A_259, %dma_start3A_260] : memref<48x128xi32, #tpu.memory_space<vmem>> -> memref<1x128xi32, #tpu.memory_space<vmem>>
          %dma_start3A_262 = tpu.memref_squeeze %dma_start3A_261 : memref<1x128xi32, #tpu.memory_space<vmem>> -> memref<128xi32, #tpu.memory_space<vmem>>
          %dma_start3A_263 = arith.constant 0 : i32
          %dma_start3A_264 = arith.constant 0 : i32
          %dma_start3A_265 = tpu.memref_slice %arg2[%dma_start3A_263, %dma_start3A_264] : memref<10000x128xf32, #tpu.memory_space<hbm>> -> memref<10000x128xf32, #tpu.memory_space<hbm>>
          tpu.enqueue_indirect_dma source(%dma_start3A_265 : memref<10000x128xf32, #tpu.memory_space<hbm>>) target(%arg9 : memref<128x128xf32, #tpu.memory_space<vmem>>) offsets(%dma_start3A_262 : memref<128xi32, #tpu.memory_space<vmem>>) semaphore(%arg12 : memref<!tpu.dma_semaphore, #tpu.memory_space<semaphore_mem>>)
        } else {
        }
      } else {
      }
    }
    %barrier3A_229 = arith.constant 0 : index
    tpu.barrier barrier_id(%barrier3A_229)
    "tpu.region"() ({
      %run_scoped3A = tpu.sem_alloc : memref<!tpu.dma_semaphore, #tpu.memory_space<semaphore_mem>>
      %dma_start3A_230 = arith.constant 0 : i32
      %dma_start3A_231 = arith.constant 0 : i32
      %dma_start3A_232 = tpu.memref_slice %arg5[%arg0, %dma_start3A_230, %dma_start3A_231] : memref<2x10112x128xf32, #tpu.memory_space<hbm>> -> memref<1x10112x128xf32, #tpu.memory_space<hbm>>
      %dma_start3A_233 = tpu.memref_squeeze %dma_start3A_232 : memref<1x10112x128xf32, #tpu.memory_space<hbm>> -> memref<10112x128xf32, #tpu.memory_space<hbm>>
      %dma_start3A_234 = arith.constant 0 : i32
      %dma_start3A_235 = tpu.memref_slice %dma_start3A_233[%mul3A_0, %dma_start3A_234] : memref<10112x128xf32, #tpu.memory_space<hbm>> -> memref<632x128xf32, #tpu.memory_space<hbm>>
      %dma_start3A_236 = arith.constant 0 : i32
      %dma_start3A_237 = tpu.memref_slice %arg10[%mul3A_0, %dma_start3A_236] : memref<10112x128xf32, #tpu.memory_space<vmem_shared>> -> memref<632x128xf32, #tpu.memory_space<vmem_shared>>
      tpu.enqueue_dma source(%dma_start3A_237 : memref<632x128xf32, #tpu.memory_space<vmem_shared>>) target(%dma_start3A_235 : memref<632x128xf32, #tpu.memory_space<hbm>>) target_semaphore(%run_scoped3A : memref<!tpu.dma_semaphore, #tpu.memory_space<semaphore_mem>>)
      %dma_wait3A_238 = arith.constant 0 : i32
      %dma_wait3A_239 = arith.constant 0 : i32
      %dma_wait3A_240 = tpu.memref_slice %arg5[%arg0, %dma_wait3A_238, %dma_wait3A_239] : memref<2x10112x128xf32, #tpu.memory_space<hbm>> -> memref<1x10112x128xf32, #tpu.memory_space<hbm>>
      %dma_wait3A_241 = tpu.memref_squeeze %dma_wait3A_240 : memref<1x10112x128xf32, #tpu.memory_space<hbm>> -> memref<10112x128xf32, #tpu.memory_space<hbm>>
      %dma_wait3A_242 = arith.constant 0 : i32
      %dma_wait3A_243 = tpu.memref_slice %dma_wait3A_241[%mul3A_0, %dma_wait3A_242] : memref<10112x128xf32, #tpu.memory_space<hbm>> -> memref<632x128xf32, #tpu.memory_space<hbm>>
      %dma_wait3A_244 = arith.constant 0 : i32
      %dma_wait3A_245 = tpu.memref_slice %arg10[%mul3A_0, %dma_wait3A_244] : memref<10112x128xf32, #tpu.memory_space<vmem_shared>> -> memref<632x128xf32, #tpu.memory_space<vmem_shared>>
      tpu.wait_dma2 semaphore(%run_scoped3A : memref<!tpu.dma_semaphore, #tpu.memory_space<semaphore_mem>>) src(%dma_wait3A_245 : memref<632x128xf32, #tpu.memory_space<vmem_shared>>) dst(%dma_wait3A_243 : memref<632x128xf32, #tpu.memory_space<hbm>>)
      tpu.yield
    }) : () -> ()
    return
  }
}

#map = affine_map<(d0, d1) -> (0, 0)>
#map1 = affine_map<(d0, d1) -> (0, 0, 0)>
module attributes {stable_mosaic.version = 14 : i64} {
  func.func @_sc_aggregate(%arg0: i32, %arg1: i32, %arg2: memref<10000x128xf32, #tpu.memory_space<hbm>>, %arg3: memref<2560x128xi32, #tpu.memory_space<hbm>>, %arg4: memref<2560x128xi32, #tpu.memory_space<hbm>>, %arg5: memref<2x10112x128xf32, #tpu.memory_space<hbm>>, %arg6: memref<48x128xi32, #tpu.memory_space<vmem>>, %arg7: memref<48x128xi32, #tpu.memory_space<vmem>>, %arg8: memref<128x128xf32, #tpu.memory_space<vmem>>, %arg9: memref<128x128xf32, #tpu.memory_space<vmem>>, %arg10: memref<10112x128xf32, #tpu.memory_space<vmem_shared>>, %arg11: memref<!tpu.dma_semaphore, #tpu.memory_space<semaphore_mem>>, %arg12: memref<!tpu.dma_semaphore, #tpu.memory_space<semaphore_mem>>, %arg13: memref<!tpu.dma_semaphore, #tpu.memory_space<semaphore_mem>>) attributes {dimension_semantics = [#tpu.dimension_semantics<core_parallel>, #tpu.dimension_semantics<subcore_parallel>], iteration_bounds = array<i64: 2, 16>, scalar_prefetch = 0 : i64, scratch_operands = 8 : i64, tpu.core_type = #tpu.core_type<sc_vector_subcore>, window_params = [{transform_indices = #map}, {transform_indices = #map}, {transform_indices = #map}, {transform_indices = #map1}]} {
    %mul3A = arith.constant 632 : i32
    %mul3A_0 = arith.muli %arg1, %mul3A : i32
    %mul3A_1 = arith.constant 16 : i32
    %mul3A_2 = arith.muli %arg0, %mul3A_1 : i32
    %add3A = arith.addi %mul3A_2, %arg1 : i32
    %mul3A_3 = arith.constant 78 : i32
    %mul3A_4 = arith.muli %mul3A_3, %add3A : i32
    %add3A_5 = arith.constant 7 : i32
    %add3A_6 = arith.addi %add3A, %add3A_5 : i32
    %jit3A = arith.constant 8 : i32
    %div3A = arith.divsi %add3A_6, %jit3A : i32
    %sign3A = arith.constant 0 : i32
    %sign3A_7 = arith.cmpi sgt, %add3A_6, %sign3A : i32
    %sign3A_8 = arith.extui %sign3A_7 : i1 to i32
    %sign3A_9 = arith.constant 0 : i32
    %sign3A_10 = arith.cmpi slt, %add3A_6, %sign3A_9 : i32
    %sign3A_11 = arith.extui %sign3A_10 : i1 to i32
    %sign3A_12 = arith.subi %sign3A_8, %sign3A_11 : i32
    %sign3A_13 = arith.constant 0 : i32
    %sign3A_14 = arith.cmpi sgt, %jit3A, %sign3A_13 : i32
    %sign3A_15 = arith.extui %sign3A_14 : i1 to i32
    %sign3A_16 = arith.constant 0 : i32
    %sign3A_17 = arith.cmpi slt, %jit3A, %sign3A_16 : i32
    %sign3A_18 = arith.extui %sign3A_17 : i1 to i32
    %sign3A_19 = arith.subi %sign3A_15, %sign3A_18 : i32
    %ne3A = arith.cmpi ne, %sign3A_12, %sign3A_19 : i32
    %rem3A = arith.remsi %add3A_6, %jit3A : i32
    %ne3A_20 = arith.constant 0 : i32
    %ne3A_21 = arith.cmpi ne, %rem3A, %ne3A_20 : i32
    %and3A = arith.andi %ne3A, %ne3A_21 : i1
    %sub3A = arith.constant 1 : i32
    %sub3A_22 = arith.subi %div3A, %sub3A : i32
    %select_n3A = arith.select %and3A, %sub3A_22, %div3A : i32
    %add3A_23 = arith.addi %mul3A_4, %select_n3A : i32
    %jit3A_24 = arith.constant 8 : i32
    %eq3A = arith.constant 0 : i32
    %eq3A_25 = arith.cmpi eq, %jit3A_24, %eq3A : i32
    %jit3A_26 = arith.constant 1 : i32
    %select_n3A_27 = arith.select %eq3A_25, %jit3A_26, %jit3A_24 : i32
    %rem3A_28 = arith.remsi %add3A, %select_n3A_27 : i32
    %ne3A_29 = arith.constant 0 : i32
    %ne3A_30 = arith.cmpi ne, %rem3A_28, %ne3A_29 : i32
    %lt3A = arith.constant 0 : i32
    %lt3A_31 = arith.cmpi slt, %rem3A_28, %lt3A : i32
    %lt3A_32 = arith.constant 0 : i32
    %lt3A_33 = arith.cmpi slt, %select_n3A_27, %lt3A_32 : i32
    %ne3A_34 = arith.xori %lt3A_31, %lt3A_33 : i1
    %and3A_35 = arith.andi %ne3A_34, %ne3A_30 : i1
    %add3A_36 = arith.addi %rem3A_28, %select_n3A_27 : i32
    %select_n3A_37 = arith.select %and3A_35, %add3A_36, %rem3A_28 : i32
    %eq3A_38 = arith.constant 0 : i32
    %eq3A_39 = arith.cmpi eq, %select_n3A_37, %eq3A_38 : i32
    %jit3A_40 = arith.constant 1 : i32
    %jit3A_41 = arith.constant 0 : i32
    %select_n3A_42 = arith.select %eq3A_39, %jit3A_40, %jit3A_41 : i32
    %add3A_43 = arith.constant 78 : i32
    %add3A_44 = arith.addi %add3A_43, %select_n3A_42 : i32
    %jit3A_45 = arith.constant 8 : i32
    %div3A_46 = arith.divsi %add3A_23, %jit3A_45 : i32
    %sign3A_47 = arith.constant 0 : i32
    %sign3A_48 = arith.cmpi sgt, %add3A_23, %sign3A_47 : i32
    %sign3A_49 = arith.extui %sign3A_48 : i1 to i32
    %sign3A_50 = arith.constant 0 : i32
    %sign3A_51 = arith.cmpi slt, %add3A_23, %sign3A_50 : i32
    %sign3A_52 = arith.extui %sign3A_51 : i1 to i32
    %sign3A_53 = arith.subi %sign3A_49, %sign3A_52 : i32
    %sign3A_54 = arith.constant 0 : i32
    %sign3A_55 = arith.cmpi sgt, %jit3A_45, %sign3A_54 : i32
    %sign3A_56 = arith.extui %sign3A_55 : i1 to i32
    %sign3A_57 = arith.constant 0 : i32
    %sign3A_58 = arith.cmpi slt, %jit3A_45, %sign3A_57 : i32
    %sign3A_59 = arith.extui %sign3A_58 : i1 to i32
    %sign3A_60 = arith.subi %sign3A_56, %sign3A_59 : i32
    %ne3A_61 = arith.cmpi ne, %sign3A_53, %sign3A_60 : i32
    %rem3A_62 = arith.remsi %add3A_23, %jit3A_45 : i32
    %ne3A_63 = arith.constant 0 : i32
    %ne3A_64 = arith.cmpi ne, %rem3A_62, %ne3A_63 : i32
    %and3A_65 = arith.andi %ne3A_61, %ne3A_64 : i1
    %sub3A_66 = arith.constant 1 : i32
    %sub3A_67 = arith.subi %div3A_46, %sub3A_66 : i32
    %select_n3A_68 = arith.select %and3A_65, %sub3A_67, %div3A_46 : i32
    %mul3A_69 = arith.constant 8 : i32
    %mul3A_70 = arith.muli %select_n3A_68, %mul3A_69 : i32
    %scan3A = arith.constant 0 : i32
    %scan3A_71 = arith.constant 0 : i32
    %scan3A_72 = arith.constant 128 : i32
    %scan3A_73 = arith.addi %scan3A_71, %scan3A_72 : i32
    %scan3A_74 = arith.constant 1 : i32
    scf.for %scan3A_230 = %scan3A_71 to %scan3A_73 step %scan3A_74  : i32 {
      %broadcast_in_dim3A = arith.constant 0.000000e+00 : f32
      %broadcast_in_dim3A_231 = vector.broadcast %broadcast_in_dim3A : f32 to vector<16xf32>
      %swap3A = arith.index_cast %scan3A_230 : i32 to index
      %swap3A_232 = arith.constant 0 : index
      %swap3A_233 = tpu.vector_load %arg8[%swap3A, %swap3A_232] {strides = array<i32>} : memref<128x128xf32, #tpu.memory_space<vmem>>, vector<1x16xf32>,
      %swap3A_234 = vector.shape_cast %swap3A_233 : vector<1x16xf32> to vector<16xf32>
      %swap3A_235 = vector.shape_cast %broadcast_in_dim3A_231 : vector<16xf32> to vector<1x16xf32>
      tpu.vector_store %arg8[%swap3A, %swap3A_232], %swap3A_235 {strides = array<i32>} : memref<128x128xf32, #tpu.memory_space<vmem>>, vector<1x16xf32>,
      %broadcast_in_dim3A_236 = arith.constant 0.000000e+00 : f32
      %broadcast_in_dim3A_237 = vector.broadcast %broadcast_in_dim3A_236 : f32 to vector<16xf32>
      %swap3A_238 = arith.index_cast %scan3A_230 : i32 to index
      %swap3A_239 = arith.constant 16 : index
      %swap3A_240 = tpu.vector_load %arg8[%swap3A_238, %swap3A_239] {strides = array<i32>} : memref<128x128xf32, #tpu.memory_space<vmem>>, vector<1x16xf32>,
      %swap3A_241 = vector.shape_cast %swap3A_240 : vector<1x16xf32> to vector<16xf32>
      %swap3A_242 = vector.shape_cast %broadcast_in_dim3A_237 : vector<16xf32> to vector<1x16xf32>
      tpu.vector_store %arg8[%swap3A_238, %swap3A_239], %swap3A_242 {strides = array<i32>} : memref<128x128xf32, #tpu.memory_space<vmem>>, vector<1x16xf32>,
      %broadcast_in_dim3A_243 = arith.constant 0.000000e+00 : f32
      %broadcast_in_dim3A_244 = vector.broadcast %broadcast_in_dim3A_243 : f32 to vector<16xf32>
      %swap3A_245 = arith.index_cast %scan3A_230 : i32 to index
      %swap3A_246 = arith.constant 32 : index
      %swap3A_247 = tpu.vector_load %arg8[%swap3A_245, %swap3A_246] {strides = array<i32>} : memref<128x128xf32, #tpu.memory_space<vmem>>, vector<1x16xf32>,
      %swap3A_248 = vector.shape_cast %swap3A_247 : vector<1x16xf32> to vector<16xf32>
      %swap3A_249 = vector.shape_cast %broadcast_in_dim3A_244 : vector<16xf32> to vector<1x16xf32>
      tpu.vector_store %arg8[%swap3A_245, %swap3A_246], %swap3A_249 {strides = array<i32>} : memref<128x128xf32, #tpu.memory_space<vmem>>, vector<1x16xf32>,
      %broadcast_in_dim3A_250 = arith.constant 0.000000e+00 : f32
      %broadcast_in_dim3A_251 = vector.broadcast %broadcast_in_dim3A_250 : f32 to vector<16xf32>
      %swap3A_252 = arith.index_cast %scan3A_230 : i32 to index
      %swap3A_253 = arith.constant 48 : index
      %swap3A_254 = tpu.vector_load %arg8[%swap3A_252, %swap3A_253] {strides = array<i32>} : memref<128x128xf32, #tpu.memory_space<vmem>>, vector<1x16xf32>,
      %swap3A_255 = vector.shape_cast %swap3A_254 : vector<1x16xf32> to vector<16xf32>
      %swap3A_256 = vector.shape_cast %broadcast_in_dim3A_251 : vector<16xf32> to vector<1x16xf32>
      tpu.vector_store %arg8[%swap3A_252, %swap3A_253], %swap3A_256 {strides = array<i32>} : memref<128x128xf32, #tpu.memory_space<vmem>>, vector<1x16xf32>,
      %broadcast_in_dim3A_257 = arith.constant 0.000000e+00 : f32
      %broadcast_in_dim3A_258 = vector.broadcast %broadcast_in_dim3A_257 : f32 to vector<16xf32>
      %swap3A_259 = arith.index_cast %scan3A_230 : i32 to index
      %swap3A_260 = arith.constant 64 : index
      %swap3A_261 = tpu.vector_load %arg8[%swap3A_259, %swap3A_260] {strides = array<i32>} : memref<128x128xf32, #tpu.memory_space<vmem>>, vector<1x16xf32>,
      %swap3A_262 = vector.shape_cast %swap3A_261 : vector<1x16xf32> to vector<16xf32>
      %swap3A_263 = vector.shape_cast %broadcast_in_dim3A_258 : vector<16xf32> to vector<1x16xf32>
      tpu.vector_store %arg8[%swap3A_259, %swap3A_260], %swap3A_263 {strides = array<i32>} : memref<128x128xf32, #tpu.memory_space<vmem>>, vector<1x16xf32>,
      %broadcast_in_dim3A_264 = arith.constant 0.000000e+00 : f32
      %broadcast_in_dim3A_265 = vector.broadcast %broadcast_in_dim3A_264 : f32 to vector<16xf32>
      %swap3A_266 = arith.index_cast %scan3A_230 : i32 to index
      %swap3A_267 = arith.constant 80 : index
      %swap3A_268 = tpu.vector_load %arg8[%swap3A_266, %swap3A_267] {strides = array<i32>} : memref<128x128xf32, #tpu.memory_space<vmem>>, vector<1x16xf32>,
      %swap3A_269 = vector.shape_cast %swap3A_268 : vector<1x16xf32> to vector<16xf32>
      %swap3A_270 = vector.shape_cast %broadcast_in_dim3A_265 : vector<16xf32> to vector<1x16xf32>
      tpu.vector_store %arg8[%swap3A_266, %swap3A_267], %swap3A_270 {strides = array<i32>} : memref<128x128xf32, #tpu.memory_space<vmem>>, vector<1x16xf32>,
      %broadcast_in_dim3A_271 = arith.constant 0.000000e+00 : f32
      %broadcast_in_dim3A_272 = vector.broadcast %broadcast_in_dim3A_271 : f32 to vector<16xf32>
      %swap3A_273 = arith.index_cast %scan3A_230 : i32 to index
      %swap3A_274 = arith.constant 96 : index
      %swap3A_275 = tpu.vector_load %arg8[%swap3A_273, %swap3A_274] {strides = array<i32>} : memref<128x128xf32, #tpu.memory_space<vmem>>, vector<1x16xf32>,
      %swap3A_276 = vector.shape_cast %swap3A_275 : vector<1x16xf32> to vector<16xf32>
      %swap3A_277 = vector.shape_cast %broadcast_in_dim3A_272 : vector<16xf32> to vector<1x16xf32>
      tpu.vector_store %arg8[%swap3A_273, %swap3A_274], %swap3A_277 {strides = array<i32>} : memref<128x128xf32, #tpu.memory_space<vmem>>, vector<1x16xf32>,
      %broadcast_in_dim3A_278 = arith.constant 0.000000e+00 : f32
      %broadcast_in_dim3A_279 = vector.broadcast %broadcast_in_dim3A_278 : f32 to vector<16xf32>
      %swap3A_280 = arith.index_cast %scan3A_230 : i32 to index
      %swap3A_281 = arith.constant 112 : index
      %swap3A_282 = tpu.vector_load %arg8[%swap3A_280, %swap3A_281] {strides = array<i32>} : memref<128x128xf32, #tpu.memory_space<vmem>>, vector<1x16xf32>,
      %swap3A_283 = vector.shape_cast %swap3A_282 : vector<1x16xf32> to vector<16xf32>
      %swap3A_284 = vector.shape_cast %broadcast_in_dim3A_279 : vector<16xf32> to vector<1x16xf32>
      tpu.vector_store %arg8[%swap3A_280, %swap3A_281], %swap3A_284 {strides = array<i32>} : memref<128x128xf32, #tpu.memory_space<vmem>>, vector<1x16xf32>,
    }
    %scan3A_75 = arith.constant 128 : i32
    %dma_start3A = arith.constant 0 : i32
    %dma_start3A_76 = tpu.memref_slice %arg3[%mul3A_70, %dma_start3A] : memref<2560x128xi32, #tpu.memory_space<hbm>> -> memref<48x128xi32, #tpu.memory_space<hbm>>
    %dma_start3A_77 = arith.constant 0 : i32
    %dma_start3A_78 = tpu.memref_slice %arg3[%mul3A_70, %dma_start3A_77] : memref<2560x128xi32, #tpu.memory_space<hbm>> -> memref<48x128xi32, #tpu.memory_space<hbm>>
    tpu.enqueue_dma source(%dma_start3A_78 : memref<48x128xi32, #tpu.memory_space<hbm>>) target(%arg6 : memref<48x128xi32, #tpu.memory_space<vmem>>) target_semaphore(%arg13 : memref<!tpu.dma_semaphore, #tpu.memory_space<semaphore_mem>>)
    %dma_start3A_79 = arith.constant 0 : i32
    %dma_start3A_80 = tpu.memref_slice %arg4[%mul3A_70, %dma_start3A_79] : memref<2560x128xi32, #tpu.memory_space<hbm>> -> memref<48x128xi32, #tpu.memory_space<hbm>>
    %dma_start3A_81 = arith.constant 0 : i32
    %dma_start3A_82 = tpu.memref_slice %arg4[%mul3A_70, %dma_start3A_81] : memref<2560x128xi32, #tpu.memory_space<hbm>> -> memref<48x128xi32, #tpu.memory_space<hbm>>
    tpu.enqueue_dma source(%dma_start3A_82 : memref<48x128xi32, #tpu.memory_space<hbm>>) target(%arg7 : memref<48x128xi32, #tpu.memory_space<vmem>>) target_semaphore(%arg13 : memref<!tpu.dma_semaphore, #tpu.memory_space<semaphore_mem>>)
    %add3A_83 = arith.constant 0 : i32
    %add3A_84 = arith.addi %mul3A_0, %add3A_83 : i32
    "tpu.region"() ({
      %run_scoped3A = tpu.sem_alloc : memref<!tpu.dma_semaphore, #tpu.memory_space<semaphore_mem>>
      %dma_start3A_230 = arith.constant 0 : i32
      %dma_start3A_231 = tpu.memref_slice %arg10[%add3A_84, %dma_start3A_230] : memref<10112x128xf32, #tpu.memory_space<vmem_shared>> -> memref<128x128xf32, #tpu.memory_space<vmem_shared>>
      %dma_start3A_232 = arith.constant 0 : i32
      %dma_start3A_233 = tpu.memref_slice %arg10[%add3A_84, %dma_start3A_232] : memref<10112x128xf32, #tpu.memory_space<vmem_shared>> -> memref<128x128xf32, #tpu.memory_space<vmem_shared>>
      tpu.enqueue_dma source(%arg8 : memref<128x128xf32, #tpu.memory_space<vmem>>) target(%dma_start3A_233 : memref<128x128xf32, #tpu.memory_space<vmem_shared>>) target_semaphore(%run_scoped3A : memref<!tpu.dma_semaphore, #tpu.memory_space<semaphore_mem>>)
      %dma_wait3A_234 = arith.constant 0 : i32
      %dma_wait3A_235 = tpu.memref_slice %arg10[%add3A_84, %dma_wait3A_234] : memref<10112x128xf32, #tpu.memory_space<vmem_shared>> -> memref<128x128xf32, #tpu.memory_space<vmem_shared>>
      %dma_wait3A_236 = arith.constant 0 : i32
      %dma_wait3A_237 = tpu.memref_slice %arg10[%add3A_84, %dma_wait3A_236] : memref<10112x128xf32, #tpu.memory_space<vmem_shared>> -> memref<128x128xf32, #tpu.memory_space<vmem_shared>>
      tpu.wait_dma2 semaphore(%run_scoped3A : memref<!tpu.dma_semaphore, #tpu.memory_space<semaphore_mem>>) src(%arg8 : memref<128x128xf32, #tpu.memory_space<vmem>>) dst(%dma_wait3A_237 : memref<128x128xf32, #tpu.memory_space<vmem_shared>>)
      tpu.yield
    }) : () -> ()
    %add3A_85 = arith.constant 128 : i32
    %add3A_86 = arith.addi %mul3A_0, %add3A_85 : i32
    "tpu.region"() ({
      %run_scoped3A = tpu.sem_alloc : memref<!tpu.dma_semaphore, #tpu.memory_space<semaphore_mem>>
      %dma_start3A_230 = arith.constant 0 : i32
      %dma_start3A_231 = tpu.memref_slice %arg10[%add3A_86, %dma_start3A_230] : memref<10112x128xf32, #tpu.memory_space<vmem_shared>> -> memref<128x128xf32, #tpu.memory_space<vmem_shared>>
      %dma_start3A_232 = arith.constant 0 : i32
      %dma_start3A_233 = tpu.memref_slice %arg10[%add3A_86, %dma_start3A_232] : memref<10112x128xf32, #tpu.memory_space<vmem_shared>> -> memref<128x128xf32, #tpu.memory_space<vmem_shared>>
      tpu.enqueue_dma source(%arg8 : memref<128x128xf32, #tpu.memory_space<vmem>>) target(%dma_start3A_233 : memref<128x128xf32, #tpu.memory_space<vmem_shared>>) target_semaphore(%run_scoped3A : memref<!tpu.dma_semaphore, #tpu.memory_space<semaphore_mem>>)
      %dma_wait3A_234 = arith.constant 0 : i32
      %dma_wait3A_235 = tpu.memref_slice %arg10[%add3A_86, %dma_wait3A_234] : memref<10112x128xf32, #tpu.memory_space<vmem_shared>> -> memref<128x128xf32, #tpu.memory_space<vmem_shared>>
      %dma_wait3A_236 = arith.constant 0 : i32
      %dma_wait3A_237 = tpu.memref_slice %arg10[%add3A_86, %dma_wait3A_236] : memref<10112x128xf32, #tpu.memory_space<vmem_shared>> -> memref<128x128xf32, #tpu.memory_space<vmem_shared>>
      tpu.wait_dma2 semaphore(%run_scoped3A : memref<!tpu.dma_semaphore, #tpu.memory_space<semaphore_mem>>) src(%arg8 : memref<128x128xf32, #tpu.memory_space<vmem>>) dst(%dma_wait3A_237 : memref<128x128xf32, #tpu.memory_space<vmem_shared>>)
      tpu.yield
    }) : () -> ()
    %add3A_87 = arith.constant 256 : i32
    %add3A_88 = arith.addi %mul3A_0, %add3A_87 : i32
    "tpu.region"() ({
      %run_scoped3A = tpu.sem_alloc : memref<!tpu.dma_semaphore, #tpu.memory_space<semaphore_mem>>
      %dma_start3A_230 = arith.constant 0 : i32
      %dma_start3A_231 = tpu.memref_slice %arg10[%add3A_88, %dma_start3A_230] : memref<10112x128xf32, #tpu.memory_space<vmem_shared>> -> memref<128x128xf32, #tpu.memory_space<vmem_shared>>
      %dma_start3A_232 = arith.constant 0 : i32
      %dma_start3A_233 = tpu.memref_slice %arg10[%add3A_88, %dma_start3A_232] : memref<10112x128xf32, #tpu.memory_space<vmem_shared>> -> memref<128x128xf32, #tpu.memory_space<vmem_shared>>
      tpu.enqueue_dma source(%arg8 : memref<128x128xf32, #tpu.memory_space<vmem>>) target(%dma_start3A_233 : memref<128x128xf32, #tpu.memory_space<vmem_shared>>) target_semaphore(%run_scoped3A : memref<!tpu.dma_semaphore, #tpu.memory_space<semaphore_mem>>)
      %dma_wait3A_234 = arith.constant 0 : i32
      %dma_wait3A_235 = tpu.memref_slice %arg10[%add3A_88, %dma_wait3A_234] : memref<10112x128xf32, #tpu.memory_space<vmem_shared>> -> memref<128x128xf32, #tpu.memory_space<vmem_shared>>
      %dma_wait3A_236 = arith.constant 0 : i32
      %dma_wait3A_237 = tpu.memref_slice %arg10[%add3A_88, %dma_wait3A_236] : memref<10112x128xf32, #tpu.memory_space<vmem_shared>> -> memref<128x128xf32, #tpu.memory_space<vmem_shared>>
      tpu.wait_dma2 semaphore(%run_scoped3A : memref<!tpu.dma_semaphore, #tpu.memory_space<semaphore_mem>>) src(%arg8 : memref<128x128xf32, #tpu.memory_space<vmem>>) dst(%dma_wait3A_237 : memref<128x128xf32, #tpu.memory_space<vmem_shared>>)
      tpu.yield
    }) : () -> ()
    %add3A_89 = arith.constant 384 : i32
    %add3A_90 = arith.addi %mul3A_0, %add3A_89 : i32
    "tpu.region"() ({
      %run_scoped3A = tpu.sem_alloc : memref<!tpu.dma_semaphore, #tpu.memory_space<semaphore_mem>>
      %dma_start3A_230 = arith.constant 0 : i32
      %dma_start3A_231 = tpu.memref_slice %arg10[%add3A_90, %dma_start3A_230] : memref<10112x128xf32, #tpu.memory_space<vmem_shared>> -> memref<128x128xf32, #tpu.memory_space<vmem_shared>>
      %dma_start3A_232 = arith.constant 0 : i32
      %dma_start3A_233 = tpu.memref_slice %arg10[%add3A_90, %dma_start3A_232] : memref<10112x128xf32, #tpu.memory_space<vmem_shared>> -> memref<128x128xf32, #tpu.memory_space<vmem_shared>>
      tpu.enqueue_dma source(%arg8 : memref<128x128xf32, #tpu.memory_space<vmem>>) target(%dma_start3A_233 : memref<128x128xf32, #tpu.memory_space<vmem_shared>>) target_semaphore(%run_scoped3A : memref<!tpu.dma_semaphore, #tpu.memory_space<semaphore_mem>>)
      %dma_wait3A_234 = arith.constant 0 : i32
      %dma_wait3A_235 = tpu.memref_slice %arg10[%add3A_90, %dma_wait3A_234] : memref<10112x128xf32, #tpu.memory_space<vmem_shared>> -> memref<128x128xf32, #tpu.memory_space<vmem_shared>>
      %dma_wait3A_236 = arith.constant 0 : i32
      %dma_wait3A_237 = tpu.memref_slice %arg10[%add3A_90, %dma_wait3A_236] : memref<10112x128xf32, #tpu.memory_space<vmem_shared>> -> memref<128x128xf32, #tpu.memory_space<vmem_shared>>
      tpu.wait_dma2 semaphore(%run_scoped3A : memref<!tpu.dma_semaphore, #tpu.memory_space<semaphore_mem>>) src(%arg8 : memref<128x128xf32, #tpu.memory_space<vmem>>) dst(%dma_wait3A_237 : memref<128x128xf32, #tpu.memory_space<vmem_shared>>)
      tpu.yield
    }) : () -> ()
    %add3A_91 = arith.constant 632 : i32
    %add3A_92 = arith.addi %mul3A_0, %add3A_91 : i32
    %sub3A_93 = arith.constant 120 : i32
    %sub3A_94 = arith.subi %add3A_92, %sub3A_93 : i32
    "tpu.region"() ({
      %run_scoped3A = tpu.sem_alloc : memref<!tpu.dma_semaphore, #tpu.memory_space<semaphore_mem>>
      %dma_start3A_230 = arith.constant 0 : i32
      %dma_start3A_231 = arith.constant 0 : i32
      %dma_start3A_232 = tpu.memref_slice %arg8[%dma_start3A_230, %dma_start3A_231] : memref<128x128xf32, #tpu.memory_space<vmem>> -> memref<120x128xf32, #tpu.memory_space<vmem>>
      %dma_start3A_233 = arith.constant 0 : i32
      %dma_start3A_234 = tpu.memref_slice %arg10[%sub3A_94, %dma_start3A_233] : memref<10112x128xf32, #tpu.memory_space<vmem_shared>> -> memref<120x128xf32, #tpu.memory_space<vmem_shared>>
      %dma_start3A_235 = arith.constant 0 : i32
      %dma_start3A_236 = tpu.memref_slice %arg10[%sub3A_94, %dma_start3A_235] : memref<10112x128xf32, #tpu.memory_space<vmem_shared>> -> memref<120x128xf32, #tpu.memory_space<vmem_shared>>
      %dma_start3A_237 = arith.constant 0 : i32
      %dma_start3A_238 = arith.constant 0 : i32
      %dma_start3A_239 = tpu.memref_slice %arg8[%dma_start3A_237, %dma_start3A_238] : memref<128x128xf32, #tpu.memory_space<vmem>> -> memref<120x128xf32, #tpu.memory_space<vmem>>
      tpu.enqueue_dma source(%dma_start3A_239 : memref<120x128xf32, #tpu.memory_space<vmem>>) target(%dma_start3A_236 : memref<120x128xf32, #tpu.memory_space<vmem_shared>>) target_semaphore(%run_scoped3A : memref<!tpu.dma_semaphore, #tpu.memory_space<semaphore_mem>>)
      %dma_wait3A_240 = arith.constant 0 : i32
      %dma_wait3A_241 = arith.constant 0 : i32
      %dma_wait3A_242 = tpu.memref_slice %arg8[%dma_wait3A_240, %dma_wait3A_241] : memref<128x128xf32, #tpu.memory_space<vmem>> -> memref<120x128xf32, #tpu.memory_space<vmem>>
      %dma_wait3A_243 = arith.constant 0 : i32
      %dma_wait3A_244 = tpu.memref_slice %arg10[%sub3A_94, %dma_wait3A_243] : memref<10112x128xf32, #tpu.memory_space<vmem_shared>> -> memref<120x128xf32, #tpu.memory_space<vmem_shared>>
      %dma_wait3A_245 = arith.constant 0 : i32
      %dma_wait3A_246 = tpu.memref_slice %arg10[%sub3A_94, %dma_wait3A_245] : memref<10112x128xf32, #tpu.memory_space<vmem_shared>> -> memref<120x128xf32, #tpu.memory_space<vmem_shared>>
      %dma_wait3A_247 = arith.constant 0 : i32
      %dma_wait3A_248 = arith.constant 0 : i32
      %dma_wait3A_249 = tpu.memref_slice %arg8[%dma_wait3A_247, %dma_wait3A_248] : memref<128x128xf32, #tpu.memory_space<vmem>> -> memref<120x128xf32, #tpu.memory_space<vmem>>
      tpu.wait_dma2 semaphore(%run_scoped3A : memref<!tpu.dma_semaphore, #tpu.memory_space<semaphore_mem>>) src(%dma_wait3A_249 : memref<120x128xf32, #tpu.memory_space<vmem>>) dst(%dma_wait3A_246 : memref<120x128xf32, #tpu.memory_space<vmem_shared>>)
      tpu.yield
    }) : () -> ()
    %barrier3A = arith.constant 0 : index
    tpu.barrier barrier_id(%barrier3A)
    %dma_wait3A = arith.constant 0 : i32
    %dma_wait3A_95 = tpu.memref_slice %arg3[%mul3A_70, %dma_wait3A] : memref<2560x128xi32, #tpu.memory_space<hbm>> -> memref<48x128xi32, #tpu.memory_space<hbm>>
    %dma_wait3A_96 = arith.constant 0 : i32
    %dma_wait3A_97 = tpu.memref_slice %arg3[%mul3A_70, %dma_wait3A_96] : memref<2560x128xi32, #tpu.memory_space<hbm>> -> memref<48x128xi32, #tpu.memory_space<hbm>>
    tpu.wait_dma2 semaphore(%arg13 : memref<!tpu.dma_semaphore, #tpu.memory_space<semaphore_mem>>) src(%dma_wait3A_97 : memref<48x128xi32, #tpu.memory_space<hbm>>) dst(%arg6 : memref<48x128xi32, #tpu.memory_space<vmem>>)
    %dma_wait3A_98 = arith.constant 0 : i32
    %dma_wait3A_99 = tpu.memref_slice %arg4[%mul3A_70, %dma_wait3A_98] : memref<2560x128xi32, #tpu.memory_space<hbm>> -> memref<48x128xi32, #tpu.memory_space<hbm>>
    %dma_wait3A_100 = arith.constant 0 : i32
    %dma_wait3A_101 = tpu.memref_slice %arg4[%mul3A_70, %dma_wait3A_100] : memref<2560x128xi32, #tpu.memory_space<hbm>> -> memref<48x128xi32, #tpu.memory_space<hbm>>
    tpu.wait_dma2 semaphore(%arg13 : memref<!tpu.dma_semaphore, #tpu.memory_space<semaphore_mem>>) src(%dma_wait3A_101 : memref<48x128xi32, #tpu.memory_space<hbm>>) dst(%arg7 : memref<48x128xi32, #tpu.memory_space<vmem>>)
    %jit3A_102 = arith.constant 8 : i32
    %div3A_103 = arith.divsi %add3A_23, %jit3A_102 : i32
    %sign3A_104 = arith.constant 0 : i32
    %sign3A_105 = arith.cmpi sgt, %add3A_23, %sign3A_104 : i32
    %sign3A_106 = arith.extui %sign3A_105 : i1 to i32
    %sign3A_107 = arith.constant 0 : i32
    %sign3A_108 = arith.cmpi slt, %add3A_23, %sign3A_107 : i32
    %sign3A_109 = arith.extui %sign3A_108 : i1 to i32
    %sign3A_110 = arith.subi %sign3A_106, %sign3A_109 : i32
    %sign3A_111 = arith.constant 0 : i32
    %sign3A_112 = arith.cmpi sgt, %jit3A_102, %sign3A_111 : i32
    %sign3A_113 = arith.extui %sign3A_112 : i1 to i32
    %sign3A_114 = arith.constant 0 : i32
    %sign3A_115 = arith.cmpi slt, %jit3A_102, %sign3A_114 : i32
    %sign3A_116 = arith.extui %sign3A_115 : i1 to i32
    %sign3A_117 = arith.subi %sign3A_113, %sign3A_116 : i32
    %ne3A_118 = arith.cmpi ne, %sign3A_110, %sign3A_117 : i32
    %rem3A_119 = arith.remsi %add3A_23, %jit3A_102 : i32
    %ne3A_120 = arith.constant 0 : i32
    %ne3A_121 = arith.cmpi ne, %rem3A_119, %ne3A_120 : i32
    %and3A_122 = arith.andi %ne3A_118, %ne3A_121 : i1
    %sub3A_123 = arith.constant 1 : i32
    %sub3A_124 = arith.subi %div3A_103, %sub3A_123 : i32
    %select_n3A_125 = arith.select %and3A_122, %sub3A_124, %div3A_103 : i32
    %mul3A_126 = arith.constant 8 : i32
    %mul3A_127 = arith.muli %select_n3A_125, %mul3A_126 : i32
    %sub3A_128 = arith.subi %add3A_23, %mul3A_127 : i32
    %dma_start3A_129 = arith.constant 0 : i32
    %dma_start3A_130 = tpu.memref_slice %arg6[%sub3A_128, %dma_start3A_129] : memref<48x128xi32, #tpu.memory_space<vmem>> -> memref<1x128xi32, #tpu.memory_space<vmem>>
    %dma_start3A_131 = tpu.memref_squeeze %dma_start3A_130 : memref<1x128xi32, #tpu.memory_space<vmem>> -> memref<128xi32, #tpu.memory_space<vmem>>
    %dma_start3A_132 = arith.constant 0 : i32
    %dma_start3A_133 = arith.constant 0 : i32
    %dma_start3A_134 = tpu.memref_slice %arg2[%dma_start3A_132, %dma_start3A_133] : memref<10000x128xf32, #tpu.memory_space<hbm>> -> memref<10000x128xf32, #tpu.memory_space<hbm>>
    tpu.enqueue_indirect_dma source(%dma_start3A_134 : memref<10000x128xf32, #tpu.memory_space<hbm>>) target(%arg8 : memref<128x128xf32, #tpu.memory_space<vmem>>) offsets(%dma_start3A_131 : memref<128xi32, #tpu.memory_space<vmem>>) semaphore(%arg11 : memref<!tpu.dma_semaphore, #tpu.memory_space<semaphore_mem>>)
    %add3A_135 = arith.constant 1 : i32
    %add3A_136 = arith.addi %sub3A_128, %add3A_135 : i32
    %dma_start3A_137 = arith.constant 0 : i32
    %dma_start3A_138 = tpu.memref_slice %arg6[%add3A_136, %dma_start3A_137] : memref<48x128xi32, #tpu.memory_space<vmem>> -> memref<1x128xi32, #tpu.memory_space<vmem>>
    %dma_start3A_139 = tpu.memref_squeeze %dma_start3A_138 : memref<1x128xi32, #tpu.memory_space<vmem>> -> memref<128xi32, #tpu.memory_space<vmem>>
    %dma_start3A_140 = arith.constant 0 : i32
    %dma_start3A_141 = arith.constant 0 : i32
    %dma_start3A_142 = tpu.memref_slice %arg2[%dma_start3A_140, %dma_start3A_141] : memref<10000x128xf32, #tpu.memory_space<hbm>> -> memref<10000x128xf32, #tpu.memory_space<hbm>>
    tpu.enqueue_indirect_dma source(%dma_start3A_142 : memref<10000x128xf32, #tpu.memory_space<hbm>>) target(%arg9 : memref<128x128xf32, #tpu.memory_space<vmem>>) offsets(%dma_start3A_139 : memref<128xi32, #tpu.memory_space<vmem>>) semaphore(%arg12 : memref<!tpu.dma_semaphore, #tpu.memory_space<semaphore_mem>>)
    %scan3A_143 = arith.constant 0 : i32
    %scan3A_144 = arith.constant 0 : i32
    %scan3A_145 = arith.constant 20 : i32
    %scan3A_146 = arith.addi %scan3A_144, %scan3A_145 : i32
    %scan3A_147 = arith.constant 1 : i32
    scf.for %scan3A_230 = %scan3A_144 to %scan3A_146 step %scan3A_147  : i32 {
      %mul3A_231 = arith.constant 2 : i32
      %mul3A_232 = arith.muli %mul3A_231, %scan3A_230 : i32
      %add3A_233 = arith.constant 0 : i32
      %add3A_234 = arith.addi %mul3A_232, %add3A_233 : i32
      %lt3A_235 = arith.constant 40 : i32
      %lt3A_236 = arith.cmpi slt, %add3A_234, %lt3A_235 : i32
      %convert_element_type3A = arith.extui %lt3A_236 : i1 to i32
      %cond3A = arith.constant 0 : i32
      %cond3A_237 = arith.cmpi ne, %convert_element_type3A, %cond3A : i32
      scf.if %cond3A_237 {
        %add3A_245 = arith.addi %sub3A_128, %add3A_234 : i32
        %dma_wait3A_246 = arith.constant 0 : i32
        %dma_wait3A_247 = tpu.memref_slice %arg6[%add3A_245, %dma_wait3A_246] : memref<48x128xi32, #tpu.memory_space<vmem>> -> memref<1x128xi32, #tpu.memory_space<vmem>>
        %dma_wait3A_248 = tpu.memref_squeeze %dma_wait3A_247 : memref<1x128xi32, #tpu.memory_space<vmem>> -> memref<128xi32, #tpu.memory_space<vmem>>
        %dma_wait3A_249 = arith.constant 0 : i32
        %dma_wait3A_250 = arith.constant 0 : i32
        %dma_wait3A_251 = tpu.memref_slice %arg2[%dma_wait3A_249, %dma_wait3A_250] : memref<10000x128xf32, #tpu.memory_space<hbm>> -> memref<10000x128xf32, #tpu.memory_space<hbm>>
        tpu.wait_indirect_dma semaphore(%arg11 : memref<!tpu.dma_semaphore, #tpu.memory_space<semaphore_mem>>) src(%dma_wait3A_251 : memref<10000x128xf32, #tpu.memory_space<hbm>>) dst(%arg8 : memref<128x128xf32, #tpu.memory_space<vmem>>)
        %add3A_252 = arith.addi %sub3A_128, %add3A_234 : i32
        "tpu.region"() ({
          %run_scoped3A = tpu.sem_alloc : memref<!tpu.dma_semaphore, #tpu.memory_space<semaphore_mem>>
          %dma_start3A_260 = arith.constant 0 : i32
          %dma_start3A_261 = tpu.memref_slice %arg7[%add3A_252, %dma_start3A_260] : memref<48x128xi32, #tpu.memory_space<vmem>> -> memref<1x128xi32, #tpu.memory_space<vmem>>
          %dma_start3A_262 = tpu.memref_squeeze %dma_start3A_261 : memref<1x128xi32, #tpu.memory_space<vmem>> -> memref<128xi32, #tpu.memory_space<vmem>>
          %dma_start3A_263 = arith.constant 0 : i32
          %dma_start3A_264 = arith.constant 0 : i32
          %dma_start3A_265 = tpu.memref_slice %arg10[%dma_start3A_263, %dma_start3A_264] : memref<10112x128xf32, #tpu.memory_space<vmem_shared>> -> memref<10112x128xf32, #tpu.memory_space<vmem_shared>>
          tpu.enqueue_indirect_dma source(%arg8 : memref<128x128xf32, #tpu.memory_space<vmem>>) target(%dma_start3A_265 : memref<10112x128xf32, #tpu.memory_space<vmem_shared>>) offsets(%dma_start3A_262 : memref<128xi32, #tpu.memory_space<vmem>>) semaphore(%run_scoped3A : memref<!tpu.dma_semaphore, #tpu.memory_space<semaphore_mem>>) {add = true}
          %dma_wait3A_266 = arith.constant 0 : i32
          %dma_wait3A_267 = tpu.memref_slice %arg7[%add3A_252, %dma_wait3A_266] : memref<48x128xi32, #tpu.memory_space<vmem>> -> memref<1x128xi32, #tpu.memory_space<vmem>>
          %dma_wait3A_268 = tpu.memref_squeeze %dma_wait3A_267 : memref<1x128xi32, #tpu.memory_space<vmem>> -> memref<128xi32, #tpu.memory_space<vmem>>
          %dma_wait3A_269 = arith.constant 0 : i32
          %dma_wait3A_270 = arith.constant 0 : i32
          %dma_wait3A_271 = tpu.memref_slice %arg10[%dma_wait3A_269, %dma_wait3A_270] : memref<10112x128xf32, #tpu.memory_space<vmem_shared>> -> memref<10112x128xf32, #tpu.memory_space<vmem_shared>>
          tpu.wait_indirect_dma semaphore(%run_scoped3A : memref<!tpu.dma_semaphore, #tpu.memory_space<semaphore_mem>>) src(%arg8 : memref<128x128xf32, #tpu.memory_space<vmem>>) dst(%dma_wait3A_271 : memref<10112x128xf32, #tpu.memory_space<vmem_shared>>)
          tpu.yield
        }) : () -> ()
        %add3A_253 = arith.constant 2 : i32
        %add3A_254 = arith.addi %add3A_234, %add3A_253 : i32
        %lt3A_255 = arith.constant 40 : i32
        %lt3A_256 = arith.cmpi slt, %add3A_254, %lt3A_255 : i32
        %convert_element_type3A_257 = arith.extui %lt3A_256 : i1 to i32
        %cond3A_258 = arith.constant 0 : i32
        %cond3A_259 = arith.cmpi ne, %convert_element_type3A_257, %cond3A_258 : i32
        scf.if %cond3A_259 {
          %add3A_260 = arith.addi %sub3A_128, %add3A_234 : i32
          %add3A_261 = arith.constant 2 : i32
          %add3A_262 = arith.addi %add3A_260, %add3A_261 : i32
          %dma_start3A_263 = arith.constant 0 : i32
          %dma_start3A_264 = tpu.memref_slice %arg6[%add3A_262, %dma_start3A_263] : memref<48x128xi32, #tpu.memory_space<vmem>> -> memref<1x128xi32, #tpu.memory_space<vmem>>
          %dma_start3A_265 = tpu.memref_squeeze %dma_start3A_264 : memref<1x128xi32, #tpu.memory_space<vmem>> -> memref<128xi32, #tpu.memory_space<vmem>>
          %dma_start3A_266 = arith.constant 0 : i32
          %dma_start3A_267 = arith.constant 0 : i32
          %dma_start3A_268 = tpu.memref_slice %arg2[%dma_start3A_266, %dma_start3A_267] : memref<10000x128xf32, #tpu.memory_space<hbm>> -> memref<10000x128xf32, #tpu.memory_space<hbm>>
          tpu.enqueue_indirect_dma source(%dma_start3A_268 : memref<10000x128xf32, #tpu.memory_space<hbm>>) target(%arg8 : memref<128x128xf32, #tpu.memory_space<vmem>>) offsets(%dma_start3A_265 : memref<128xi32, #tpu.memory_space<vmem>>) semaphore(%arg11 : memref<!tpu.dma_semaphore, #tpu.memory_space<semaphore_mem>>)
        } else {
        }
      } else {
      }
      %add3A_238 = arith.constant 1 : i32
      %add3A_239 = arith.addi %mul3A_232, %add3A_238 : i32
      %lt3A_240 = arith.constant 40 : i32
      %lt3A_241 = arith.cmpi slt, %add3A_239, %lt3A_240 : i32
      %convert_element_type3A_242 = arith.extui %lt3A_241 : i1 to i32
      %cond3A_243 = arith.constant 0 : i32
      %cond3A_244 = arith.cmpi ne, %convert_element_type3A_242, %cond3A_243 : i32
      scf.if %cond3A_244 {
        %add3A_245 = arith.addi %sub3A_128, %add3A_239 : i32
        %dma_wait3A_246 = arith.constant 0 : i32
        %dma_wait3A_247 = tpu.memref_slice %arg6[%add3A_245, %dma_wait3A_246] : memref<48x128xi32, #tpu.memory_space<vmem>> -> memref<1x128xi32, #tpu.memory_space<vmem>>
        %dma_wait3A_248 = tpu.memref_squeeze %dma_wait3A_247 : memref<1x128xi32, #tpu.memory_space<vmem>> -> memref<128xi32, #tpu.memory_space<vmem>>
        %dma_wait3A_249 = arith.constant 0 : i32
        %dma_wait3A_250 = arith.constant 0 : i32
        %dma_wait3A_251 = tpu.memref_slice %arg2[%dma_wait3A_249, %dma_wait3A_250] : memref<10000x128xf32, #tpu.memory_space<hbm>> -> memref<10000x128xf32, #tpu.memory_space<hbm>>
        tpu.wait_indirect_dma semaphore(%arg12 : memref<!tpu.dma_semaphore, #tpu.memory_space<semaphore_mem>>) src(%dma_wait3A_251 : memref<10000x128xf32, #tpu.memory_space<hbm>>) dst(%arg9 : memref<128x128xf32, #tpu.memory_space<vmem>>)
        %add3A_252 = arith.addi %sub3A_128, %add3A_239 : i32
        "tpu.region"() ({
          %run_scoped3A = tpu.sem_alloc : memref<!tpu.dma_semaphore, #tpu.memory_space<semaphore_mem>>
          %dma_start3A_260 = arith.constant 0 : i32
          %dma_start3A_261 = tpu.memref_slice %arg7[%add3A_252, %dma_start3A_260] : memref<48x128xi32, #tpu.memory_space<vmem>> -> memref<1x128xi32, #tpu.memory_space<vmem>>
          %dma_start3A_262 = tpu.memref_squeeze %dma_start3A_261 : memref<1x128xi32, #tpu.memory_space<vmem>> -> memref<128xi32, #tpu.memory_space<vmem>>
          %dma_start3A_263 = arith.constant 0 : i32
          %dma_start3A_264 = arith.constant 0 : i32
          %dma_start3A_265 = tpu.memref_slice %arg10[%dma_start3A_263, %dma_start3A_264] : memref<10112x128xf32, #tpu.memory_space<vmem_shared>> -> memref<10112x128xf32, #tpu.memory_space<vmem_shared>>
          tpu.enqueue_indirect_dma source(%arg9 : memref<128x128xf32, #tpu.memory_space<vmem>>) target(%dma_start3A_265 : memref<10112x128xf32, #tpu.memory_space<vmem_shared>>) offsets(%dma_start3A_262 : memref<128xi32, #tpu.memory_space<vmem>>) semaphore(%run_scoped3A : memref<!tpu.dma_semaphore, #tpu.memory_space<semaphore_mem>>) {add = true}
          %dma_wait3A_266 = arith.constant 0 : i32
          %dma_wait3A_267 = tpu.memref_slice %arg7[%add3A_252, %dma_wait3A_266] : memref<48x128xi32, #tpu.memory_space<vmem>> -> memref<1x128xi32, #tpu.memory_space<vmem>>
          %dma_wait3A_268 = tpu.memref_squeeze %dma_wait3A_267 : memref<1x128xi32, #tpu.memory_space<vmem>> -> memref<128xi32, #tpu.memory_space<vmem>>
          %dma_wait3A_269 = arith.constant 0 : i32
          %dma_wait3A_270 = arith.constant 0 : i32
          %dma_wait3A_271 = tpu.memref_slice %arg10[%dma_wait3A_269, %dma_wait3A_270] : memref<10112x128xf32, #tpu.memory_space<vmem_shared>> -> memref<10112x128xf32, #tpu.memory_space<vmem_shared>>
          tpu.wait_indirect_dma semaphore(%run_scoped3A : memref<!tpu.dma_semaphore, #tpu.memory_space<semaphore_mem>>) src(%arg9 : memref<128x128xf32, #tpu.memory_space<vmem>>) dst(%dma_wait3A_271 : memref<10112x128xf32, #tpu.memory_space<vmem_shared>>)
          tpu.yield
        }) : () -> ()
        %add3A_253 = arith.constant 2 : i32
        %add3A_254 = arith.addi %add3A_239, %add3A_253 : i32
        %lt3A_255 = arith.constant 40 : i32
        %lt3A_256 = arith.cmpi slt, %add3A_254, %lt3A_255 : i32
        %convert_element_type3A_257 = arith.extui %lt3A_256 : i1 to i32
        %cond3A_258 = arith.constant 0 : i32
        %cond3A_259 = arith.cmpi ne, %convert_element_type3A_257, %cond3A_258 : i32
        scf.if %cond3A_259 {
          %add3A_260 = arith.addi %sub3A_128, %add3A_239 : i32
          %add3A_261 = arith.constant 2 : i32
          %add3A_262 = arith.addi %add3A_260, %add3A_261 : i32
          %dma_start3A_263 = arith.constant 0 : i32
          %dma_start3A_264 = tpu.memref_slice %arg6[%add3A_262, %dma_start3A_263] : memref<48x128xi32, #tpu.memory_space<vmem>> -> memref<1x128xi32, #tpu.memory_space<vmem>>
          %dma_start3A_265 = tpu.memref_squeeze %dma_start3A_264 : memref<1x128xi32, #tpu.memory_space<vmem>> -> memref<128xi32, #tpu.memory_space<vmem>>
          %dma_start3A_266 = arith.constant 0 : i32
          %dma_start3A_267 = arith.constant 0 : i32
          %dma_start3A_268 = tpu.memref_slice %arg2[%dma_start3A_266, %dma_start3A_267] : memref<10000x128xf32, #tpu.memory_space<hbm>> -> memref<10000x128xf32, #tpu.memory_space<hbm>>
          tpu.enqueue_indirect_dma source(%dma_start3A_268 : memref<10000x128xf32, #tpu.memory_space<hbm>>) target(%arg9 : memref<128x128xf32, #tpu.memory_space<vmem>>) offsets(%dma_start3A_265 : memref<128xi32, #tpu.memory_space<vmem>>) semaphore(%arg12 : memref<!tpu.dma_semaphore, #tpu.memory_space<semaphore_mem>>)
        } else {
        }
      } else {
      }
    }
    %scan3A_148 = arith.constant 20 : i32
    %add3A_149 = arith.constant 40 : i32
    %add3A_150 = arith.addi %add3A_23, %add3A_149 : i32
    %sub3A_151 = arith.constant 40 : i32
    %sub3A_152 = arith.subi %add3A_44, %sub3A_151 : i32
    %jit3A_153 = arith.constant 8 : i32
    %div3A_154 = arith.divsi %add3A_150, %jit3A_153 : i32
    %sign3A_155 = arith.constant 0 : i32
    %sign3A_156 = arith.cmpi sgt, %add3A_150, %sign3A_155 : i32
    %sign3A_157 = arith.extui %sign3A_156 : i1 to i32
    %sign3A_158 = arith.constant 0 : i32
    %sign3A_159 = arith.cmpi slt, %add3A_150, %sign3A_158 : i32
    %sign3A_160 = arith.extui %sign3A_159 : i1 to i32
    %sign3A_161 = arith.subi %sign3A_157, %sign3A_160 : i32
    %sign3A_162 = arith.constant 0 : i32
    %sign3A_163 = arith.cmpi sgt, %jit3A_153, %sign3A_162 : i32
    %sign3A_164 = arith.extui %sign3A_163 : i1 to i32
    %sign3A_165 = arith.constant 0 : i32
    %sign3A_166 = arith.cmpi slt, %jit3A_153, %sign3A_165 : i32
    %sign3A_167 = arith.extui %sign3A_166 : i1 to i32
    %sign3A_168 = arith.subi %sign3A_164, %sign3A_167 : i32
    %ne3A_169 = arith.cmpi ne, %sign3A_161, %sign3A_168 : i32
    %rem3A_170 = arith.remsi %add3A_150, %jit3A_153 : i32
    %ne3A_171 = arith.constant 0 : i32
    %ne3A_172 = arith.cmpi ne, %rem3A_170, %ne3A_171 : i32
    %and3A_173 = arith.andi %ne3A_169, %ne3A_172 : i1
    %sub3A_174 = arith.constant 1 : i32
    %sub3A_175 = arith.subi %div3A_154, %sub3A_174 : i32
    %select_n3A_176 = arith.select %and3A_173, %sub3A_175, %div3A_154 : i32
    %mul3A_177 = arith.constant 8 : i32
    %mul3A_178 = arith.muli %select_n3A_176, %mul3A_177 : i32
    %sub3A_179 = arith.subi %add3A_150, %mul3A_178 : i32
    "tpu.region"() ({
      %run_scoped3A = tpu.sem_alloc : memref<!tpu.dma_semaphore, #tpu.memory_space<semaphore_mem>>
      %dma_start3A_230 = arith.constant 0 : i32
      %dma_start3A_231 = tpu.memref_slice %arg3[%mul3A_178, %dma_start3A_230] : memref<2560x128xi32, #tpu.memory_space<hbm>> -> memref<48x128xi32, #tpu.memory_space<hbm>>
      %dma_start3A_232 = arith.constant 0 : i32
      %dma_start3A_233 = tpu.memref_slice %arg3[%mul3A_178, %dma_start3A_232] : memref<2560x128xi32, #tpu.memory_space<hbm>> -> memref<48x128xi32, #tpu.memory_space<hbm>>
      tpu.enqueue_dma source(%dma_start3A_233 : memref<48x128xi32, #tpu.memory_space<hbm>>) target(%arg6 : memref<48x128xi32, #tpu.memory_space<vmem>>) target_semaphore(%run_scoped3A : memref<!tpu.dma_semaphore, #tpu.memory_space<semaphore_mem>>)
      %dma_wait3A_234 = arith.constant 0 : i32
      %dma_wait3A_235 = tpu.memref_slice %arg3[%mul3A_178, %dma_wait3A_234] : memref<2560x128xi32, #tpu.memory_space<hbm>> -> memref<48x128xi32, #tpu.memory_space<hbm>>
      %dma_wait3A_236 = arith.constant 0 : i32
      %dma_wait3A_237 = tpu.memref_slice %arg3[%mul3A_178, %dma_wait3A_236] : memref<2560x128xi32, #tpu.memory_space<hbm>> -> memref<48x128xi32, #tpu.memory_space<hbm>>
      tpu.wait_dma2 semaphore(%run_scoped3A : memref<!tpu.dma_semaphore, #tpu.memory_space<semaphore_mem>>) src(%dma_wait3A_237 : memref<48x128xi32, #tpu.memory_space<hbm>>) dst(%arg6 : memref<48x128xi32, #tpu.memory_space<vmem>>)
      tpu.yield
    }) : () -> ()
    "tpu.region"() ({
      %run_scoped3A = tpu.sem_alloc : memref<!tpu.dma_semaphore, #tpu.memory_space<semaphore_mem>>
      %dma_start3A_230 = arith.constant 0 : i32
      %dma_start3A_231 = tpu.memref_slice %arg4[%mul3A_178, %dma_start3A_230] : memref<2560x128xi32, #tpu.memory_space<hbm>> -> memref<48x128xi32, #tpu.memory_space<hbm>>
      %dma_start3A_232 = arith.constant 0 : i32
      %dma_start3A_233 = tpu.memref_slice %arg4[%mul3A_178, %dma_start3A_232] : memref<2560x128xi32, #tpu.memory_space<hbm>> -> memref<48x128xi32, #tpu.memory_space<hbm>>
      tpu.enqueue_dma source(%dma_start3A_233 : memref<48x128xi32, #tpu.memory_space<hbm>>) target(%arg7 : memref<48x128xi32, #tpu.memory_space<vmem>>) target_semaphore(%run_scoped3A : memref<!tpu.dma_semaphore, #tpu.memory_space<semaphore_mem>>)
      %dma_wait3A_234 = arith.constant 0 : i32
      %dma_wait3A_235 = tpu.memref_slice %arg4[%mul3A_178, %dma_wait3A_234] : memref<2560x128xi32, #tpu.memory_space<hbm>> -> memref<48x128xi32, #tpu.memory_space<hbm>>
      %dma_wait3A_236 = arith.constant 0 : i32
      %dma_wait3A_237 = tpu.memref_slice %arg4[%mul3A_178, %dma_wait3A_236] : memref<2560x128xi32, #tpu.memory_space<hbm>> -> memref<48x128xi32, #tpu.memory_space<hbm>>
      tpu.wait_dma2 semaphore(%run_scoped3A : memref<!tpu.dma_semaphore, #tpu.memory_space<semaphore_mem>>) src(%dma_wait3A_237 : memref<48x128xi32, #tpu.memory_space<hbm>>) dst(%arg7 : memref<48x128xi32, #tpu.memory_space<vmem>>)
      tpu.yield
    }) : () -> ()
    %dma_start3A_180 = arith.constant 0 : i32
    %dma_start3A_181 = tpu.memref_slice %arg6[%sub3A_179, %dma_start3A_180] : memref<48x128xi32, #tpu.memory_space<vmem>> -> memref<1x128xi32, #tpu.memory_space<vmem>>
    %dma_start3A_182 = tpu.memref_squeeze %dma_start3A_181 : memref<1x128xi32, #tpu.memory_space<vmem>> -> memref<128xi32, #tpu.memory_space<vmem>>
    %dma_start3A_183 = arith.constant 0 : i32
    %dma_start3A_184 = arith.constant 0 : i32
    %dma_start3A_185 = tpu.memref_slice %arg2[%dma_start3A_183, %dma_start3A_184] : memref<10000x128xf32, #tpu.memory_space<hbm>> -> memref<10000x128xf32, #tpu.memory_space<hbm>>
    tpu.enqueue_indirect_dma source(%dma_start3A_185 : memref<10000x128xf32, #tpu.memory_space<hbm>>) target(%arg8 : memref<128x128xf32, #tpu.memory_space<vmem>>) offsets(%dma_start3A_182 : memref<128xi32, #tpu.memory_space<vmem>>) semaphore(%arg11 : memref<!tpu.dma_semaphore, #tpu.memory_space<semaphore_mem>>)
    %add3A_186 = arith.constant 1 : i32
    %add3A_187 = arith.addi %sub3A_179, %add3A_186 : i32
    %dma_start3A_188 = arith.constant 0 : i32
    %dma_start3A_189 = tpu.memref_slice %arg6[%add3A_187, %dma_start3A_188] : memref<48x128xi32, #tpu.memory_space<vmem>> -> memref<1x128xi32, #tpu.memory_space<vmem>>
    %dma_start3A_190 = tpu.memref_squeeze %dma_start3A_189 : memref<1x128xi32, #tpu.memory_space<vmem>> -> memref<128xi32, #tpu.memory_space<vmem>>
    %dma_start3A_191 = arith.constant 0 : i32
    %dma_start3A_192 = arith.constant 0 : i32
    %dma_start3A_193 = tpu.memref_slice %arg2[%dma_start3A_191, %dma_start3A_192] : memref<10000x128xf32, #tpu.memory_space<hbm>> -> memref<10000x128xf32, #tpu.memory_space<hbm>>
    tpu.enqueue_indirect_dma source(%dma_start3A_193 : memref<10000x128xf32, #tpu.memory_space<hbm>>) target(%arg9 : memref<128x128xf32, #tpu.memory_space<vmem>>) offsets(%dma_start3A_190 : memref<128xi32, #tpu.memory_space<vmem>>) semaphore(%arg12 : memref<!tpu.dma_semaphore, #tpu.memory_space<semaphore_mem>>)
    %add3A_194 = arith.constant 1 : i32
    %add3A_195 = arith.addi %sub3A_152, %add3A_194 : i32
    %jit3A_196 = arith.constant 2 : i32
    %div3A_197 = arith.divsi %add3A_195, %jit3A_196 : i32
    %sign3A_198 = arith.constant 0 : i32
    %sign3A_199 = arith.cmpi sgt, %add3A_195, %sign3A_198 : i32
    %sign3A_200 = arith.extui %sign3A_199 : i1 to i32
    %sign3A_201 = arith.constant 0 : i32
    %sign3A_202 = arith.cmpi slt, %add3A_195, %sign3A_201 : i32
    %sign3A_203 = arith.extui %sign3A_202 : i1 to i32
    %sign3A_204 = arith.subi %sign3A_200, %sign3A_203 : i32
    %sign3A_205 = arith.constant 0 : i32
    %sign3A_206 = arith.cmpi sgt, %jit3A_196, %sign3A_205 : i32
    %sign3A_207 = arith.extui %sign3A_206 : i1 to i32
    %sign3A_208 = arith.constant 0 : i32
    %sign3A_209 = arith.cmpi slt, %jit3A_196, %sign3A_208 : i32
    %sign3A_210 = arith.extui %sign3A_209 : i1 to i32
    %sign3A_211 = arith.subi %sign3A_207, %sign3A_210 : i32
    %ne3A_212 = arith.cmpi ne, %sign3A_204, %sign3A_211 : i32
    %rem3A_213 = arith.remsi %add3A_195, %jit3A_196 : i32
    %ne3A_214 = arith.constant 0 : i32
    %ne3A_215 = arith.cmpi ne, %rem3A_213, %ne3A_214 : i32
    %and3A_216 = arith.andi %ne3A_212, %ne3A_215 : i1
    %sub3A_217 = arith.constant 1 : i32
    %sub3A_218 = arith.subi %div3A_197, %sub3A_217 : i32
    %select_n3A_219 = arith.select %and3A_216, %sub3A_218, %div3A_197 : i32
    %while3A = arith.constant 0 : i32
    %while3A_220 = arith.constant 0 : i32
    %while3A_221 = arith.subi %select_n3A_219, %while3A_220 : i32
    %while3A_222 = arith.addi %while3A_220, %while3A_221 : i32
    %while3A_223 = arith.constant 1 : i32
    %while3A_224 = arith.divsi %while3A_221, %while3A_223 : i32
    %while3A_225 = arith.muli %while3A_224, %while3A_223 : i32
    %while3A_226 = arith.addi %while3A_220, %while3A_225 : i32
    %while3A_227 = arith.constant 1 : i32
    scf.for %while3A_230 = %while3A_220 to %while3A_226 step %while3A_227  : i32 {
      %mul3A_231 = arith.constant 2 : i32
      %mul3A_232 = arith.muli %mul3A_231, %while3A_230 : i32
      %add3A_233 = arith.constant 0 : i32
      %add3A_234 = arith.addi %mul3A_232, %add3A_233 : i32
      %lt3A_235 = arith.cmpi slt, %add3A_234, %sub3A_152 : i32
      %convert_element_type3A = arith.extui %lt3A_235 : i1 to i32
      %cond3A = arith.constant 0 : i32
      %cond3A_236 = arith.cmpi ne, %convert_element_type3A, %cond3A : i32
      scf.if %cond3A_236 {
        %add3A_243 = arith.addi %sub3A_179, %add3A_234 : i32
        %dma_wait3A_244 = arith.constant 0 : i32
        %dma_wait3A_245 = tpu.memref_slice %arg6[%add3A_243, %dma_wait3A_244] : memref<48x128xi32, #tpu.memory_space<vmem>> -> memref<1x128xi32, #tpu.memory_space<vmem>>
        %dma_wait3A_246 = tpu.memref_squeeze %dma_wait3A_245 : memref<1x128xi32, #tpu.memory_space<vmem>> -> memref<128xi32, #tpu.memory_space<vmem>>
        %dma_wait3A_247 = arith.constant 0 : i32
        %dma_wait3A_248 = arith.constant 0 : i32
        %dma_wait3A_249 = tpu.memref_slice %arg2[%dma_wait3A_247, %dma_wait3A_248] : memref<10000x128xf32, #tpu.memory_space<hbm>> -> memref<10000x128xf32, #tpu.memory_space<hbm>>
        tpu.wait_indirect_dma semaphore(%arg11 : memref<!tpu.dma_semaphore, #tpu.memory_space<semaphore_mem>>) src(%dma_wait3A_249 : memref<10000x128xf32, #tpu.memory_space<hbm>>) dst(%arg8 : memref<128x128xf32, #tpu.memory_space<vmem>>)
        %add3A_250 = arith.addi %sub3A_179, %add3A_234 : i32
        "tpu.region"() ({
          %run_scoped3A = tpu.sem_alloc : memref<!tpu.dma_semaphore, #tpu.memory_space<semaphore_mem>>
          %dma_start3A_257 = arith.constant 0 : i32
          %dma_start3A_258 = tpu.memref_slice %arg7[%add3A_250, %dma_start3A_257] : memref<48x128xi32, #tpu.memory_space<vmem>> -> memref<1x128xi32, #tpu.memory_space<vmem>>
          %dma_start3A_259 = tpu.memref_squeeze %dma_start3A_258 : memref<1x128xi32, #tpu.memory_space<vmem>> -> memref<128xi32, #tpu.memory_space<vmem>>
          %dma_start3A_260 = arith.constant 0 : i32
          %dma_start3A_261 = arith.constant 0 : i32
          %dma_start3A_262 = tpu.memref_slice %arg10[%dma_start3A_260, %dma_start3A_261] : memref<10112x128xf32, #tpu.memory_space<vmem_shared>> -> memref<10112x128xf32, #tpu.memory_space<vmem_shared>>
          tpu.enqueue_indirect_dma source(%arg8 : memref<128x128xf32, #tpu.memory_space<vmem>>) target(%dma_start3A_262 : memref<10112x128xf32, #tpu.memory_space<vmem_shared>>) offsets(%dma_start3A_259 : memref<128xi32, #tpu.memory_space<vmem>>) semaphore(%run_scoped3A : memref<!tpu.dma_semaphore, #tpu.memory_space<semaphore_mem>>) {add = true}
          %dma_wait3A_263 = arith.constant 0 : i32
          %dma_wait3A_264 = tpu.memref_slice %arg7[%add3A_250, %dma_wait3A_263] : memref<48x128xi32, #tpu.memory_space<vmem>> -> memref<1x128xi32, #tpu.memory_space<vmem>>
          %dma_wait3A_265 = tpu.memref_squeeze %dma_wait3A_264 : memref<1x128xi32, #tpu.memory_space<vmem>> -> memref<128xi32, #tpu.memory_space<vmem>>
          %dma_wait3A_266 = arith.constant 0 : i32
          %dma_wait3A_267 = arith.constant 0 : i32
          %dma_wait3A_268 = tpu.memref_slice %arg10[%dma_wait3A_266, %dma_wait3A_267] : memref<10112x128xf32, #tpu.memory_space<vmem_shared>> -> memref<10112x128xf32, #tpu.memory_space<vmem_shared>>
          tpu.wait_indirect_dma semaphore(%run_scoped3A : memref<!tpu.dma_semaphore, #tpu.memory_space<semaphore_mem>>) src(%arg8 : memref<128x128xf32, #tpu.memory_space<vmem>>) dst(%dma_wait3A_268 : memref<10112x128xf32, #tpu.memory_space<vmem_shared>>)
          tpu.yield
        }) : () -> ()
        %add3A_251 = arith.constant 2 : i32
        %add3A_252 = arith.addi %add3A_234, %add3A_251 : i32
        %lt3A_253 = arith.cmpi slt, %add3A_252, %sub3A_152 : i32
        %convert_element_type3A_254 = arith.extui %lt3A_253 : i1 to i32
        %cond3A_255 = arith.constant 0 : i32
        %cond3A_256 = arith.cmpi ne, %convert_element_type3A_254, %cond3A_255 : i32
        scf.if %cond3A_256 {
          %add3A_257 = arith.addi %sub3A_179, %add3A_234 : i32
          %add3A_258 = arith.constant 2 : i32
          %add3A_259 = arith.addi %add3A_257, %add3A_258 : i32
          %dma_start3A_260 = arith.constant 0 : i32
          %dma_start3A_261 = tpu.memref_slice %arg6[%add3A_259, %dma_start3A_260] : memref<48x128xi32, #tpu.memory_space<vmem>> -> memref<1x128xi32, #tpu.memory_space<vmem>>
          %dma_start3A_262 = tpu.memref_squeeze %dma_start3A_261 : memref<1x128xi32, #tpu.memory_space<vmem>> -> memref<128xi32, #tpu.memory_space<vmem>>
          %dma_start3A_263 = arith.constant 0 : i32
          %dma_start3A_264 = arith.constant 0 : i32
          %dma_start3A_265 = tpu.memref_slice %arg2[%dma_start3A_263, %dma_start3A_264] : memref<10000x128xf32, #tpu.memory_space<hbm>> -> memref<10000x128xf32, #tpu.memory_space<hbm>>
          tpu.enqueue_indirect_dma source(%dma_start3A_265 : memref<10000x128xf32, #tpu.memory_space<hbm>>) target(%arg8 : memref<128x128xf32, #tpu.memory_space<vmem>>) offsets(%dma_start3A_262 : memref<128xi32, #tpu.memory_space<vmem>>) semaphore(%arg11 : memref<!tpu.dma_semaphore, #tpu.memory_space<semaphore_mem>>)
        } else {
        }
      } else {
      }
      %add3A_237 = arith.constant 1 : i32
      %add3A_238 = arith.addi %mul3A_232, %add3A_237 : i32
      %lt3A_239 = arith.cmpi slt, %add3A_238, %sub3A_152 : i32
      %convert_element_type3A_240 = arith.extui %lt3A_239 : i1 to i32
      %cond3A_241 = arith.constant 0 : i32
      %cond3A_242 = arith.cmpi ne, %convert_element_type3A_240, %cond3A_241 : i32
      scf.if %cond3A_242 {
        %add3A_243 = arith.addi %sub3A_179, %add3A_238 : i32
        %dma_wait3A_244 = arith.constant 0 : i32
        %dma_wait3A_245 = tpu.memref_slice %arg6[%add3A_243, %dma_wait3A_244] : memref<48x128xi32, #tpu.memory_space<vmem>> -> memref<1x128xi32, #tpu.memory_space<vmem>>
        %dma_wait3A_246 = tpu.memref_squeeze %dma_wait3A_245 : memref<1x128xi32, #tpu.memory_space<vmem>> -> memref<128xi32, #tpu.memory_space<vmem>>
        %dma_wait3A_247 = arith.constant 0 : i32
        %dma_wait3A_248 = arith.constant 0 : i32
        %dma_wait3A_249 = tpu.memref_slice %arg2[%dma_wait3A_247, %dma_wait3A_248] : memref<10000x128xf32, #tpu.memory_space<hbm>> -> memref<10000x128xf32, #tpu.memory_space<hbm>>
        tpu.wait_indirect_dma semaphore(%arg12 : memref<!tpu.dma_semaphore, #tpu.memory_space<semaphore_mem>>) src(%dma_wait3A_249 : memref<10000x128xf32, #tpu.memory_space<hbm>>) dst(%arg9 : memref<128x128xf32, #tpu.memory_space<vmem>>)
        %add3A_250 = arith.addi %sub3A_179, %add3A_238 : i32
        "tpu.region"() ({
          %run_scoped3A = tpu.sem_alloc : memref<!tpu.dma_semaphore, #tpu.memory_space<semaphore_mem>>
          %dma_start3A_257 = arith.constant 0 : i32
          %dma_start3A_258 = tpu.memref_slice %arg7[%add3A_250, %dma_start3A_257] : memref<48x128xi32, #tpu.memory_space<vmem>> -> memref<1x128xi32, #tpu.memory_space<vmem>>
          %dma_start3A_259 = tpu.memref_squeeze %dma_start3A_258 : memref<1x128xi32, #tpu.memory_space<vmem>> -> memref<128xi32, #tpu.memory_space<vmem>>
          %dma_start3A_260 = arith.constant 0 : i32
          %dma_start3A_261 = arith.constant 0 : i32
          %dma_start3A_262 = tpu.memref_slice %arg10[%dma_start3A_260, %dma_start3A_261] : memref<10112x128xf32, #tpu.memory_space<vmem_shared>> -> memref<10112x128xf32, #tpu.memory_space<vmem_shared>>
          tpu.enqueue_indirect_dma source(%arg9 : memref<128x128xf32, #tpu.memory_space<vmem>>) target(%dma_start3A_262 : memref<10112x128xf32, #tpu.memory_space<vmem_shared>>) offsets(%dma_start3A_259 : memref<128xi32, #tpu.memory_space<vmem>>) semaphore(%run_scoped3A : memref<!tpu.dma_semaphore, #tpu.memory_space<semaphore_mem>>) {add = true}
          %dma_wait3A_263 = arith.constant 0 : i32
          %dma_wait3A_264 = tpu.memref_slice %arg7[%add3A_250, %dma_wait3A_263] : memref<48x128xi32, #tpu.memory_space<vmem>> -> memref<1x128xi32, #tpu.memory_space<vmem>>
          %dma_wait3A_265 = tpu.memref_squeeze %dma_wait3A_264 : memref<1x128xi32, #tpu.memory_space<vmem>> -> memref<128xi32, #tpu.memory_space<vmem>>
          %dma_wait3A_266 = arith.constant 0 : i32
          %dma_wait3A_267 = arith.constant 0 : i32
          %dma_wait3A_268 = tpu.memref_slice %arg10[%dma_wait3A_266, %dma_wait3A_267] : memref<10112x128xf32, #tpu.memory_space<vmem_shared>> -> memref<10112x128xf32, #tpu.memory_space<vmem_shared>>
          tpu.wait_indirect_dma semaphore(%run_scoped3A : memref<!tpu.dma_semaphore, #tpu.memory_space<semaphore_mem>>) src(%arg9 : memref<128x128xf32, #tpu.memory_space<vmem>>) dst(%dma_wait3A_268 : memref<10112x128xf32, #tpu.memory_space<vmem_shared>>)
          tpu.yield
        }) : () -> ()
        %add3A_251 = arith.constant 2 : i32
        %add3A_252 = arith.addi %add3A_238, %add3A_251 : i32
        %lt3A_253 = arith.cmpi slt, %add3A_252, %sub3A_152 : i32
        %convert_element_type3A_254 = arith.extui %lt3A_253 : i1 to i32
        %cond3A_255 = arith.constant 0 : i32
        %cond3A_256 = arith.cmpi ne, %convert_element_type3A_254, %cond3A_255 : i32
        scf.if %cond3A_256 {
          %add3A_257 = arith.addi %sub3A_179, %add3A_238 : i32
          %add3A_258 = arith.constant 2 : i32
          %add3A_259 = arith.addi %add3A_257, %add3A_258 : i32
          %dma_start3A_260 = arith.constant 0 : i32
          %dma_start3A_261 = tpu.memref_slice %arg6[%add3A_259, %dma_start3A_260] : memref<48x128xi32, #tpu.memory_space<vmem>> -> memref<1x128xi32, #tpu.memory_space<vmem>>
          %dma_start3A_262 = tpu.memref_squeeze %dma_start3A_261 : memref<1x128xi32, #tpu.memory_space<vmem>> -> memref<128xi32, #tpu.memory_space<vmem>>
          %dma_start3A_263 = arith.constant 0 : i32
          %dma_start3A_264 = arith.constant 0 : i32
          %dma_start3A_265 = tpu.memref_slice %arg2[%dma_start3A_263, %dma_start3A_264] : memref<10000x128xf32, #tpu.memory_space<hbm>> -> memref<10000x128xf32, #tpu.memory_space<hbm>>
          tpu.enqueue_indirect_dma source(%dma_start3A_265 : memref<10000x128xf32, #tpu.memory_space<hbm>>) target(%arg9 : memref<128x128xf32, #tpu.memory_space<vmem>>) offsets(%dma_start3A_262 : memref<128xi32, #tpu.memory_space<vmem>>) semaphore(%arg12 : memref<!tpu.dma_semaphore, #tpu.memory_space<semaphore_mem>>)
        } else {
        }
      } else {
      }
    }
    %while3A_228 = arith.constant 1 : i32
    scf.for %while3A_230 = %while3A_226 to %while3A_222 step %while3A_228  : i32 {
      %mul3A_231 = arith.constant 2 : i32
      %mul3A_232 = arith.muli %mul3A_231, %while3A_230 : i32
      %add3A_233 = arith.constant 0 : i32
      %add3A_234 = arith.addi %mul3A_232, %add3A_233 : i32
      %lt3A_235 = arith.cmpi slt, %add3A_234, %sub3A_152 : i32
      %convert_element_type3A = arith.extui %lt3A_235 : i1 to i32
      %cond3A = arith.constant 0 : i32
      %cond3A_236 = arith.cmpi ne, %convert_element_type3A, %cond3A : i32
      scf.if %cond3A_236 {
        %add3A_243 = arith.addi %sub3A_179, %add3A_234 : i32
        %dma_wait3A_244 = arith.constant 0 : i32
        %dma_wait3A_245 = tpu.memref_slice %arg6[%add3A_243, %dma_wait3A_244] : memref<48x128xi32, #tpu.memory_space<vmem>> -> memref<1x128xi32, #tpu.memory_space<vmem>>
        %dma_wait3A_246 = tpu.memref_squeeze %dma_wait3A_245 : memref<1x128xi32, #tpu.memory_space<vmem>> -> memref<128xi32, #tpu.memory_space<vmem>>
        %dma_wait3A_247 = arith.constant 0 : i32
        %dma_wait3A_248 = arith.constant 0 : i32
        %dma_wait3A_249 = tpu.memref_slice %arg2[%dma_wait3A_247, %dma_wait3A_248] : memref<10000x128xf32, #tpu.memory_space<hbm>> -> memref<10000x128xf32, #tpu.memory_space<hbm>>
        tpu.wait_indirect_dma semaphore(%arg11 : memref<!tpu.dma_semaphore, #tpu.memory_space<semaphore_mem>>) src(%dma_wait3A_249 : memref<10000x128xf32, #tpu.memory_space<hbm>>) dst(%arg8 : memref<128x128xf32, #tpu.memory_space<vmem>>)
        %add3A_250 = arith.addi %sub3A_179, %add3A_234 : i32
        "tpu.region"() ({
          %run_scoped3A = tpu.sem_alloc : memref<!tpu.dma_semaphore, #tpu.memory_space<semaphore_mem>>
          %dma_start3A_257 = arith.constant 0 : i32
          %dma_start3A_258 = tpu.memref_slice %arg7[%add3A_250, %dma_start3A_257] : memref<48x128xi32, #tpu.memory_space<vmem>> -> memref<1x128xi32, #tpu.memory_space<vmem>>
          %dma_start3A_259 = tpu.memref_squeeze %dma_start3A_258 : memref<1x128xi32, #tpu.memory_space<vmem>> -> memref<128xi32, #tpu.memory_space<vmem>>
          %dma_start3A_260 = arith.constant 0 : i32
          %dma_start3A_261 = arith.constant 0 : i32
          %dma_start3A_262 = tpu.memref_slice %arg10[%dma_start3A_260, %dma_start3A_261] : memref<10112x128xf32, #tpu.memory_space<vmem_shared>> -> memref<10112x128xf32, #tpu.memory_space<vmem_shared>>
          tpu.enqueue_indirect_dma source(%arg8 : memref<128x128xf32, #tpu.memory_space<vmem>>) target(%dma_start3A_262 : memref<10112x128xf32, #tpu.memory_space<vmem_shared>>) offsets(%dma_start3A_259 : memref<128xi32, #tpu.memory_space<vmem>>) semaphore(%run_scoped3A : memref<!tpu.dma_semaphore, #tpu.memory_space<semaphore_mem>>) {add = true}
          %dma_wait3A_263 = arith.constant 0 : i32
          %dma_wait3A_264 = tpu.memref_slice %arg7[%add3A_250, %dma_wait3A_263] : memref<48x128xi32, #tpu.memory_space<vmem>> -> memref<1x128xi32, #tpu.memory_space<vmem>>
          %dma_wait3A_265 = tpu.memref_squeeze %dma_wait3A_264 : memref<1x128xi32, #tpu.memory_space<vmem>> -> memref<128xi32, #tpu.memory_space<vmem>>
          %dma_wait3A_266 = arith.constant 0 : i32
          %dma_wait3A_267 = arith.constant 0 : i32
          %dma_wait3A_268 = tpu.memref_slice %arg10[%dma_wait3A_266, %dma_wait3A_267] : memref<10112x128xf32, #tpu.memory_space<vmem_shared>> -> memref<10112x128xf32, #tpu.memory_space<vmem_shared>>
          tpu.wait_indirect_dma semaphore(%run_scoped3A : memref<!tpu.dma_semaphore, #tpu.memory_space<semaphore_mem>>) src(%arg8 : memref<128x128xf32, #tpu.memory_space<vmem>>) dst(%dma_wait3A_268 : memref<10112x128xf32, #tpu.memory_space<vmem_shared>>)
          tpu.yield
        }) : () -> ()
        %add3A_251 = arith.constant 2 : i32
        %add3A_252 = arith.addi %add3A_234, %add3A_251 : i32
        %lt3A_253 = arith.cmpi slt, %add3A_252, %sub3A_152 : i32
        %convert_element_type3A_254 = arith.extui %lt3A_253 : i1 to i32
        %cond3A_255 = arith.constant 0 : i32
        %cond3A_256 = arith.cmpi ne, %convert_element_type3A_254, %cond3A_255 : i32
        scf.if %cond3A_256 {
          %add3A_257 = arith.addi %sub3A_179, %add3A_234 : i32
          %add3A_258 = arith.constant 2 : i32
          %add3A_259 = arith.addi %add3A_257, %add3A_258 : i32
          %dma_start3A_260 = arith.constant 0 : i32
          %dma_start3A_261 = tpu.memref_slice %arg6[%add3A_259, %dma_start3A_260] : memref<48x128xi32, #tpu.memory_space<vmem>> -> memref<1x128xi32, #tpu.memory_space<vmem>>
          %dma_start3A_262 = tpu.memref_squeeze %dma_start3A_261 : memref<1x128xi32, #tpu.memory_space<vmem>> -> memref<128xi32, #tpu.memory_space<vmem>>
          %dma_start3A_263 = arith.constant 0 : i32
          %dma_start3A_264 = arith.constant 0 : i32
          %dma_start3A_265 = tpu.memref_slice %arg2[%dma_start3A_263, %dma_start3A_264] : memref<10000x128xf32, #tpu.memory_space<hbm>> -> memref<10000x128xf32, #tpu.memory_space<hbm>>
          tpu.enqueue_indirect_dma source(%dma_start3A_265 : memref<10000x128xf32, #tpu.memory_space<hbm>>) target(%arg8 : memref<128x128xf32, #tpu.memory_space<vmem>>) offsets(%dma_start3A_262 : memref<128xi32, #tpu.memory_space<vmem>>) semaphore(%arg11 : memref<!tpu.dma_semaphore, #tpu.memory_space<semaphore_mem>>)
        } else {
        }
      } else {
      }
      %add3A_237 = arith.constant 1 : i32
      %add3A_238 = arith.addi %mul3A_232, %add3A_237 : i32
      %lt3A_239 = arith.cmpi slt, %add3A_238, %sub3A_152 : i32
      %convert_element_type3A_240 = arith.extui %lt3A_239 : i1 to i32
      %cond3A_241 = arith.constant 0 : i32
      %cond3A_242 = arith.cmpi ne, %convert_element_type3A_240, %cond3A_241 : i32
      scf.if %cond3A_242 {
        %add3A_243 = arith.addi %sub3A_179, %add3A_238 : i32
        %dma_wait3A_244 = arith.constant 0 : i32
        %dma_wait3A_245 = tpu.memref_slice %arg6[%add3A_243, %dma_wait3A_244] : memref<48x128xi32, #tpu.memory_space<vmem>> -> memref<1x128xi32, #tpu.memory_space<vmem>>
        %dma_wait3A_246 = tpu.memref_squeeze %dma_wait3A_245 : memref<1x128xi32, #tpu.memory_space<vmem>> -> memref<128xi32, #tpu.memory_space<vmem>>
        %dma_wait3A_247 = arith.constant 0 : i32
        %dma_wait3A_248 = arith.constant 0 : i32
        %dma_wait3A_249 = tpu.memref_slice %arg2[%dma_wait3A_247, %dma_wait3A_248] : memref<10000x128xf32, #tpu.memory_space<hbm>> -> memref<10000x128xf32, #tpu.memory_space<hbm>>
        tpu.wait_indirect_dma semaphore(%arg12 : memref<!tpu.dma_semaphore, #tpu.memory_space<semaphore_mem>>) src(%dma_wait3A_249 : memref<10000x128xf32, #tpu.memory_space<hbm>>) dst(%arg9 : memref<128x128xf32, #tpu.memory_space<vmem>>)
        %add3A_250 = arith.addi %sub3A_179, %add3A_238 : i32
        "tpu.region"() ({
          %run_scoped3A = tpu.sem_alloc : memref<!tpu.dma_semaphore, #tpu.memory_space<semaphore_mem>>
          %dma_start3A_257 = arith.constant 0 : i32
          %dma_start3A_258 = tpu.memref_slice %arg7[%add3A_250, %dma_start3A_257] : memref<48x128xi32, #tpu.memory_space<vmem>> -> memref<1x128xi32, #tpu.memory_space<vmem>>
          %dma_start3A_259 = tpu.memref_squeeze %dma_start3A_258 : memref<1x128xi32, #tpu.memory_space<vmem>> -> memref<128xi32, #tpu.memory_space<vmem>>
          %dma_start3A_260 = arith.constant 0 : i32
          %dma_start3A_261 = arith.constant 0 : i32
          %dma_start3A_262 = tpu.memref_slice %arg10[%dma_start3A_260, %dma_start3A_261] : memref<10112x128xf32, #tpu.memory_space<vmem_shared>> -> memref<10112x128xf32, #tpu.memory_space<vmem_shared>>
          tpu.enqueue_indirect_dma source(%arg9 : memref<128x128xf32, #tpu.memory_space<vmem>>) target(%dma_start3A_262 : memref<10112x128xf32, #tpu.memory_space<vmem_shared>>) offsets(%dma_start3A_259 : memref<128xi32, #tpu.memory_space<vmem>>) semaphore(%run_scoped3A : memref<!tpu.dma_semaphore, #tpu.memory_space<semaphore_mem>>) {add = true}
          %dma_wait3A_263 = arith.constant 0 : i32
          %dma_wait3A_264 = tpu.memref_slice %arg7[%add3A_250, %dma_wait3A_263] : memref<48x128xi32, #tpu.memory_space<vmem>> -> memref<1x128xi32, #tpu.memory_space<vmem>>
          %dma_wait3A_265 = tpu.memref_squeeze %dma_wait3A_264 : memref<1x128xi32, #tpu.memory_space<vmem>> -> memref<128xi32, #tpu.memory_space<vmem>>
          %dma_wait3A_266 = arith.constant 0 : i32
          %dma_wait3A_267 = arith.constant 0 : i32
          %dma_wait3A_268 = tpu.memref_slice %arg10[%dma_wait3A_266, %dma_wait3A_267] : memref<10112x128xf32, #tpu.memory_space<vmem_shared>> -> memref<10112x128xf32, #tpu.memory_space<vmem_shared>>
          tpu.wait_indirect_dma semaphore(%run_scoped3A : memref<!tpu.dma_semaphore, #tpu.memory_space<semaphore_mem>>) src(%arg9 : memref<128x128xf32, #tpu.memory_space<vmem>>) dst(%dma_wait3A_268 : memref<10112x128xf32, #tpu.memory_space<vmem_shared>>)
          tpu.yield
        }) : () -> ()
        %add3A_251 = arith.constant 2 : i32
        %add3A_252 = arith.addi %add3A_238, %add3A_251 : i32
        %lt3A_253 = arith.cmpi slt, %add3A_252, %sub3A_152 : i32
        %convert_element_type3A_254 = arith.extui %lt3A_253 : i1 to i32
        %cond3A_255 = arith.constant 0 : i32
        %cond3A_256 = arith.cmpi ne, %convert_element_type3A_254, %cond3A_255 : i32
        scf.if %cond3A_256 {
          %add3A_257 = arith.addi %sub3A_179, %add3A_238 : i32
          %add3A_258 = arith.constant 2 : i32
          %add3A_259 = arith.addi %add3A_257, %add3A_258 : i32
          %dma_start3A_260 = arith.constant 0 : i32
          %dma_start3A_261 = tpu.memref_slice %arg6[%add3A_259, %dma_start3A_260] : memref<48x128xi32, #tpu.memory_space<vmem>> -> memref<1x128xi32, #tpu.memory_space<vmem>>
          %dma_start3A_262 = tpu.memref_squeeze %dma_start3A_261 : memref<1x128xi32, #tpu.memory_space<vmem>> -> memref<128xi32, #tpu.memory_space<vmem>>
          %dma_start3A_263 = arith.constant 0 : i32
          %dma_start3A_264 = arith.constant 0 : i32
          %dma_start3A_265 = tpu.memref_slice %arg2[%dma_start3A_263, %dma_start3A_264] : memref<10000x128xf32, #tpu.memory_space<hbm>> -> memref<10000x128xf32, #tpu.memory_space<hbm>>
          tpu.enqueue_indirect_dma source(%dma_start3A_265 : memref<10000x128xf32, #tpu.memory_space<hbm>>) target(%arg9 : memref<128x128xf32, #tpu.memory_space<vmem>>) offsets(%dma_start3A_262 : memref<128xi32, #tpu.memory_space<vmem>>) semaphore(%arg12 : memref<!tpu.dma_semaphore, #tpu.memory_space<semaphore_mem>>)
        } else {
        }
      } else {
      }
    }
    %barrier3A_229 = arith.constant 0 : index
    tpu.barrier barrier_id(%barrier3A_229)
    "tpu.region"() ({
      %run_scoped3A = tpu.sem_alloc : memref<!tpu.dma_semaphore, #tpu.memory_space<semaphore_mem>>
      %dma_start3A_230 = arith.constant 0 : i32
      %dma_start3A_231 = arith.constant 0 : i32
      %dma_start3A_232 = tpu.memref_slice %arg5[%arg0, %dma_start3A_230, %dma_start3A_231] : memref<2x10112x128xf32, #tpu.memory_space<hbm>> -> memref<1x10112x128xf32, #tpu.memory_space<hbm>>
      %dma_start3A_233 = tpu.memref_squeeze %dma_start3A_232 : memref<1x10112x128xf32, #tpu.memory_space<hbm>> -> memref<10112x128xf32, #tpu.memory_space<hbm>>
      %dma_start3A_234 = arith.constant 0 : i32
      %dma_start3A_235 = tpu.memref_slice %dma_start3A_233[%mul3A_0, %dma_start3A_234] : memref<10112x128xf32, #tpu.memory_space<hbm>> -> memref<632x128xf32, #tpu.memory_space<hbm>>
      %dma_start3A_236 = arith.constant 0 : i32
      %dma_start3A_237 = tpu.memref_slice %arg10[%mul3A_0, %dma_start3A_236] : memref<10112x128xf32, #tpu.memory_space<vmem_shared>> -> memref<632x128xf32, #tpu.memory_space<vmem_shared>>
      tpu.enqueue_dma source(%dma_start3A_237 : memref<632x128xf32, #tpu.memory_space<vmem_shared>>) target(%dma_start3A_235 : memref<632x128xf32, #tpu.memory_space<hbm>>) target_semaphore(%run_scoped3A : memref<!tpu.dma_semaphore, #tpu.memory_space<semaphore_mem>>)
      %dma_wait3A_238 = arith.constant 0 : i32
      %dma_wait3A_239 = arith.constant 0 : i32
      %dma_wait3A_240 = tpu.memref_slice %arg5[%arg0, %dma_wait3A_238, %dma_wait3A_239] : memref<2x10112x128xf32, #tpu.memory_space<hbm>> -> memref<1x10112x128xf32, #tpu.memory_space<hbm>>
      %dma_wait3A_241 = tpu.memref_squeeze %dma_wait3A_240 : memref<1x10112x128xf32, #tpu.memory_space<hbm>> -> memref<10112x128xf32, #tpu.memory_space<hbm>>
      %dma_wait3A_242 = arith.constant 0 : i32
      %dma_wait3A_243 = tpu.memref_slice %dma_wait3A_241[%mul3A_0, %dma_wait3A_242] : memref<10112x128xf32, #tpu.memory_space<hbm>> -> memref<632x128xf32, #tpu.memory_space<hbm>>
      %dma_wait3A_244 = arith.constant 0 : i32
      %dma_wait3A_245 = tpu.memref_slice %arg10[%mul3A_0, %dma_wait3A_244] : memref<10112x128xf32, #tpu.memory_space<vmem_shared>> -> memref<632x128xf32, #tpu.memory_space<vmem_shared>>
      tpu.wait_dma2 semaphore(%run_scoped3A : memref<!tpu.dma_semaphore, #tpu.memory_space<semaphore_mem>>) src(%dma_wait3A_245 : memref<632x128xf32, #tpu.memory_space<vmem_shared>>) dst(%dma_wait3A_243 : memref<632x128xf32, #tpu.memory_space<hbm>>)
      tpu.yield
    }) : () -> ()
    return
  }
}

module attributes {stable_mosaic.version = 14 : i64} {
  func.func @_tc_mlp(%arg0: i32, %arg1: memref<2x1000x128xf32, #tpu.memory_space<vmem>>, %arg2: memref<256x128xf32, #tpu.memory_space<vmem>>, %arg3: memref<1x256xf32, #tpu.memory_space<vmem>>, %arg4: memref<128x256xf32, #tpu.memory_space<vmem>>, %arg5: memref<1000x128xf32, #tpu.memory_space<vmem>>) attributes {dimension_semantics = [#tpu.dimension_semantics<arbitrary>], iteration_bounds = array<i64: 10>, scalar_prefetch = 0 : i64, scratch_operands = 0 : i64, tpu.core_type = #tpu.core_type<tc>, window_params = [{transform_indices = @transform_0, window_bounds = array<i64: 2, 1000, 128>}, {pipeline_mode = #tpu.pipeline_mode<synchronous>, transform_indices = @transform_1, window_bounds = array<i64: 256, 128>}, {pipeline_mode = #tpu.pipeline_mode<synchronous>, transform_indices = @transform_2, window_bounds = array<i64: 1, 256>}, {pipeline_mode = #tpu.pipeline_mode<synchronous>, transform_indices = @transform_3, window_bounds = array<i64: 128, 256>}, {transform_indices = @transform_4, window_bounds = array<i64: 1000, 128>}]} {
    %get3A = arith.constant 0 : index
    %get3A_0 = arith.constant 0 : index
    %get3A_1 = arith.constant 0 : index
    %get3A_2 = vector.load %arg1[%get3A, %get3A_0, %get3A_1] : memref<2x1000x128xf32, #tpu.memory_space<vmem>>, vector<1x1000x128xf32>
    %get3A_3 = vector.shape_cast %get3A_2 : vector<1x1000x128xf32> to vector<1000x128xf32>
    %get3A_4 = arith.constant 1 : index
    %get3A_5 = arith.constant 0 : index
    %get3A_6 = arith.constant 0 : index
    %get3A_7 = vector.load %arg1[%get3A_4, %get3A_5, %get3A_6] : memref<2x1000x128xf32, #tpu.memory_space<vmem>>, vector<1x1000x128xf32>
    %get3A_8 = vector.shape_cast %get3A_7 : vector<1x1000x128xf32> to vector<1000x128xf32>
    %add3A = arith.addf %get3A_3, %get3A_8 : vector<1000x128xf32>
    %get3A_9 = arith.constant 0 : index
    %get3A_10 = arith.constant 0 : index
    %get3A_11 = vector.load %arg2[%get3A_9, %get3A_10] : memref<256x128xf32, #tpu.memory_space<vmem>>, vector<256x128xf32>
    %dot_general3A = arith.constant dense<0.000000e+00> : vector<1000x256xf32>
    %dot_general3A_12 = tpu.matmul %add3A, %get3A_11, %dot_general3A {dimension_numbers = #tpu.dot_dimension_numbers<[1], [1], [0], [0], [0, 0, 1, 0], [], []>, transpose_lhs_hint = false} : vector<1000x128xf32>, vector<256x128xf32>, vector<1000x256xf32> -> vector<1000x256xf32>
    %get3A_13 = arith.constant 0 : index
    %get3A_14 = arith.constant 0 : index
    %get3A_15 = vector.load %arg3[%get3A_13, %get3A_14] : memref<1x256xf32, #tpu.memory_space<vmem>>, vector<1x256xf32>
    %add3A_16 = vector.broadcast %get3A_15 : vector<1x256xf32> to vector<1000x256xf32>
    %add3A_17 = arith.addf %dot_general3A_12, %add3A_16 : vector<1000x256xf32>
    %max3A = arith.constant 0.000000e+00 : f32
    %max3A_18 = vector.broadcast %max3A : f32 to vector<1000x256xf32>
    %max3A_19 = arith.maximumf %add3A_17, %max3A_18 : vector<1000x256xf32>
    %get3A_20 = arith.constant 0 : index
    %get3A_21 = arith.constant 0 : index
    %get3A_22 = vector.load %arg4[%get3A_20, %get3A_21] : memref<128x256xf32, #tpu.memory_space<vmem>>, vector<128x256xf32>
    %dot_general3A_23 = arith.constant dense<0.000000e+00> : vector<1000x128xf32>
    %dot_general3A_24 = tpu.matmul %max3A_19, %get3A_22, %dot_general3A_23 {dimension_numbers = #tpu.dot_dimension_numbers<[1], [1], [0], [0], [0, 0, 1, 0], [], []>, transpose_lhs_hint = false} : vector<1000x256xf32>, vector<128x256xf32>, vector<1000x128xf32> -> vector<1000x128xf32>
    %swap3A = arith.constant 0 : index
    %swap3A_25 = arith.constant 0 : index
    %swap3A_26 = vector.load %arg5[%swap3A, %swap3A_25] : memref<1000x128xf32, #tpu.memory_space<vmem>>, vector<1000x128xf32>
    tpu.vector_store %arg5[%swap3A, %swap3A_25], %dot_general3A_24 {strides = array<i32>} : memref<1000x128xf32, #tpu.memory_space<vmem>>, vector<1000x128xf32>,
    return
  }
  func.func @transform_0(%arg0: i32) -> (i32, i32, i32) {
    %c0_i32 = arith.constant 0 : i32
    %c0_i32_0 = arith.constant 0 : i32
    %c0_i32_1 = arith.constant 0 : i32
    return %c0_i32, %arg0, %c0_i32_0 : i32, i32, i32
  }
  func.func @transform_1(%arg0: i32) -> (i32, i32) {
    %c0_i32 = arith.constant 0 : i32
    %c0_i32_0 = arith.constant 0 : i32
    %c0_i32_1 = arith.constant 0 : i32
    return %c0_i32, %c0_i32_0 : i32, i32
  }
  func.func @transform_2(%arg0: i32) -> (i32, i32) {
    %c0_i32 = arith.constant 0 : i32
    %c0_i32_0 = arith.constant 0 : i32
    %c0_i32_1 = arith.constant 0 : i32
    return %c0_i32, %c0_i32_0 : i32, i32
  }
  func.func @transform_3(%arg0: i32) -> (i32, i32) {
    %c0_i32 = arith.constant 0 : i32
    %c0_i32_0 = arith.constant 0 : i32
    %c0_i32_1 = arith.constant 0 : i32
    return %c0_i32, %c0_i32_0 : i32, i32
  }
  func.func @transform_4(%arg0: i32) -> (i32, i32) {
    %c0_i32 = arith.constant 0 : i32
    %c0_i32_0 = arith.constant 0 : i32
    return %arg0, %c0_i32 : i32, i32
  }
}

module attributes {stable_mosaic.version = 14 : i64} {
  func.func @_tc_bias_relu(%arg0: i32, %arg1: memref<2x1000x128xf32, #tpu.memory_space<vmem>>, %arg2: memref<1x128xf32, #tpu.memory_space<vmem>>, %arg3: memref<1000x128xf32, #tpu.memory_space<vmem>>) attributes {dimension_semantics = [#tpu.dimension_semantics<arbitrary>], iteration_bounds = array<i64: 10>, scalar_prefetch = 0 : i64, scratch_operands = 0 : i64, tpu.core_type = #tpu.core_type<tc>, window_params = [{transform_indices = @transform_0, window_bounds = array<i64: 2, 1000, 128>}, {pipeline_mode = #tpu.pipeline_mode<synchronous>, transform_indices = @transform_1, window_bounds = array<i64: 1, 128>}, {transform_indices = @transform_2, window_bounds = array<i64: 1000, 128>}]} {
    %get3A = arith.constant 0 : index
    %get3A_0 = arith.constant 0 : index
    %get3A_1 = arith.constant 0 : index
    %get3A_2 = vector.load %arg1[%get3A, %get3A_0, %get3A_1] : memref<2x1000x128xf32, #tpu.memory_space<vmem>>, vector<1x1000x128xf32>
    %get3A_3 = vector.shape_cast %get3A_2 : vector<1x1000x128xf32> to vector<1000x128xf32>
    %get3A_4 = arith.constant 1 : index
    %get3A_5 = arith.constant 0 : index
    %get3A_6 = arith.constant 0 : index
    %get3A_7 = vector.load %arg1[%get3A_4, %get3A_5, %get3A_6] : memref<2x1000x128xf32, #tpu.memory_space<vmem>>, vector<1x1000x128xf32>
    %get3A_8 = vector.shape_cast %get3A_7 : vector<1x1000x128xf32> to vector<1000x128xf32>
    %add3A = arith.addf %get3A_3, %get3A_8 : vector<1000x128xf32>
    %get3A_9 = arith.constant 0 : index
    %get3A_10 = arith.constant 0 : index
    %get3A_11 = vector.load %arg2[%get3A_9, %get3A_10] : memref<1x128xf32, #tpu.memory_space<vmem>>, vector<1x128xf32>
    %add3A_12 = vector.broadcast %get3A_11 : vector<1x128xf32> to vector<1000x128xf32>
    %add3A_13 = arith.addf %add3A, %add3A_12 : vector<1000x128xf32>
    %max3A = arith.constant 0.000000e+00 : f32
    %max3A_14 = vector.broadcast %max3A : f32 to vector<1000x128xf32>
    %max3A_15 = arith.maximumf %add3A_13, %max3A_14 : vector<1000x128xf32>
    %swap3A = arith.constant 0 : index
    %swap3A_16 = arith.constant 0 : index
    %swap3A_17 = vector.load %arg3[%swap3A, %swap3A_16] : memref<1000x128xf32, #tpu.memory_space<vmem>>, vector<1000x128xf32>
    tpu.vector_store %arg3[%swap3A, %swap3A_16], %max3A_15 {strides = array<i32>} : memref<1000x128xf32, #tpu.memory_space<vmem>>, vector<1000x128xf32>,
    return
  }
  func.func @transform_0(%arg0: i32) -> (i32, i32, i32) {
    %c0_i32 = arith.constant 0 : i32
    %c0_i32_0 = arith.constant 0 : i32
    %c0_i32_1 = arith.constant 0 : i32
    return %c0_i32, %arg0, %c0_i32_0 : i32, i32, i32
  }
  func.func @transform_1(%arg0: i32) -> (i32, i32) {
    %c0_i32 = arith.constant 0 : i32
    %c0_i32_0 = arith.constant 0 : i32
    %c0_i32_1 = arith.constant 0 : i32
    return %c0_i32, %c0_i32_0 : i32, i32
  }
  func.func @transform_2(%arg0: i32) -> (i32, i32) {
    %c0_i32 = arith.constant 0 : i32
    %c0_i32_0 = arith.constant 0 : i32
    return %arg0, %c0_i32 : i32, i32
  }
}

</mosaic_0001>

<sc_bundles>
// kernel: kernel.6.cloned.1.call-start
scs
__scs_entry_jumppad:
0x0: {  	(pc) =	sbr.rel $0x88, $3  }
0x1: {  	(tag) =	ssettag $0x0;
	lr =	simm.s32 $0x1  }
0x2: {  	[smem:$0x3F9B] =	sst lr;
	_ =	strace $0xD0000000  }
0x3: {  	_ = 	snop  }
0x4: {  	_ = 	snop  }
0x5: {  	_ = 	snop  }
0x6: {  	_ = 	snop  }
0x7: {  	_ = 	snop  }
__scs_overlays_trampoline_lowered:
0x8: {  	[smem:$0x3FAA] =	sst s0  }
0x9: {  	[smem:$0x3FAB] =	sst s1  }
0xa: {  	[smem:$0x3FAC] =	sst s2  }
0xb: {  	[smem:$0x3FAD] =	sst s3  }
0xc: {  	[smem:$0x3FAE] =	sst s4  }
0xd: {  	[smem:$0x3FAF] =	sst s5  }
0xe: {  	[smem:$0x3FB0] =	sst s6  }
0xf: {  	[smem:$0x3FB1] =	sst s7  }
0x10: {  	[smem:$0x3FB2] =	sst s8  }
0x11: {  	[smem:$0x3FB3] =	sst s9;
	s0 =	simm.s32 @!p0 $0x0  }
0x12: {  	s1 =	sld [smem:$0x3F99];
	s0 =	simm.s32 @p0 $0x1  }
0x13: {  	[smem:$0x3FB4] =	sst s0;
	s0 =	simm.s32 @!p1 $0x0  }
0x14: {  	s2 =	sld [smem:$0x3F98];
	s0 =	simm.s32 @p1 $0x1  }
0x15: {  	[smem:$0x3FB5] =	sst s0;
	s0 =	simm.s32 @!p2 $0x0  }
0x16: {  	s3 =	sld [smem:$0x3FDB];
	s0 =	simm.s32 @p2 $0x1  }
0x17: {  	s4 =	simm.s32 $0x1BF5;
	[smem:$0x3FB7] =	sst s0  }
0x18: {  	s0 =	sld [smem:$0x3F9A];
	_ =	swait.ge [sflag:s4], $0x0  }
0x19: {  	s7 =	sld [smem:$0x3F9B]  }
0x1a: {  	s8 =	sadd.s32 $0xFFFFE003, lr  }
0x1b: {  	s9 =	sadd.s32 $0xFFFFFEF7, lr;
	s5 =	simm.s32 $0xFFFFFFFF;
	p2 =	slt.u32 s8, $0xFFFFF086  }
0x1c: {  	p1 =	slt.u32 s9, $0xF7A;
	s5 =	simm.s32 @!p2 $0x0  }
0x1d: {  	s5 =	simm.s32 @p1 $0x1;
	p0 =	seq.s32 s7, s2  }
0x1e: {  	s7 =	smul.u32 @!p0 $0xF7A, s2;
	p2 =	seq.s32 @!p0 s5, $0x0  }
0x1f: {  	s9 =	smul.u32 $0xF7A, s1;
	s8 =	simm.s32 @!p0 $0x1BF5;
	p2 =	por !p2, p0  }
0x20: {  	[sflag:s8] =	ssyncset.s32 @!p0 $0xFFFFF086;
	s6 =	sadd.s32 @!p0 s3, s7;
	s7 =	simm.s32 @!p0 $0x108  }
0x21: {  	s3 =	sadd.s32 s3, s9;
	s6 =	sadd.s32 @!p0 $0x88, s6;
	s7 =	simm.s32 @p2 $0x1082  }
0x22: {  	[simem:s7], [sflag:s8] =	dma.local @!p0 [hbm:s6], $0xF7A  }
0x23: {  	s9 =	sor.u32 $0xD0000000, s2;
	s6 =	simm.s32 $0x108;
	_ =	swait.ge @!p0 [sflag:s8], $0x0  }
0x24: {  	s3 =	sadd.s32 $0x88, s3;
	s6 =	simm.s32 @!p1 $0x1082;
	[sflag:s4] =	ssyncset.s32 $0xFFFFF086  }
0x25: {  	[simem:s6], [sflag:s4] =	dma.local [hbm:s3], $0xF7A  }
0x26: {  	[smem:$0x3F9B] =	sst s1;
	(tag) =	ssettag s2;
	_ =	strace s9  }
0x27: {  	s1 =	sld [smem:$0x3FAB]  }
0x28: {  	s2 =	sld [smem:$0x3FAC]  }
0x29: {  	s4 =	sld [smem:$0x3FAE]  }
0x2a: {  	p0 =	seq.s32 s5, $0x0;
	s5 =	sld [smem:$0x3FAF]  }
0x2b: {  	s6 =	sld [smem:$0x3FB0]  }
0x2c: {  	s7 =	sld [smem:$0x3FB1]  }
0x2d: {  	s3 =	simm.s32 $0x108;
	s8 =	sld [smem:$0x3FB2]  }
0x2e: {  	s3 =	simm.s32 @!p0 $0x1082;
	s9 =	sld [smem:$0x3FB3]  }
0x2f: {  	lr =	sadd.s32 s0, s3;
	s0 =	sld [smem:$0x3FAA]  }
0x30: {  	s3 =	sld [smem:$0x3FAD]  }
0x31: {  	[smem:$0x3FB6] =	sst s10  }
0x32: {  	s10 =	sld [smem:$0x3FB4];
	_ =	sdelay $0x3  }
0x33: {  	p0 =	seq.s32 s10, $0x1;
	s10 =	sld [smem:$0x3FB6];
	_ =	sdelay $0x3  }
0x34: {  	[smem:$0x3FB6] =	sst s10  }
0x35: {  	s10 =	sld [smem:$0x3FB5];
	_ =	sdelay $0x3  }
0x36: {  	p1 =	seq.s32 s10, $0x1;
	s10 =	sld [smem:$0x3FB6];
	_ =	sdelay $0x3  }
0x37: {  	[smem:$0x3FB6] =	sst s10  }
0x38: {  	s10 =	sld [smem:$0x3FB7]  }
0x39: {  	_ = 	snop;
	(pc) =	sbr.ind lr, $3  }
0x3a: {  	_ = 	snop  }
0x3b: {  	_ = 	snop  }
0x3c: {  	p2 =	seq.s32 s10, $0x1;
	s10 =	sld [smem:$0x3FB6]  }
0x3d: {  	_ =	shalt  }
0x3e: {  	_ =	shalt  }
0x3f: {  	_ =	shalt  }
0x40: {  	_ =	shalt  }
0x41: {  	_ =	shalt  }
0x42: {  	_ =	shalt  }
0x43: {  	_ =	shalt  }
0x44: {  	_ =	shalt  }
0x45: {  	_ =	shalt  }
0x46: {  	_ =	shalt  }
0x47: {  	_ =	shalt  }
0x48: {  	_ =	shalt  }
0x49: {  	_ =	shalt  }
0x4a: {  	_ =	shalt  }
0x4b: {  	_ =	shalt  }
0x4c: {  	_ =	shalt  }
0x4d: {  	_ =	shalt  }
0x4e: {  	_ =	shalt  }
0x4f: {  	_ =	shalt  }
0x50: {  	_ =	shalt  }
0x51: {  	_ =	shalt  }
0x52: {  	_ =	shalt  }
0x53: {  	_ =	shalt  }
0x54: {  	_ =	shalt  }
0x55: {  	_ =	shalt  }
0x56: {  	_ =	shalt  }
0x57: {  	_ =	shalt  }
0x58: {  	_ =	shalt  }
0x59: {  	_ =	shalt  }
0x5a: {  	_ =	shalt  }
0x5b: {  	_ =	shalt  }
0x5c: {  	_ =	shalt  }
0x5d: {  	_ =	shalt  }
0x5e: {  	_ =	shalt  }
0x5f: {  	_ =	shalt  }
0x60: {  	_ =	shalt  }
0x61: {  	_ =	shalt  }
0x62: {  	_ =	shalt  }
0x63: {  	_ =	shalt  }
0x64: {  	_ =	shalt  }
0x65: {  	_ =	shalt  }
0x66: {  	_ =	shalt  }
0x67: {  	_ =	shalt  }
0x68: {  	_ =	shalt  }
0x69: {  	_ =	shalt  }
0x6a: {  	_ =	shalt  }
0x6b: {  	_ =	shalt  }
0x6c: {  	_ =	shalt  }
0x6d: {  	_ =	shalt  }
0x6e: {  	_ =	shalt  }
0x6f: {  	_ =	shalt  }
0x70: {  	_ =	shalt  }
0x71: {  	_ =	shalt  }
0x72: {  	_ =	shalt  }
0x73: {  	_ =	shalt  }
0x74: {  	_ =	shalt  }
0x75: {  	_ =	shalt  }
0x76: {  	_ =	shalt  }
0x77: {  	_ =	shalt  }
0x78: {  	_ =	shalt  }
0x79: {  	_ =	shalt  }
0x7a: {  	_ =	shalt  }
0x7b: {  	_ =	shalt  }
0x7c: {  	_ =	shalt  }
0x7d: {  	_ =	shalt  }
0x7e: {  	_ =	shalt  }
0x7f: {  	_ =	shalt  }
0x80: {  	_ =	shalt  }
0x81: {  	_ =	shalt  }
0x82: {  	_ =	shalt  }
0x83: {  	_ =	shalt  }
0x84: {  	_ =	shalt  }
0x85: {  	_ =	shalt  }
0x86: {  	_ =	shalt  }
0x87: {  	_ =	shalt  }
.Lfunc_end0:
.L_simem_size_0:
called_computation_lowered:
.L_overlay_start_0:
0x88: {  	s2 =	sld [smem:$0x3FD9]  }
0x89: {  	s3 =	sld [smem:$0x3FFE];
	_ =	sdelay $0x1  }
0x8a: {  	s1 =	srdreg.scid  }
0x8b: {  	s0 =	sand.u32 $0x1, s1  }
0x8c: {  	s17 =	sshll.u32 s0, $0xA;
	s2 =	sadd.s32 s3, s2  }
0x8d: {  	s2 =	sadd.s32 s2, s17  }
0x8e: {  	[smem:$0x3FC2] =	sst s2  }
0x8f: {  	_ = 	snop  }
0x90: {  	s2 =	sld [smem:$0x3FC9];
	(tm) =	ssettm $0x1  }
0x91: {  	s18 =	sld [smem:$0x3FFB];
	_ =	sdelay $0x3  }
0x92: {  	_ =	strace s18  }
0x93: {  	s3 =	sld [smem:$0x3FFC];
	_ =	sdelay $0x3  }
0x94: {  	_ =	strace s3  }
0x95: {  	s3 =	sld [smem:$0x3FFD];
	_ =	sdelay $0x3  }
0x96: {  	_ =	strace s3  }
0x97: {  	_ =	strace $0x8FFFFFFF  }
0x98: {  	s19 =	sld [smem:$0x3FDB];
	_ =	sdelay $0x1  }
0x99: {  	s4 =	simm.s32 $_scs_section_size  }
0x9a: {  	s5 =	simm.s32 $_size__tile_overlayer_lowered;
	s6 =	simm.s32 $_tile_overlayer_lowered  }
0x9b: {  	s22 =	simm.s32 $0x1BFF;
	s21 =	sshll.u32 s6, $0x1;
	s3 =	sadd.s32 s4, s19  }
0x9c: {  	s7 =	simm.s32 $0x0;
	s20 =	sshll.u32 s5, $0x1;
	s5 =	sadd.s32 s21, s3  }
0x9d: {  	[timem:s7], [sflag:s22] =	dma.local [hbm:s5], s20  }
0x9e: {  	_ =	swait.ge [sflag:s22], s20  }
0x9f: {  	s4 =	ssub.s32 $0x0, s20;
	[sflag:s22] =	ssyncset.done $0x0  }
0xa0: {  	[sflag:s22] =	ssyncadd.s32 s4;
	_ =	sdelay $0x1  }
0xa1: {  	s23 =	simm.s32 $0x1B8B  }
0xa2: {  	_ =	swait.ge [sflag:s23], $0x1  }
0xa3: {  	[sflag:s23] =	ssyncset.done $0x0  }
0xa4: {  	s25 =	simm.s32 $0x1B8E;
	s24 =	sld [smem:$0x3FFE];
	[sflag:s23] =	ssyncadd.s32 $0xFFFFFFFF  }
0xa5: {  	s26 =	simm.s32 $execute0_lowered;
	[smem:$0x3FD2] =	sst s25  }
0xa6: {  	s5 =	sshll.u32 s26, $0x1;
	_ =	strace $0x80000046;
	[dreg:$0x1] =	wrdreg $0xFFFFFFFF  }
0xa7: {  	s28 =	simm.s32 $_size_execute0_lowered;
	s3 =	sadd.s32 s3, s5;
	[dreg:$0x0] =	wrdreg $0x0  }
0xa8: {  	s5 =	sshll.u32 s28, $0x1;
	[dreg:$0x2] =	wrdreg s3  }
0xa9: {  	[dreg:$0x3] =	wrdreg s5  }
0xaa: {  	[dreg:$0x4] =	wrdreg $0xC0  }
0xab: {  	_ =	task [dreg:s7], $0x5FFFF  }
0xac: {  	[dreg:$0x1] =	wrdreg $0xFFFFFFFF  }
0xad: {  	[dreg:$0x0] =	wrdreg $0x60  }
0xae: {  	[dreg:$0x2] =	wrdreg s2  }
0xaf: {  	[dreg:$0x3] =	wrdreg s24  }
0xb0: {  	[dreg:$0x4] =	wrdreg $0xB0000  }
0xb1: {  	[dreg:$0x5] =	wrdreg $0x9  }
0xb2: {  	_ =	task.clear_ibuf [dreg:s7], $0x6FFFF;
	_ =	strace $0x90000046  }
0xb3: {  	s29 =	simm.s32 $0x9;
	_ =	strace $0x80000048  }
0xb4: {  	_ =	swait.ge [sflag:s29], $0x1  }
0xb5: {  	[sflag:s29] =	ssyncadd.s32 $0xFFFFFFFF  }
0xb6: {  	_ =	strace $0x90000048  }
0xb7: {  	_ =	sfence  }
0xb8: {  	s30 =	sld [smem:$0x0];
	_ =	sdelay $0x2  }
0xb9: {  	s31 =	sshll.u32 s1, $0xD;
	s1 =	sshrl.u32 s1, $0x2  }
0xba: {  	s3 =	sand.u32 $0x4000, s31;
	s1 =	sadd.s32 s1, s30  }
0xbb: {  	s0 =	sor.u32 s3, s0;
	s1 =	sshll.u32 s1, $0x11  }
0xbc: {  	s0 =	sor.u32 s1, s0  }
0xbd: {  	s0 =	sadd.s32 $0x8F2B, s0  }
0xbe: {  	[sflag:s0] =	ssyncadd.remote.s32 $0x1  }
0xbf: {  	_ =	sfence.sel $0xFFFF  }
0xc0: {  	[dreg:$0x0] =	wrdreg $0xFFFFFFFF;
	(pc) =	sbr.abs _section_cstart, $3  }
0xc1: {  	[dreg:$0x1] =	wrdreg $0xFFFFFFFF  }
0xc2: {  	_ =	task.clear_ibuf [dreg:s7], $0x2FFFF;
	_ =	strace $0x9FFFFFFF  }
0xc3: {  	(tm) =	ssettm $0x7FFFFFFF  }
tec
execute0_lowered:
.L_overlay_start_1:
0x0: {  	(tag) =	ssettag $0x1  }
0x1: {  	s1 =	rddreg [dreg:$0x0]  }
0x2: {  	s0 =	rddreg [dreg:$0x1]  }
0x3: {  	s2 =	rddreg [dreg:$0x2];
	s3 =	simm.s32 $0x0  }
0x4: {  	s4 =	srdreg.scid;
	s15 =	stileid.u32;
	s28 =	simm.s32 $0x1800  }
0x5: {  	s29 =	simm.s32 $0x3000;
	s30 =	simm.s32 $0x4;
	s31 =	simm.s32 $0x3  }
0x6: {  	[smem:$0x7FF] =	sst s3;
	s4 =	sand.u32 $0x1, s4;
	s6 =	sadd.s32 $0xE00, s0  }
0x7: {  	s7 =	sadd.s32 $0xAE00, s0;
	s22 =	smul.u32 $0x4F000, s15;
	s24 =	sand.u32 $0x7, s15  }
0x8: {  	s19 =	sshll.u32 s15, $0x1;
	s20 =	smul.u32 $0x2780, s15;
	_ =	strace $0x80000047  }
0x9: {  	s5 =	sshll.u32 s4, $0x4;
	s8 =	smul.u32 $0x27800, s4;
	s4 =	ssub.s32 $0x2, s4  }
0xa: {  	p0 =	seq.s32 s24, $0x0;
	s5 =	sor.u32 s15, s5;
	s10 =	sshrl.u32 s4, $0x1  }
0xb: {  	s9 =	smul.u32 $0x4E, s5;
	s5 =	sadd.s32 $0x7, s5;
	s0 =	sadd.s32 s8, s0  }
0xc: {  	s4 =	ssub.s32 s4, s10;
	s11 =	sshrl.u32 s5, $0x3;
	s5 =	sshrl.u32 s22, $0x2  }
0xd: {  	s0 =	sadd.s32 $0x14E00, s0;
	s4 =	smax.u32 s4, $0x1;
	s5 =	sadd.s32 s5, s2  }
0xe: {  	s23 =	sadd.s32 s9, s11;
	[dreg:$0xc] =	wrdreg s4;
	s13 =	sadd.s32 $0x8000, s5  }
0xf: {  	s4 =	simm.s32 $0x7000;
	s14 =	sadd.s32 $0xC000, s5;
	[dreg:$0x7] =	wrdreg s13  }
0x10: {  	s25 =	sshll.u32 s23, $0x4;
	s16 =	sadd.s32 $0x10000, s5;
	[dreg:$0x8] =	wrdreg s14  }
0x11: {  	s8 =	sand.u32 $0x7, s23;
	s26 =	sand.u32 $0x1FFFFF80, s25;
	[dreg:$0x9] =	wrdreg s16  }
0x12: {  	s17 =	sadd.s32 $0x280, s25;
	s14 =	simm.s32 $0x27;
	s16 =	simm.s32 $0x28  }
0x13: {  	s12 =	sadd.s32 s6, s26;
	s9 =	sadd.s32 s7, s26;
	s14 =	simm.s32 @!p0 $0x26  }
0x14: {  	s16 =	simm.s32 @!p0 $0x26;
	[dreg:$0x4] =	wrdreg s12;
	s12 =	sadd.s32 $0x4000, s5  }
0x15: {  	[dreg:$0x6] =	wrdreg s12;
	s12 =	sshll.u32 s8, $0x7;
	s8 =	sand.u32 $0x1FFFFF80, s17  }
0x16: {  	[dreg:$0x5] =	wrdreg s9;
	s21 =	sadd.s32 $0xFFFFFFFE, s14;
	s6 =	sadd.s32 s6, s8  }
0x17: {  	s23 =	sadd.s32 $0xFFFFFFFD, s14;
	s18 =	sadd.s32 s7, s8;
	[dreg:$0xa] =	wrdreg s6  }
0x18: {  	s13 =	sadd.s32 $0x80, s12;
	s24 =	sadd.s32 $0x2B00, s12;
	[dreg:$0xb] =	wrdreg s18  }
0x19: {  	s26 =	sadd.s32 $0x2B80, s12;
	s6 =	ssub.s32 s11, s19;
	[dreg:$0xd] =	wrdreg s24  }
0x1a: {  	s7 =	simm.s32 $0x2;
	[dreg:$0xe] =	wrdreg s26;
	s25 =	sand.u32 $0x7, s6  }
0x1b: {  	s24 =	sadd.s32 s20, s0;
	s0 =	simm.s32 $0x80;
	s22 =	sshll.u32 s25, $0x7  }
0x1c: {  	v0 =	vimm.f32 $0.0e+00;
	s6 =	simm.s32 $0x1;
	s8 =	sor.u32 $0x1800, s22;
	s9 =	sadd.s32 $0x100, s22  }
.LBB2_1:
0x1d: {  	s10 =	simm.s32 $0x0;
	s11 =	simm.s32 $0x200  }
.LBB2_2:
0x1e: {  	p0 =	sne.s32 s11, $0xFE00;
	[tilespmem:s10+$0x3070] =	vst v0  }
0x1f: {  	[tilespmem:s10+$0x3000] =	vst v0  }
0x20: {  	[tilespmem:s10+$0x3010] =	vst v0  }
.Ltmp0:
0x21: {  	[tilespmem:s10+$0x3020] =	vst v0;
	(pc) =	sbr.rel @p0 .LBB2_2-.Ltmp0, $4  }
0x22: {  	[tilespmem:s10+$0x3030] =	vst v0  }
0x23: {  	[tilespmem:s10+$0x3040] =	vst v0  }
0x24: {  	[tilespmem:s10+$0x3050] =	vst v0  }
0x25: {  	[tilespmem:s10+$0x3060] =	vst v0;
	s10 =	sshra.s32 s11, $0x2;
	s11 =	sadd.s32 $0x200, s11  }
0x26: {  	[tilespmem:s10+$0x3070] =	vst v0  }
0x27: {  	[tilespmem:s10+$0x3000] =	vst v0  }
0x28: {  	[tilespmem:s10+$0x3010] =	vst v0  }
0x29: {  	[tilespmem:s10+$0x3020] =	vst v0  }
0x2a: {  	[tilespmem:s10+$0x3030] =	vst v0  }
0x2b: {  	[tilespmem:s10+$0x3040] =	vst v0  }
0x2c: {  	[tilespmem:s10+$0x3050] =	vst v0  }
0x2d: {  	[tilespmem:s10+$0x3060] =	vst v0;
	s26 =	simm.s32 $0x0;
	s11 =	rddreg [dreg:$0x4]  }
0x2e: {  	[tilespmem:s26], [sflag:$0x3] =	stream.linear.gather [hbm4b:s11+s26], $0x1800, $0x38;
	[tilespmem:$0x1EC00] =	vst v63  }
0x2f: {  	s15 =	rddreg [dreg:$0x5]  }
0x30: {  	[tilespmem:s28], [sflag:$0x3] =	stream.linear.gather [hbm4b:s15+s26], $0x1800, $0x38;
	[tilespmem:$0x1EC00] =	vst v63  }
0x31: {  	_ = 	snop  }
0x32: {  	[spmem:s5] =	stream.linear.scatter [tilespmem:s29], [sflag:$0x4], $0x4000, $0x38;
	[tilespmem:$0x1EC00] =	vst v63  }
0x33: {  	_ =	swait.ge [sflag:s30], $0x4000  }
0x34: {  	[sflag:s30] =	ssyncset.done $0x0  }
0x35: {  	s17 =	rddreg [dreg:$0x6];
	[sflag:s30] =	ssyncadd.s32 $0xFFFFC000  }
0x36: {  	[spmem:s17] =	stream.linear.scatter [tilespmem:s29], [sflag:$0x4], $0x4000, $0x38;
	[tilespmem:$0x1EC00] =	vst v63  }
0x37: {  	_ =	swait.ge [sflag:s30], $0x4000  }
0x38: {  	[sflag:s30] =	ssyncset.done $0x0  }
0x39: {  	s18 =	rddreg [dreg:$0x7];
	[sflag:s30] =	ssyncadd.s32 $0xFFFFC000  }
0x3a: {  	[spmem:s18] =	stream.linear.scatter [tilespmem:s29], [sflag:$0x4], $0x4000, $0x38;
	[tilespmem:$0x1EC00] =	vst v63  }
0x3b: {  	_ =	swait.ge [sflag:s30], $0x4000  }
0x3c: {  	[sflag:s30] =	ssyncset.done $0x0  }
0x3d: {  	s19 =	rddreg [dreg:$0x8];
	[sflag:s30] =	ssyncadd.s32 $0xFFFFC000  }
0x3e: {  	[spmem:s19] =	stream.linear.scatter [tilespmem:s29], [sflag:$0x4], $0x4000, $0x38;
	[tilespmem:$0x1EC00] =	vst v63  }
0x3f: {  	_ =	swait.ge [sflag:s30], $0x4000  }
0x40: {  	[sflag:s30] =	ssyncset.done $0x0  }
0x41: {  	s20 =	rddreg [dreg:$0x9];
	[sflag:s30] =	ssyncadd.s32 $0xFFFFC000  }
0x42: {  	[spmem:s20] =	stream.linear.scatter [tilespmem:s29], [sflag:$0x4], $0x3C00, $0x38;
	[tilespmem:$0x1EC00] =	vst v63  }
0x43: {  	_ =	swait.ge [sflag:s30], $0x3C00  }
0x44: {  	[sflag:s30] =	ssyncset.done $0x0  }
0x45: {  	[sflag:s30] =	ssyncadd.s32 $0xFFFFC400  }
0x46: {  	[bflag:$0x0] =	sbarrier.arrive $0xFFFF  }
0x47: {  	_ =	swait.ge [sflag:s31], $0x1800  }
0x48: {  	[sflag:s31] =	ssyncset.done $0x0  }
0x49: {  	[sflag:s31] =	ssyncadd.s32 $0xFFFFE800  }
0x4a: {  	_ =	swait.ge [sflag:s31], $0x1800  }
0x4b: {  	[sflag:s31] =	ssyncset.done $0x0  }
0x4c: {  	[sflag:s31] =	ssyncadd.s32 $0xFFFFE800  }
0x4d: {  	[tilespmem:s29], [sflag:$0x1] =	stream.indirect.gather [hbm4b:s1+s0], $0x80, s12, s0, $0xb8;
	[tilespmem:$0x1EC00] =	vst v63  }
0x4e: {  	_ = 	snop  }
0x4f: {  	[tilespmem:s4], [sflag:$0x2] =	stream.indirect.gather [hbm4b:s1+s0], $0x80, s13, s0, $0xb8;
	[tilespmem:$0x1EC00] =	vst v63  }
0x50: {  	_ =	swait.ge [sflag:s6], $0x4000  }
0x51: {  	[sflag:s6] =	ssyncset.done $0x0  }
0x52: {  	s25 =	sadd.s32 $0x0, s8;
	[sflag:s6] =	ssyncadd.s32 $0xFFFFC000  }
0x53: {  	[spmem:s2] =	stream.indirect.scatter.add.f32 [tilespmem:s29], [sflag:$0x4], $0x80, s25, s0, $0xb8;
	[tilespmem:$0x1EC00] =	vst v63  }
0x54: {  	_ =	swait.ge [sflag:s30], $0x4000  }
0x55: {  	s26 =	sadd.s32 $0x0, s22;
	[sflag:s30] =	ssyncset.done $0x0  }
0x56: {  	s15 =	sadd.s32 $0x100, s26;
	[sflag:s30] =	ssyncadd.s32 $0xFFFFC000  }
0x57: {  	[tilespmem:s29], [sflag:$0x1] =	stream.indirect.gather [hbm4b:s1+s0], $0x80, s15, s0, $0xb8;
	[tilespmem:$0x1EC00] =	vst v63  }
0x58: {  	_ =	swait.ge [sflag:s7], $0x4000  }
0x59: {  	[sflag:s7] =	ssyncset.done $0x0  }
0x5a: {  	s10 =	sadd.s32 $0x80, s25;
	[sflag:s7] =	ssyncadd.s32 $0xFFFFC000  }
0x5b: {  	[spmem:s2] =	stream.indirect.scatter.add.f32 [tilespmem:s4], [sflag:$0x4], $0x80, s10, s0, $0xb8;
	[tilespmem:$0x1EC00] =	vst v63  }
0x5c: {  	_ =	swait.ge [sflag:s30], $0x4000  }
0x5d: {  	[sflag:s30] =	ssyncset.done $0x0  }
0x5e: {  	s11 =	sadd.s32 $0x180, s26;
	s10 =	simm.s32 $0x400;
	[sflag:s30] =	ssyncadd.s32 $0xFFFFC000  }
.LBB2_4:
0x5f: {  	[tilespmem:s4], [sflag:$0x2] =	stream.indirect.gather [hbm4b:s1+s0], $0x80, s11, s0, $0xb8;
	[tilespmem:$0x1EC00] =	vst v63  }
0x60: {  	s11 =	smov.u32 s10  }
0x61: {  	p0 =	sne.s32 s10, $0x4800;
	s10 =	sadd.s32 $0x400, s10;
	_ =	swait.ge [sflag:s6], $0x4000  }
0x62: {  	s11 =	sshra.s32 s11, $0x2;
	[sflag:s6] =	ssyncset.done $0x0  }
0x63: {  	s15 =	sadd.s32 s11, s8;
	s11 =	sadd.s32 s11, s22;
	[sflag:s6] =	ssyncadd.s32 $0xFFFFC000  }
0x64: {  	[spmem:s2] =	stream.indirect.scatter.add.f32 [tilespmem:s29], [sflag:$0x4], $0x80, s15, s0, $0xb8;
	[tilespmem:$0x1EC00] =	vst v63  }
0x65: {  	_ =	swait.ge [sflag:s30], $0x4000  }
0x66: {  	[sflag:s30] =	ssyncset.done $0x0  }
0x67: {  	s17 =	sadd.s32 $0x100, s11;
	[sflag:s30] =	ssyncadd.s32 $0xFFFFC000  }
0x68: {  	[tilespmem:s29], [sflag:$0x1] =	stream.indirect.gather [hbm4b:s1+s0], $0x80, s17, s0, $0xb8;
	[tilespmem:$0x1EC00] =	vst v63  }
0x69: {  	_ =	swait.ge [sflag:s7], $0x4000  }
0x6a: {  	[sflag:s7] =	ssyncset.done $0x0  }
.Ltmp1:
0x6b: {  	s15 =	sadd.s32 $0x80, s15;
	[sflag:s7] =	ssyncadd.s32 $0xFFFFC000;
	(pc) =	sbr.rel @p0 .LBB2_4-.Ltmp1, $4  }
0x6c: {  	[spmem:s2] =	stream.indirect.scatter.add.f32 [tilespmem:s4], [sflag:$0x4], $0x80, s15, s0, $0xb8;
	[tilespmem:$0x1EC00] =	vst v63  }
0x6d: {  	_ =	swait.ge [sflag:s30], $0x4000  }
0x6e: {  	[sflag:s30] =	ssyncset.done $0x0  }
0x6f: {  	s11 =	sadd.s32 $0x180, s11;
	[sflag:s30] =	ssyncadd.s32 $0xFFFFC000  }
0x70: {  	[tilespmem:s4], [sflag:$0x2] =	stream.indirect.gather [hbm4b:s1+s0], $0x80, s11, s0, $0xb8;
	[tilespmem:$0x1EC00] =	vst v63  }
0x71: {  	_ =	swait.ge [sflag:s6], $0x4000  }
0x72: {  	[sflag:s6] =	ssyncset.done $0x0  }
0x73: {  	s10 =	rddreg [dreg:$0xd];
	[sflag:s6] =	ssyncadd.s32 $0xFFFFC000  }
0x74: {  	[spmem:s2] =	stream.indirect.scatter.add.f32 [tilespmem:s29], [sflag:$0x4], $0x80, s10, s0, $0xb8;
	[tilespmem:$0x1EC00] =	vst v63  }
0x75: {  	_ =	swait.ge [sflag:s30], $0x4000  }
0x76: {  	[sflag:s30] =	ssyncset.done $0x0  }
0x77: {  	[sflag:s30] =	ssyncadd.s32 $0xFFFFC000  }
0x78: {  	_ =	swait.ge [sflag:s7], $0x4000  }
0x79: {  	[sflag:s7] =	ssyncset.done $0x0  }
0x7a: {  	s20 =	rddreg [dreg:$0xe];
	[sflag:s7] =	ssyncadd.s32 $0xFFFFC000  }
0x7b: {  	[spmem:s2] =	stream.indirect.scatter.add.f32 [tilespmem:s4], [sflag:$0x4], $0x80, s20, s0, $0xb8;
	[tilespmem:$0x1EC00] =	vst v63  }
0x7c: {  	_ =	swait.ge [sflag:s30], $0x4000  }
0x7d: {  	[sflag:s30] =	ssyncset.done $0x0  }
0x7e: {  	s11 =	simm.s32 $0x0;
	s25 =	rddreg [dreg:$0xa];
	[sflag:s30] =	ssyncadd.s32 $0xFFFFC000  }
0x7f: {  	[tilespmem:s11], [sflag:$0x4] =	stream.linear.gather [hbm4b:s25+s11], $0x1800, $0x38;
	[tilespmem:$0x1EC00] =	vst v63  }
0x80: {  	_ =	swait.ge [sflag:s30], $0x1800  }
0x81: {  	[sflag:s30] =	ssyncset.done $0x0  }
0x82: {  	s26 =	rddreg [dreg:$0xb];
	[sflag:s30] =	ssyncadd.s32 $0xFFFFE800  }
0x83: {  	[tilespmem:s28], [sflag:$0x4] =	stream.linear.gather [hbm4b:s26+s11], $0x1800, $0x38;
	[tilespmem:$0x1EC00] =	vst v63  }
0x84: {  	p3 =	sne.s32 s16, $0x2;
	_ =	swait.ge [sflag:s30], $0x1800  }
.Ltmp2:
0x85: {  	p1 =	sle.u32 s14, $0x0;
	[sflag:s30] =	ssyncset.done $0x0;
	(pc) =	sbr.rel @!p3 .LBB2_6-.Ltmp2, $4  }
0x86: {  	p2 =	por $0x0, $0x0;
	p0 =	sle.u32 @!p1 s21, $0x0;
	[sflag:s30] =	ssyncadd.s32 $0xFFFFE800  }
0x87: {  	[tilespmem:s29], [sflag:$0x1] =	stream.indirect.gather [hbm4b:s1+s0], $0x80, s12, s0, $0xb8;
	[tilespmem:$0x1EC00] =	vst v63  }
0x88: {  	s15 =	simm.s32 @!p1 $0x1;
	p0 =	por p0, p1;
	s10 =	simm.s32 $0x2  }
0x89: {  	[tilespmem:s4], [sflag:$0x2] =	stream.indirect.gather [hbm4b:s1+s0], $0x80, s13, s0, $0xb8;
	[tilespmem:$0x1EC00] =	vst v63  }
0x8a: {  	p2 =	por p1, p1;
	p1 =	sle.u32 s14, $0x2;
	p0 =	por p0, p0  }
0x8b: {  	p3 =	sle.u32 s14, $0x1;
	p4 =	sne.s32 s16, $0x4;
	_ =	swait.ge @!p2 [sflag:s15], $0x4000  }
0x8c: {  	s25 =	sadd.s32 $0x100, s8;
	s17 =	simm.s32 @!p2 $0x4;
	[sflag:s15] =	ssyncset.done @!p2 $0x0  }
0x8d: {  	s11 =	simm.s32 @!p2 $0x80;
	[sflag:s15] =	ssyncadd.s32 @!p2 $0xFFFFC000;
	s15 =	simm.s32 @!p2 $0x3000  }
0x8e: {  	[spmem:s2] =	stream.indirect.scatter.add.f32 @!p2 [tilespmem:s15], [sflag:$0x4], $0x80, s8, s11, $0xb8;
	[tilespmem:$0x1EC00] =	vst v63  }
0x8f: {  	s26 =	sadd.s32 $0x100, s9;
	p5 =	sle.u32 @!p1 s21, $0x2;
	_ =	swait.ge @!p2 [sflag:s17], $0x4000  }
0x90: {  	s18 =	simm.s32 @!p3 $0x80;
	s19 =	simm.s32 @!p3 $0x7000;
	[sflag:s17] =	ssyncset.done @!p2 $0x0  }
0x91: {  	s15 =	simm.s32 @!p0 $0x3000;
	[sflag:s17] =	ssyncadd.s32 @!p2 $0xFFFFC000;
	s17 =	simm.s32 @!p0 $0x80  }
0x92: {  	[tilespmem:s15], [sflag:$0x1] =	stream.indirect.gather @!p0 [hbm4b:s1+s17], $0x80, s9, s17, $0xb8;
	[tilespmem:$0x1EC00] =	vst v63  }
0x93: {  	s20 =	sadd.s32 @!p3 $0x80, s8;
	s11 =	simm.s32 $0x4;
	s15 =	simm.s32 @!p3 $0x2  }
0x94: {  	p2 =	sle.u32 @!p3 s23, $0x0;
	p0 =	por p5, p1;
	_ =	swait.ge @!p3 [sflag:s15], $0x4000  }
.Ltmp3:
0x95: {  	s17 =	simm.s32 @!p3 $0x4;
	[sflag:s15] =	ssyncset.done @!p3 $0x0;
	(pc) =	sbr.rel @!p4 .LBB2_8-.Ltmp3, $4  }
0x96: {  	p5 =	por p2, p3;
	p2 =	por $0x1, $0x1;
	[sflag:s15] =	ssyncadd.s32 @!p3 $0xFFFFC000  }
0x97: {  	[spmem:s2] =	stream.indirect.scatter.add.f32 @!p3 [tilespmem:s19], [sflag:$0x4], $0x80, s20, s18, $0xb8;
	[tilespmem:$0x1EC00] =	vst v63  }
0x98: {  	s15 =	simm.s32 @!p1 $0x1;
	s18 =	simm.s32 @!p5 $0x7000;
	_ =	swait.ge @!p3 [sflag:s17], $0x4000  }
0x99: {  	s19 =	sadd.s32 @!p5 $0x80, s9;
	s20 =	simm.s32 @!p5 $0x80;
	[sflag:s17] =	ssyncset.done @!p3 $0x0  }
.LBB2_9:
0x9a: {  	[sflag:s17] =	ssyncadd.s32 @!p3 $0xFFFFC000;
	s17 =	smov.u32 s10  }
0x9b: {  	s10 =	smov.u32 s11;
	s28 =	smov.u32 s25;
	p3 =	por p1, p1  }
0x9c: {  	p1 =	sge.u32 s11, s14;
	s11 =	sadd.s32 $0x2, s11;
	p6 =	por p0, p0  }
0x9d: {  	[tilespmem:s18], [sflag:$0x2] =	stream.indirect.gather @!p5 [hbm4b:s1+s20], $0x80, s19, s20, $0xb8;
	[tilespmem:$0x1EC00] =	vst v63  }
0x9e: {  	p0 =	sge.u32 @!p1 s10, s21;
	p4 =	sne.s32 s16, s11;
	_ =	swait.ge @!p3 [sflag:s15], $0x4000  }
0x9f: {  	s18 =	simm.s32 @!p3 $0x4;
	p0 =	por p0, p1;
	[sflag:s15] =	ssyncset.done @!p3 $0x0  }
0xa0: {  	s19 =	simm.s32 @!p3 $0x3000;
	[sflag:s15] =	ssyncadd.s32 @!p3 $0xFFFFC000;
	s15 =	simm.s32 @!p3 $0x80  }
0xa1: {  	[spmem:s2] =	stream.indirect.scatter.add.f32 @!p3 [tilespmem:s19], [sflag:$0x4], $0x80, s25, s15, $0xb8;
	[tilespmem:$0x1EC00] =	vst v63  }
0xa2: {  	s25 =	sadd.s32 $0x100, s25;
	s19 =	smov.u32 s26;
	_ =	swait.ge @!p3 [sflag:s18], $0x4000  }
0xa3: {  	s20 =	sadd.s32 $0x1, s17;
	s15 =	simm.s32 @!p6 $0x3000;
	[sflag:s18] =	ssyncset.done @!p3 $0x0  }
0xa4: {  	[sflag:s18] =	ssyncadd.s32 @!p3 $0xFFFFC000;
	s18 =	simm.s32 @!p6 $0x80;
	p3 =	sge.u32 s20, s14  }
0xa5: {  	[tilespmem:s15], [sflag:$0x1] =	stream.indirect.gather @!p6 [hbm4b:s1+s18], $0x80, s26, s18, $0xb8;
	[tilespmem:$0x1EC00] =	vst v63  }
0xa6: {  	s15 =	simm.s32 @!p3 $0x2;
	p5 =	sge.u32 @!p3 s17, s23;
	s26 =	sadd.s32 $0x100, s26  }
0xa7: {  	s18 =	simm.s32 @!p3 $0x80;
	s20 =	simm.s32 @!p3 $0x7000;
	_ =	swait.ge @!p3 [sflag:s15], $0x4000  }
.Ltmp4:
0xa8: {  	s28 =	sadd.s32 @!p3 $0x80, s28;
	[sflag:s15] =	ssyncset.done @!p3 $0x0;
	(pc) =	sbr.rel @p4 .LBB2_9-.Ltmp4, $4  }
0xa9: {  	s17 =	simm.s32 @!p3 $0x4;
	p5 =	por p5, p3;
	[sflag:s15] =	ssyncadd.s32 @!p3 $0xFFFFC000  }
0xaa: {  	[spmem:s2] =	stream.indirect.scatter.add.f32 @!p3 [tilespmem:s20], [sflag:$0x4], $0x80, s28, s18, $0xb8;
	[tilespmem:$0x1EC00] =	vst v63  }
0xab: {  	s15 =	simm.s32 @!p1 $0x1;
	s18 =	simm.s32 @!p5 $0x7000;
	_ =	swait.ge @!p3 [sflag:s17], $0x4000  }
0xac: {  	s19 =	sadd.s32 @!p5 $0x80, s19;
	s20 =	simm.s32 @!p5 $0x80;
	[sflag:s17] =	ssyncset.done @!p3 $0x0  }
0xad: {  	s11 =	smov.u32 s10;
	s28 =	simm.s32 $0x1800  }
.LBB2_11:
0xae: {  	p3 =	por p3, !p2  }
0xaf: {  	p1 =	por p1, p1;
	p2 =	por p5, !p2;
	[sflag:s17] =	ssyncadd.s32 @!p3 $0xFFFFC000  }
0xb0: {  	[tilespmem:s18], [sflag:$0x2] =	stream.indirect.gather @!p2 [hbm4b:s1+s20], $0x80, s19, s20, $0xb8;
	[tilespmem:$0x1EC00] =	vst v63  }
0xb1: {  	_ =	swait.ge @!p1 [sflag:s15], $0x4000  }
0xb2: {  	s10 =	simm.s32 @!p1 $0x4;
	[sflag:s15] =	ssyncset.done @!p1 $0x0  }
0xb3: {  	s17 =	simm.s32 @!p1 $0x3000;
	[sflag:s15] =	ssyncadd.s32 @!p1 $0xFFFFC000;
	s15 =	simm.s32 @!p1 $0x80  }
0xb4: {  	[spmem:s2] =	stream.indirect.scatter.add.f32 @!p1 [tilespmem:s17], [sflag:$0x4], $0x80, s25, s15, $0xb8;
	[tilespmem:$0x1EC00] =	vst v63  }
0xb5: {  	s19 =	sadd.s32 $0x1, s11;
	_ =	swait.ge @!p1 [sflag:s10], $0x4000  }
0xb6: {  	p2 =	por p0, p0;
	p0 =	sge.u32 s19, s14;
	[sflag:s10] =	ssyncset.done @!p1 $0x0  }
0xb7: {  	s15 =	simm.s32 @!p2 $0x3000;
	[sflag:s10] =	ssyncadd.s32 @!p1 $0xFFFFC000;
	s10 =	simm.s32 @!p2 $0x80  }
0xb8: {  	[tilespmem:s15], [sflag:$0x1] =	stream.indirect.gather @!p2 [hbm4b:s1+s10], $0x80, s26, s10, $0xb8;
	[tilespmem:$0x1EC00] =	vst v63  }
0xb9: {  	s10 =	simm.s32 @!p0 $0x2  }
0xba: {  	s17 =	sadd.s32 @!p0 $0x80, s25;
	_ =	swait.ge @!p0 [sflag:s10], $0x4000  }
0xbb: {  	p1 =	sge.u32 @!p0 s11, s23;
	s11 =	simm.s32 @!p0 $0x80;
	[sflag:s10] =	ssyncset.done @!p0 $0x0  }
0xbc: {  	s15 =	simm.s32 @!p0 $0x7000;
	[sflag:s10] =	ssyncadd.s32 @!p0 $0xFFFFC000;
	s10 =	simm.s32 @!p0 $0x4  }
0xbd: {  	[spmem:s2] =	stream.indirect.scatter.add.f32 @!p0 [tilespmem:s15], [sflag:$0x4], $0x80, s17, s11, $0xb8;
	[tilespmem:$0x1EC00] =	vst v63  }
0xbe: {  	s20 =	stileid.u32;
	p1 =	por p1, p0;
	_ =	swait.ge @!p0 [sflag:s10], $0x4000  }
0xbf: {  	s11 =	simm.s32 @!p1 $0x7000;
	s15 =	sadd.s32 @!p1 $0x80, s26;
	[sflag:s10] =	ssyncset.done @!p0 $0x0  }
0xc0: {  	s17 =	simm.s32 @!p1 $0x80;
	[sflag:s10] =	ssyncadd.s32 @!p0 $0xFFFFC000;
	s10 =	sshll.u32 s20, $0x6  }
0xc1: {  	[tilespmem:s11], [sflag:$0x2] =	stream.indirect.gather @!p1 [hbm4b:s1+s17], $0x80, s15, s17, $0xb8;
	[tilespmem:$0x1EC00] =	vst v63  }
0xc2: {  	s25 =	sshrl.u32 s5, $0x3;
	s10 =	sor.u32 $0x1C04, s10;
	[bflag:$0x0] =	sbarrier.arrive $0xFFFF  }
0xc3: {  	[hbm:s24], [sflag:s10] =	dma.local [spmem:s25], $0x2780  }
0xc4: {  	_ =	swait.ge [sflag:s30], $0x2780  }
0xc5: {  	s3 =	sadd.s32 $0x1, s3;
	s26 =	rddreg [dreg:$0xc]  }
0xc6: {  	p0 =	sne.s32 s3, s26  }
.Ltmp5:
0xc7: {  	_ = 	snop;
	(pc) =	sbr.rel @p0 .LBB2_1-.Ltmp5, $4  }
.Ltmp6:
0xc8: {  	_ = 	snop;
	(pc) =	sbr.rel @!p0 .LBB2_12-.Ltmp6, $4  }
0xc9: {  	_ = 	snop  }
0xca: {  	[sflag:s30] =	ssyncset.done $0x0  }
0xcb: {  	[sflag:s30] =	ssyncadd.s32 $0xFFFFD880  }
0xcc: {  	_ = 	snop  }
.LBB2_6:
.Ltmp7:
0xcd: {  	(pc) =	sbr.rel .LBB2_11-.Ltmp7, $2  }
0xce: {  	_ =	sdelay $0x2  }
0xcf: {  	s25 =	smov.u32 s8;
	s26 =	smov.u32 s9  }
.LBB2_8:
.Ltmp8:
0xd0: {  	(pc) =	sbr.rel .LBB2_11-.Ltmp8, $2  }
0xd1: {  	_ =	sdelay $0x2  }
0xd2: {  	s11 =	simm.s32 $0x2;
	s28 =	simm.s32 $0x1800  }
.LBB2_12:
0xd3: {  	_ =	sfence.sel $0x180000  }
0xd4: {  	[bflag:$0x0] =	sbarrier.arrive $0xFFFF  }
0xd5: {  	_ =	strace $0x90000047  }
0xd6: {  	s0 =	stileid.u32;
	[bflag:$0x2] =	sbarrier.arrive $0xFFFF  }
0xd7: {  	p0 =	sne.s32 s0, $0x0;
	s0 =	rddreg [dreg:$0x3]  }
0xd8: {  	s0 =	sadd.s32 @!p0 $0x100000, s0  }
0xd9: {  	[sflag:s0] =	ssyncadd.tile.s32 @!p0 $0x1;
	_ =	shalt  }
.Lfunc_end2:
_tile_overlayer_lowered:
.L_overlay_start_2:
0xda: {  	(tag) =	ssettag $0x2  }
0xdb: {  	s0 =	rddreg [dreg:$0x0];
	s2 =	stileid.u32  }
0xdc: {  	s1 =	rddreg [dreg:$0x1];
	p0 =	sne.s32 s2, $0x0  }
0xdd: {  	s3 =	rddreg [dreg:$0x2];
	[bflag:$0x3] =	sbarrier.arrive $0xFFFF;
	s2 =	simm.s32 @!p0 $0x1C04  }
0xde: {  	[timem:s3], [sflag:s2] =	dma.local @!p0 [hbm:s0], s1  }
0xdf: {  	s0 =	simm.s32 @!p0 $0x4  }
0xe0: {  	_ =	swait.ge @!p0 [sflag:s0], s1  }
0xe1: {  	s1 =	ssub.s32 @!p0 $0x0, s1;
	[sflag:s0] =	ssyncset.done @!p0 $0x0  }
0xe2: {  	[sflag:s0] =	ssyncadd.s32 @!p0 s1  }
0xe3: {  	[bflag:$0x3] =	sbarrier.arrive $0xFFFF  }
0xe4: {  	_ =	shalt  }

// kernel: kernel.9.cloned.1.call-start
scs
__scs_entry_jumppad:
0x0: {  	(pc) =	sbr.rel $0x88, $3  }
0x1: {  	(tag) =	ssettag $0x0;
	lr =	simm.s32 $0x1  }
0x2: {  	[smem:$0x3F9B] =	sst lr;
	_ =	strace $0xD0000000  }
0x3: {  	_ = 	snop  }
0x4: {  	_ = 	snop  }
0x5: {  	_ = 	snop  }
0x6: {  	_ = 	snop  }
0x7: {  	_ = 	snop  }
__scs_overlays_trampoline_lowered:
0x8: {  	[smem:$0x3FAA] =	sst s0  }
0x9: {  	[smem:$0x3FAB] =	sst s1  }
0xa: {  	[smem:$0x3FAC] =	sst s2  }
0xb: {  	[smem:$0x3FAD] =	sst s3  }
0xc: {  	[smem:$0x3FAE] =	sst s4  }
0xd: {  	[smem:$0x3FAF] =	sst s5  }
0xe: {  	[smem:$0x3FB0] =	sst s6  }
0xf: {  	[smem:$0x3FB1] =	sst s7  }
0x10: {  	[smem:$0x3FB2] =	sst s8  }
0x11: {  	[smem:$0x3FB3] =	sst s9;
	s0 =	simm.s32 @!p0 $0x0  }
0x12: {  	s1 =	sld [smem:$0x3F99];
	s0 =	simm.s32 @p0 $0x1  }
0x13: {  	[smem:$0x3FB4] =	sst s0;
	s0 =	simm.s32 @!p1 $0x0  }
0x14: {  	s2 =	sld [smem:$0x3F98];
	s0 =	simm.s32 @p1 $0x1  }
0x15: {  	[smem:$0x3FB5] =	sst s0;
	s0 =	simm.s32 @!p2 $0x0  }
0x16: {  	s3 =	sld [smem:$0x3FDB];
	s0 =	simm.s32 @p2 $0x1  }
0x17: {  	s4 =	simm.s32 $0x1BF5;
	[smem:$0x3FB7] =	sst s0  }
0x18: {  	s0 =	sld [smem:$0x3F9A];
	_ =	swait.ge [sflag:s4], $0x0  }
0x19: {  	s7 =	sld [smem:$0x3F9B]  }
0x1a: {  	s8 =	sadd.s32 $0xFFFFE003, lr  }
0x1b: {  	s9 =	sadd.s32 $0xFFFFFEF7, lr;
	s5 =	simm.s32 $0xFFFFFFFF;
	p2 =	slt.u32 s8, $0xFFFFF086  }
0x1c: {  	p1 =	slt.u32 s9, $0xF7A;
	s5 =	simm.s32 @!p2 $0x0  }
0x1d: {  	s5 =	simm.s32 @p1 $0x1;
	p0 =	seq.s32 s7, s2  }
0x1e: {  	s7 =	smul.u32 @!p0 $0xF7A, s2;
	p2 =	seq.s32 @!p0 s5, $0x0  }
0x1f: {  	s9 =	smul.u32 $0xF7A, s1;
	s8 =	simm.s32 @!p0 $0x1BF5;
	p2 =	por !p2, p0  }
0x20: {  	[sflag:s8] =	ssyncset.s32 @!p0 $0xFFFFF086;
	s6 =	sadd.s32 @!p0 s3, s7;
	s7 =	simm.s32 @!p0 $0x108  }
0x21: {  	s3 =	sadd.s32 s3, s9;
	s6 =	sadd.s32 @!p0 $0x88, s6;
	s7 =	simm.s32 @p2 $0x1082  }
0x22: {  	[simem:s7], [sflag:s8] =	dma.local @!p0 [hbm:s6], $0xF7A  }
0x23: {  	s9 =	sor.u32 $0xD0000000, s2;
	s6 =	simm.s32 $0x108;
	_ =	swait.ge @!p0 [sflag:s8], $0x0  }
0x24: {  	s3 =	sadd.s32 $0x88, s3;
	s6 =	simm.s32 @!p1 $0x1082;
	[sflag:s4] =	ssyncset.s32 $0xFFFFF086  }
0x25: {  	[simem:s6], [sflag:s4] =	dma.local [hbm:s3], $0xF7A  }
0x26: {  	[smem:$0x3F9B] =	sst s1;
	(tag) =	ssettag s2;
	_ =	strace s9  }
0x27: {  	s1 =	sld [smem:$0x3FAB]  }
0x28: {  	s2 =	sld [smem:$0x3FAC]  }
0x29: {  	s4 =	sld [smem:$0x3FAE]  }
0x2a: {  	p0 =	seq.s32 s5, $0x0;
	s5 =	sld [smem:$0x3FAF]  }
0x2b: {  	s6 =	sld [smem:$0x3FB0]  }
0x2c: {  	s7 =	sld [smem:$0x3FB1]  }
0x2d: {  	s3 =	simm.s32 $0x108;
	s8 =	sld [smem:$0x3FB2]  }
0x2e: {  	s3 =	simm.s32 @!p0 $0x1082;
	s9 =	sld [smem:$0x3FB3]  }
0x2f: {  	lr =	sadd.s32 s0, s3;
	s0 =	sld [smem:$0x3FAA]  }
0x30: {  	s3 =	sld [smem:$0x3FAD]  }
0x31: {  	[smem:$0x3FB6] =	sst s10  }
0x32: {  	s10 =	sld [smem:$0x3FB4];
	_ =	sdelay $0x3  }
0x33: {  	p0 =	seq.s32 s10, $0x1;
	s10 =	sld [smem:$0x3FB6];
	_ =	sdelay $0x3  }
0x34: {  	[smem:$0x3FB6] =	sst s10  }
0x35: {  	s10 =	sld [smem:$0x3FB5];
	_ =	sdelay $0x3  }
0x36: {  	p1 =	seq.s32 s10, $0x1;
	s10 =	sld [smem:$0x3FB6];
	_ =	sdelay $0x3  }
0x37: {  	[smem:$0x3FB6] =	sst s10  }
0x38: {  	s10 =	sld [smem:$0x3FB7]  }
0x39: {  	_ = 	snop;
	(pc) =	sbr.ind lr, $3  }
0x3a: {  	_ = 	snop  }
0x3b: {  	_ = 	snop  }
0x3c: {  	p2 =	seq.s32 s10, $0x1;
	s10 =	sld [smem:$0x3FB6]  }
0x3d: {  	_ =	shalt  }
0x3e: {  	_ =	shalt  }
0x3f: {  	_ =	shalt  }
0x40: {  	_ =	shalt  }
0x41: {  	_ =	shalt  }
0x42: {  	_ =	shalt  }
0x43: {  	_ =	shalt  }
0x44: {  	_ =	shalt  }
0x45: {  	_ =	shalt  }
0x46: {  	_ =	shalt  }
0x47: {  	_ =	shalt  }
0x48: {  	_ =	shalt  }
0x49: {  	_ =	shalt  }
0x4a: {  	_ =	shalt  }
0x4b: {  	_ =	shalt  }
0x4c: {  	_ =	shalt  }
0x4d: {  	_ =	shalt  }
0x4e: {  	_ =	shalt  }
0x4f: {  	_ =	shalt  }
0x50: {  	_ =	shalt  }
0x51: {  	_ =	shalt  }
0x52: {  	_ =	shalt  }
0x53: {  	_ =	shalt  }
0x54: {  	_ =	shalt  }
0x55: {  	_ =	shalt  }
0x56: {  	_ =	shalt  }
0x57: {  	_ =	shalt  }
0x58: {  	_ =	shalt  }
0x59: {  	_ =	shalt  }
0x5a: {  	_ =	shalt  }
0x5b: {  	_ =	shalt  }
0x5c: {  	_ =	shalt  }
0x5d: {  	_ =	shalt  }
0x5e: {  	_ =	shalt  }
0x5f: {  	_ =	shalt  }
0x60: {  	_ =	shalt  }
0x61: {  	_ =	shalt  }
0x62: {  	_ =	shalt  }
0x63: {  	_ =	shalt  }
0x64: {  	_ =	shalt  }
0x65: {  	_ =	shalt  }
0x66: {  	_ =	shalt  }
0x67: {  	_ =	shalt  }
0x68: {  	_ =	shalt  }
0x69: {  	_ =	shalt  }
0x6a: {  	_ =	shalt  }
0x6b: {  	_ =	shalt  }
0x6c: {  	_ =	shalt  }
0x6d: {  	_ =	shalt  }
0x6e: {  	_ =	shalt  }
0x6f: {  	_ =	shalt  }
0x70: {  	_ =	shalt  }
0x71: {  	_ =	shalt  }
0x72: {  	_ =	shalt  }
0x73: {  	_ =	shalt  }
0x74: {  	_ =	shalt  }
0x75: {  	_ =	shalt  }
0x76: {  	_ =	shalt  }
0x77: {  	_ =	shalt  }
0x78: {  	_ =	shalt  }
0x79: {  	_ =	shalt  }
0x7a: {  	_ =	shalt  }
0x7b: {  	_ =	shalt  }
0x7c: {  	_ =	shalt  }
0x7d: {  	_ =	shalt  }
0x7e: {  	_ =	shalt  }
0x7f: {  	_ =	shalt  }
0x80: {  	_ =	shalt  }
0x81: {  	_ =	shalt  }
0x82: {  	_ =	shalt  }
0x83: {  	_ =	shalt  }
0x84: {  	_ =	shalt  }
0x85: {  	_ =	shalt  }
0x86: {  	_ =	shalt  }
0x87: {  	_ =	shalt  }
.Lfunc_end0:
.L_simem_size_0:
called_computation.1_lowered:
.L_overlay_start_0:
0x88: {  	s2 =	sld [smem:$0x3FD9]  }
0x89: {  	s3 =	sld [smem:$0x3FFE];
	_ =	sdelay $0x1  }
0x8a: {  	s1 =	srdreg.scid  }
0x8b: {  	s0 =	sand.u32 $0x1, s1  }
0x8c: {  	s17 =	sshll.u32 s0, $0xA;
	s2 =	sadd.s32 s3, s2  }
0x8d: {  	s2 =	sadd.s32 s2, s17  }
0x8e: {  	[smem:$0x3FC2] =	sst s2  }
0x8f: {  	_ = 	snop  }
0x90: {  	s2 =	sld [smem:$0x3FD0];
	(tm) =	ssettm $0x1  }
0x91: {  	s18 =	sld [smem:$0x3FFB];
	_ =	sdelay $0x3  }
0x92: {  	_ =	strace s18  }
0x93: {  	s3 =	sld [smem:$0x3FFC];
	_ =	sdelay $0x3  }
0x94: {  	_ =	strace s3  }
0x95: {  	s3 =	sld [smem:$0x3FFD];
	_ =	sdelay $0x3  }
0x96: {  	_ =	strace s3  }
0x97: {  	_ =	strace $0x8FFFFFFF  }
0x98: {  	s19 =	sld [smem:$0x3FDB];
	_ =	sdelay $0x1  }
0x99: {  	s4 =	simm.s32 $_scs_section_size  }
0x9a: {  	s5 =	simm.s32 $_size__tile_overlayer_lowered;
	s6 =	simm.s32 $_tile_overlayer_lowered  }
0x9b: {  	s22 =	simm.s32 $0x1BFF;
	s21 =	sshll.u32 s6, $0x1;
	s3 =	sadd.s32 s4, s19  }
0x9c: {  	s7 =	simm.s32 $0x0;
	s20 =	sshll.u32 s5, $0x1;
	s5 =	sadd.s32 s21, s3  }
0x9d: {  	[timem:s7], [sflag:s22] =	dma.local [hbm:s5], s20  }
0x9e: {  	_ =	swait.ge [sflag:s22], s20  }
0x9f: {  	s4 =	ssub.s32 $0x0, s20;
	[sflag:s22] =	ssyncset.done $0x0  }
0xa0: {  	[sflag:s22] =	ssyncadd.s32 s4;
	_ =	sdelay $0x1  }
0xa1: {  	s23 =	simm.s32 $0x1B8B  }
0xa2: {  	_ =	swait.ge [sflag:s23], $0x1  }
0xa3: {  	[sflag:s23] =	ssyncset.done $0x0  }
0xa4: {  	s25 =	simm.s32 $0x1B8E;
	s24 =	sld [smem:$0x3FFE];
	[sflag:s23] =	ssyncadd.s32 $0xFFFFFFFF  }
0xa5: {  	s26 =	simm.s32 $execute0_lowered;
	[smem:$0x3FD2] =	sst s25  }
0xa6: {  	s5 =	sshll.u32 s26, $0x1;
	_ =	strace $0x80000049;
	[dreg:$0x1] =	wrdreg $0xFFFFFFFF  }
0xa7: {  	s28 =	simm.s32 $_size_execute0_lowered;
	s3 =	sadd.s32 s3, s5;
	[dreg:$0x0] =	wrdreg $0x0  }
0xa8: {  	s5 =	sshll.u32 s28, $0x1;
	[dreg:$0x2] =	wrdreg s3  }
0xa9: {  	[dreg:$0x3] =	wrdreg s5  }
0xaa: {  	[dreg:$0x4] =	wrdreg $0xC0  }
0xab: {  	_ =	task [dreg:s7], $0x5FFFF  }
0xac: {  	[dreg:$0x1] =	wrdreg $0xFFFFFFFF  }
0xad: {  	[dreg:$0x0] =	wrdreg $0x60  }
0xae: {  	[dreg:$0x2] =	wrdreg s2  }
0xaf: {  	[dreg:$0x3] =	wrdreg s24  }
0xb0: {  	[dreg:$0x4] =	wrdreg $0xB0000  }
0xb1: {  	[dreg:$0x5] =	wrdreg $0x9  }
0xb2: {  	_ =	task.clear_ibuf [dreg:s7], $0x6FFFF;
	_ =	strace $0x90000049  }
0xb3: {  	s29 =	simm.s32 $0x9;
	_ =	strace $0x8000004B  }
0xb4: {  	_ =	swait.ge [sflag:s29], $0x1  }
0xb5: {  	[sflag:s29] =	ssyncadd.s32 $0xFFFFFFFF  }
0xb6: {  	_ =	strace $0x9000004B  }
0xb7: {  	_ =	sfence  }
0xb8: {  	s30 =	sld [smem:$0x0];
	_ =	sdelay $0x2  }
0xb9: {  	s31 =	sshll.u32 s1, $0xD;
	s1 =	sshrl.u32 s1, $0x2  }
0xba: {  	s3 =	sand.u32 $0x4000, s31;
	s1 =	sadd.s32 s1, s30  }
0xbb: {  	s0 =	sor.u32 s3, s0;
	s1 =	sshll.u32 s1, $0x11  }
0xbc: {  	s0 =	sor.u32 s1, s0  }
0xbd: {  	s0 =	sadd.s32 $0x8F2B, s0  }
0xbe: {  	[sflag:s0] =	ssyncadd.remote.s32 $0x1  }
0xbf: {  	_ =	sfence.sel $0xFFFF  }
0xc0: {  	[dreg:$0x0] =	wrdreg $0xFFFFFFFF;
	(pc) =	sbr.abs _section_cstart, $3  }
0xc1: {  	[dreg:$0x1] =	wrdreg $0xFFFFFFFF  }
0xc2: {  	_ =	task.clear_ibuf [dreg:s7], $0x2FFFF;
	_ =	strace $0x9FFFFFFF  }
0xc3: {  	(tm) =	ssettm $0x7FFFFFFF  }
tec
execute0_lowered:
.L_overlay_start_1:
0x0: {  	(tag) =	ssettag $0x1  }
0x1: {  	s1 =	rddreg [dreg:$0x0]  }
0x2: {  	s0 =	rddreg [dreg:$0x1]  }
0x3: {  	s2 =	rddreg [dreg:$0x2];
	s3 =	simm.s32 $0x0  }
0x4: {  	s4 =	srdreg.scid;
	s15 =	stileid.u32;
	s28 =	simm.s32 $0x1800  }
0x5: {  	s29 =	simm.s32 $0x3000;
	s30 =	simm.s32 $0x4;
	s31 =	simm.s32 $0x3  }
0x6: {  	[smem:$0x7FF] =	sst s3;
	s4 =	sand.u32 $0x1, s4;
	s6 =	sadd.s32 $0xE00, s0  }
0x7: {  	s7 =	sadd.s32 $0xAE00, s0;
	s22 =	smul.u32 $0x4F000, s15;
	s24 =	sand.u32 $0x7, s15  }
0x8: {  	s19 =	sshll.u32 s15, $0x1;
	s20 =	smul.u32 $0x2780, s15;
	_ =	strace $0x8000004A  }
0x9: {  	s5 =	sshll.u32 s4, $0x4;
	s8 =	smul.u32 $0x27800, s4;
	s4 =	ssub.s32 $0x2, s4  }
0xa: {  	p0 =	seq.s32 s24, $0x0;
	s5 =	sor.u32 s15, s5;
	s10 =	sshrl.u32 s4, $0x1  }
0xb: {  	s9 =	smul.u32 $0x4E, s5;
	s5 =	sadd.s32 $0x7, s5;
	s0 =	sadd.s32 s8, s0  }
0xc: {  	s4 =	ssub.s32 s4, s10;
	s11 =	sshrl.u32 s5, $0x3;
	s5 =	sshrl.u32 s22, $0x2  }
0xd: {  	s0 =	sadd.s32 $0x14E00, s0;
	s4 =	smax.u32 s4, $0x1;
	s5 =	sadd.s32 s5, s2  }
0xe: {  	s23 =	sadd.s32 s9, s11;
	[dreg:$0xc] =	wrdreg s4;
	s13 =	sadd.s32 $0x8000, s5  }
0xf: {  	s4 =	simm.s32 $0x7000;
	s14 =	sadd.s32 $0xC000, s5;
	[dreg:$0x7] =	wrdreg s13  }
0x10: {  	s25 =	sshll.u32 s23, $0x4;
	s16 =	sadd.s32 $0x10000, s5;
	[dreg:$0x8] =	wrdreg s14  }
0x11: {  	s8 =	sand.u32 $0x7, s23;
	s26 =	sand.u32 $0x1FFFFF80, s25;
	[dreg:$0x9] =	wrdreg s16  }
0x12: {  	s17 =	sadd.s32 $0x280, s25;
	s14 =	simm.s32 $0x27;
	s16 =	simm.s32 $0x28  }
0x13: {  	s12 =	sadd.s32 s6, s26;
	s9 =	sadd.s32 s7, s26;
	s14 =	simm.s32 @!p0 $0x26  }
0x14: {  	s16 =	simm.s32 @!p0 $0x26;
	[dreg:$0x4] =	wrdreg s12;
	s12 =	sadd.s32 $0x4000, s5  }
0x15: {  	[dreg:$0x6] =	wrdreg s12;
	s12 =	sshll.u32 s8, $0x7;
	s8 =	sand.u32 $0x1FFFFF80, s17  }
0x16: {  	[dreg:$0x5] =	wrdreg s9;
	s21 =	sadd.s32 $0xFFFFFFFE, s14;
	s6 =	sadd.s32 s6, s8  }
0x17: {  	s23 =	sadd.s32 $0xFFFFFFFD, s14;
	s18 =	sadd.s32 s7, s8;
	[dreg:$0xa] =	wrdreg s6  }
0x18: {  	s13 =	sadd.s32 $0x80, s12;
	s24 =	sadd.s32 $0x2B00, s12;
	[dreg:$0xb] =	wrdreg s18  }
0x19: {  	s26 =	sadd.s32 $0x2B80, s12;
	s6 =	ssub.s32 s11, s19;
	[dreg:$0xd] =	wrdreg s24  }
0x1a: {  	s7 =	simm.s32 $0x2;
	[dreg:$0xe] =	wrdreg s26;
	s25 =	sand.u32 $0x7, s6  }
0x1b: {  	s24 =	sadd.s32 s20, s0;
	s0 =	simm.s32 $0x80;
	s22 =	sshll.u32 s25, $0x7  }
0x1c: {  	v0 =	vimm.f32 $0.0e+00;
	s6 =	simm.s32 $0x1;
	s8 =	sor.u32 $0x1800, s22;
	s9 =	sadd.s32 $0x100, s22  }
.LBB2_1:
0x1d: {  	s10 =	simm.s32 $0x0;
	s11 =	simm.s32 $0x200  }
.LBB2_2:
0x1e: {  	p0 =	sne.s32 s11, $0xFE00;
	[tilespmem:s10+$0x3070] =	vst v0  }
0x1f: {  	[tilespmem:s10+$0x3000] =	vst v0  }
0x20: {  	[tilespmem:s10+$0x3010] =	vst v0  }
.Ltmp0:
0x21: {  	[tilespmem:s10+$0x3020] =	vst v0;
	(pc) =	sbr.rel @p0 .LBB2_2-.Ltmp0, $4  }
0x22: {  	[tilespmem:s10+$0x3030] =	vst v0  }
0x23: {  	[tilespmem:s10+$0x3040] =	vst v0  }
0x24: {  	[tilespmem:s10+$0x3050] =	vst v0  }
0x25: {  	[tilespmem:s10+$0x3060] =	vst v0;
	s10 =	sshra.s32 s11, $0x2;
	s11 =	sadd.s32 $0x200, s11  }
0x26: {  	[tilespmem:s10+$0x3070] =	vst v0  }
0x27: {  	[tilespmem:s10+$0x3000] =	vst v0  }
0x28: {  	[tilespmem:s10+$0x3010] =	vst v0  }
0x29: {  	[tilespmem:s10+$0x3020] =	vst v0  }
0x2a: {  	[tilespmem:s10+$0x3030] =	vst v0  }
0x2b: {  	[tilespmem:s10+$0x3040] =	vst v0  }
0x2c: {  	[tilespmem:s10+$0x3050] =	vst v0  }
0x2d: {  	[tilespmem:s10+$0x3060] =	vst v0;
	s26 =	simm.s32 $0x0;
	s11 =	rddreg [dreg:$0x4]  }
0x2e: {  	[tilespmem:s26], [sflag:$0x3] =	stream.linear.gather [hbm4b:s11+s26], $0x1800, $0x38;
	[tilespmem:$0x1EC00] =	vst v63  }
0x2f: {  	s15 =	rddreg [dreg:$0x5]  }
0x30: {  	[tilespmem:s28], [sflag:$0x3] =	stream.linear.gather [hbm4b:s15+s26], $0x1800, $0x38;
	[tilespmem:$0x1EC00] =	vst v63  }
0x31: {  	_ = 	snop  }
0x32: {  	[spmem:s5] =	stream.linear.scatter [tilespmem:s29], [sflag:$0x4], $0x4000, $0x38;
	[tilespmem:$0x1EC00] =	vst v63  }
0x33: {  	_ =	swait.ge [sflag:s30], $0x4000  }
0x34: {  	[sflag:s30] =	ssyncset.done $0x0  }
0x35: {  	s17 =	rddreg [dreg:$0x6];
	[sflag:s30] =	ssyncadd.s32 $0xFFFFC000  }
0x36: {  	[spmem:s17] =	stream.linear.scatter [tilespmem:s29], [sflag:$0x4], $0x4000, $0x38;
	[tilespmem:$0x1EC00] =	vst v63  }
0x37: {  	_ =	swait.ge [sflag:s30], $0x4000  }
0x38: {  	[sflag:s30] =	ssyncset.done $0x0  }
0x39: {  	s18 =	rddreg [dreg:$0x7];
	[sflag:s30] =	ssyncadd.s32 $0xFFFFC000  }
0x3a: {  	[spmem:s18] =	stream.linear.scatter [tilespmem:s29], [sflag:$0x4], $0x4000, $0x38;
	[tilespmem:$0x1EC00] =	vst v63  }
0x3b: {  	_ =	swait.ge [sflag:s30], $0x4000  }
0x3c: {  	[sflag:s30] =	ssyncset.done $0x0  }
0x3d: {  	s19 =	rddreg [dreg:$0x8];
	[sflag:s30] =	ssyncadd.s32 $0xFFFFC000  }
0x3e: {  	[spmem:s19] =	stream.linear.scatter [tilespmem:s29], [sflag:$0x4], $0x4000, $0x38;
	[tilespmem:$0x1EC00] =	vst v63  }
0x3f: {  	_ =	swait.ge [sflag:s30], $0x4000  }
0x40: {  	[sflag:s30] =	ssyncset.done $0x0  }
0x41: {  	s20 =	rddreg [dreg:$0x9];
	[sflag:s30] =	ssyncadd.s32 $0xFFFFC000  }
0x42: {  	[spmem:s20] =	stream.linear.scatter [tilespmem:s29], [sflag:$0x4], $0x3C00, $0x38;
	[tilespmem:$0x1EC00] =	vst v63  }
0x43: {  	_ =	swait.ge [sflag:s30], $0x3C00  }
0x44: {  	[sflag:s30] =	ssyncset.done $0x0  }
0x45: {  	[sflag:s30] =	ssyncadd.s32 $0xFFFFC400  }
0x46: {  	[bflag:$0x0] =	sbarrier.arrive $0xFFFF  }
0x47: {  	_ =	swait.ge [sflag:s31], $0x1800  }
0x48: {  	[sflag:s31] =	ssyncset.done $0x0  }
0x49: {  	[sflag:s31] =	ssyncadd.s32 $0xFFFFE800  }
0x4a: {  	_ =	swait.ge [sflag:s31], $0x1800  }
0x4b: {  	[sflag:s31] =	ssyncset.done $0x0  }
0x4c: {  	[sflag:s31] =	ssyncadd.s32 $0xFFFFE800  }
0x4d: {  	[tilespmem:s29], [sflag:$0x1] =	stream.indirect.gather [hbm4b:s1+s0], $0x80, s12, s0, $0xb8;
	[tilespmem:$0x1EC00] =	vst v63  }
0x4e: {  	_ = 	snop  }
0x4f: {  	[tilespmem:s4], [sflag:$0x2] =	stream.indirect.gather [hbm4b:s1+s0], $0x80, s13, s0, $0xb8;
	[tilespmem:$0x1EC00] =	vst v63  }
0x50: {  	_ =	swait.ge [sflag:s6], $0x4000  }
0x51: {  	[sflag:s6] =	ssyncset.done $0x0  }
0x52: {  	s25 =	sadd.s32 $0x0, s8;
	[sflag:s6] =	ssyncadd.s32 $0xFFFFC000  }
0x53: {  	[spmem:s2] =	stream.indirect.scatter.add.f32 [tilespmem:s29], [sflag:$0x4], $0x80, s25, s0, $0xb8;
	[tilespmem:$0x1EC00] =	vst v63  }
0x54: {  	_ =	swait.ge [sflag:s30], $0x4000  }
0x55: {  	s26 =	sadd.s32 $0x0, s22;
	[sflag:s30] =	ssyncset.done $0x0  }
0x56: {  	s15 =	sadd.s32 $0x100, s26;
	[sflag:s30] =	ssyncadd.s32 $0xFFFFC000  }
0x57: {  	[tilespmem:s29], [sflag:$0x1] =	stream.indirect.gather [hbm4b:s1+s0], $0x80, s15, s0, $0xb8;
	[tilespmem:$0x1EC00] =	vst v63  }
0x58: {  	_ =	swait.ge [sflag:s7], $0x4000  }
0x59: {  	[sflag:s7] =	ssyncset.done $0x0  }
0x5a: {  	s10 =	sadd.s32 $0x80, s25;
	[sflag:s7] =	ssyncadd.s32 $0xFFFFC000  }
0x5b: {  	[spmem:s2] =	stream.indirect.scatter.add.f32 [tilespmem:s4], [sflag:$0x4], $0x80, s10, s0, $0xb8;
	[tilespmem:$0x1EC00] =	vst v63  }
0x5c: {  	_ =	swait.ge [sflag:s30], $0x4000  }
0x5d: {  	[sflag:s30] =	ssyncset.done $0x0  }
0x5e: {  	s11 =	sadd.s32 $0x180, s26;
	s10 =	simm.s32 $0x400;
	[sflag:s30] =	ssyncadd.s32 $0xFFFFC000  }
.LBB2_4:
0x5f: {  	[tilespmem:s4], [sflag:$0x2] =	stream.indirect.gather [hbm4b:s1+s0], $0x80, s11, s0, $0xb8;
	[tilespmem:$0x1EC00] =	vst v63  }
0x60: {  	s11 =	smov.u32 s10  }
0x61: {  	p0 =	sne.s32 s10, $0x4800;
	s10 =	sadd.s32 $0x400, s10;
	_ =	swait.ge [sflag:s6], $0x4000  }
0x62: {  	s11 =	sshra.s32 s11, $0x2;
	[sflag:s6] =	ssyncset.done $0x0  }
0x63: {  	s15 =	sadd.s32 s11, s8;
	s11 =	sadd.s32 s11, s22;
	[sflag:s6] =	ssyncadd.s32 $0xFFFFC000  }
0x64: {  	[spmem:s2] =	stream.indirect.scatter.add.f32 [tilespmem:s29], [sflag:$0x4], $0x80, s15, s0, $0xb8;
	[tilespmem:$0x1EC00] =	vst v63  }
0x65: {  	_ =	swait.ge [sflag:s30], $0x4000  }
0x66: {  	[sflag:s30] =	ssyncset.done $0x0  }
0x67: {  	s17 =	sadd.s32 $0x100, s11;
	[sflag:s30] =	ssyncadd.s32 $0xFFFFC000  }
0x68: {  	[tilespmem:s29], [sflag:$0x1] =	stream.indirect.gather [hbm4b:s1+s0], $0x80, s17, s0, $0xb8;
	[tilespmem:$0x1EC00] =	vst v63  }
0x69: {  	_ =	swait.ge [sflag:s7], $0x4000  }
0x6a: {  	[sflag:s7] =	ssyncset.done $0x0  }
.Ltmp1:
0x6b: {  	s15 =	sadd.s32 $0x80, s15;
	[sflag:s7] =	ssyncadd.s32 $0xFFFFC000;
	(pc) =	sbr.rel @p0 .LBB2_4-.Ltmp1, $4  }
0x6c: {  	[spmem:s2] =	stream.indirect.scatter.add.f32 [tilespmem:s4], [sflag:$0x4], $0x80, s15, s0, $0xb8;
	[tilespmem:$0x1EC00] =	vst v63  }
0x6d: {  	_ =	swait.ge [sflag:s30], $0x4000  }
0x6e: {  	[sflag:s30] =	ssyncset.done $0x0  }
0x6f: {  	s11 =	sadd.s32 $0x180, s11;
	[sflag:s30] =	ssyncadd.s32 $0xFFFFC000  }
0x70: {  	[tilespmem:s4], [sflag:$0x2] =	stream.indirect.gather [hbm4b:s1+s0], $0x80, s11, s0, $0xb8;
	[tilespmem:$0x1EC00] =	vst v63  }
0x71: {  	_ =	swait.ge [sflag:s6], $0x4000  }
0x72: {  	[sflag:s6] =	ssyncset.done $0x0  }
0x73: {  	s10 =	rddreg [dreg:$0xd];
	[sflag:s6] =	ssyncadd.s32 $0xFFFFC000  }
0x74: {  	[spmem:s2] =	stream.indirect.scatter.add.f32 [tilespmem:s29], [sflag:$0x4], $0x80, s10, s0, $0xb8;
	[tilespmem:$0x1EC00] =	vst v63  }
0x75: {  	_ =	swait.ge [sflag:s30], $0x4000  }
0x76: {  	[sflag:s30] =	ssyncset.done $0x0  }
0x77: {  	[sflag:s30] =	ssyncadd.s32 $0xFFFFC000  }
0x78: {  	_ =	swait.ge [sflag:s7], $0x4000  }
0x79: {  	[sflag:s7] =	ssyncset.done $0x0  }
0x7a: {  	s20 =	rddreg [dreg:$0xe];
	[sflag:s7] =	ssyncadd.s32 $0xFFFFC000  }
0x7b: {  	[spmem:s2] =	stream.indirect.scatter.add.f32 [tilespmem:s4], [sflag:$0x4], $0x80, s20, s0, $0xb8;
	[tilespmem:$0x1EC00] =	vst v63  }
0x7c: {  	_ =	swait.ge [sflag:s30], $0x4000  }
0x7d: {  	[sflag:s30] =	ssyncset.done $0x0  }
0x7e: {  	s11 =	simm.s32 $0x0;
	s25 =	rddreg [dreg:$0xa];
	[sflag:s30] =	ssyncadd.s32 $0xFFFFC000  }
0x7f: {  	[tilespmem:s11], [sflag:$0x4] =	stream.linear.gather [hbm4b:s25+s11], $0x1800, $0x38;
	[tilespmem:$0x1EC00] =	vst v63  }
0x80: {  	_ =	swait.ge [sflag:s30], $0x1800  }
0x81: {  	[sflag:s30] =	ssyncset.done $0x0  }
0x82: {  	s26 =	rddreg [dreg:$0xb];
	[sflag:s30] =	ssyncadd.s32 $0xFFFFE800  }
0x83: {  	[tilespmem:s28], [sflag:$0x4] =	stream.linear.gather [hbm4b:s26+s11], $0x1800, $0x38;
	[tilespmem:$0x1EC00] =	vst v63  }
0x84: {  	p3 =	sne.s32 s16, $0x2;
	_ =	swait.ge [sflag:s30], $0x1800  }
.Ltmp2:
0x85: {  	p1 =	sle.u32 s14, $0x0;
	[sflag:s30] =	ssyncset.done $0x0;
	(pc) =	sbr.rel @!p3 .LBB2_6-.Ltmp2, $4  }
0x86: {  	p2 =	por $0x0, $0x0;
	p0 =	sle.u32 @!p1 s21, $0x0;
	[sflag:s30] =	ssyncadd.s32 $0xFFFFE800  }
0x87: {  	[tilespmem:s29], [sflag:$0x1] =	stream.indirect.gather [hbm4b:s1+s0], $0x80, s12, s0, $0xb8;
	[tilespmem:$0x1EC00] =	vst v63  }
0x88: {  	s15 =	simm.s32 @!p1 $0x1;
	p0 =	por p0, p1;
	s10 =	simm.s32 $0x2  }
0x89: {  	[tilespmem:s4], [sflag:$0x2] =	stream.indirect.gather [hbm4b:s1+s0], $0x80, s13, s0, $0xb8;
	[tilespmem:$0x1EC00] =	vst v63  }
0x8a: {  	p2 =	por p1, p1;
	p1 =	sle.u32 s14, $0x2;
	p0 =	por p0, p0  }
0x8b: {  	p3 =	sle.u32 s14, $0x1;
	p4 =	sne.s32 s16, $0x4;
	_ =	swait.ge @!p2 [sflag:s15], $0x4000  }
0x8c: {  	s25 =	sadd.s32 $0x100, s8;
	s17 =	simm.s32 @!p2 $0x4;
	[sflag:s15] =	ssyncset.done @!p2 $0x0  }
0x8d: {  	s11 =	simm.s32 @!p2 $0x80;
	[sflag:s15] =	ssyncadd.s32 @!p2 $0xFFFFC000;
	s15 =	simm.s32 @!p2 $0x3000  }
0x8e: {  	[spmem:s2] =	stream.indirect.scatter.add.f32 @!p2 [tilespmem:s15], [sflag:$0x4], $0x80, s8, s11, $0xb8;
	[tilespmem:$0x1EC00] =	vst v63  }
0x8f: {  	s26 =	sadd.s32 $0x100, s9;
	p5 =	sle.u32 @!p1 s21, $0x2;
	_ =	swait.ge @!p2 [sflag:s17], $0x4000  }
0x90: {  	s18 =	simm.s32 @!p3 $0x80;
	s19 =	simm.s32 @!p3 $0x7000;
	[sflag:s17] =	ssyncset.done @!p2 $0x0  }
0x91: {  	s15 =	simm.s32 @!p0 $0x3000;
	[sflag:s17] =	ssyncadd.s32 @!p2 $0xFFFFC000;
	s17 =	simm.s32 @!p0 $0x80  }
0x92: {  	[tilespmem:s15], [sflag:$0x1] =	stream.indirect.gather @!p0 [hbm4b:s1+s17], $0x80, s9, s17, $0xb8;
	[tilespmem:$0x1EC00] =	vst v63  }
0x93: {  	s20 =	sadd.s32 @!p3 $0x80, s8;
	s11 =	simm.s32 $0x4;
	s15 =	simm.s32 @!p3 $0x2  }
0x94: {  	p2 =	sle.u32 @!p3 s23, $0x0;
	p0 =	por p5, p1;
	_ =	swait.ge @!p3 [sflag:s15], $0x4000  }
.Ltmp3:
0x95: {  	s17 =	simm.s32 @!p3 $0x4;
	[sflag:s15] =	ssyncset.done @!p3 $0x0;
	(pc) =	sbr.rel @!p4 .LBB2_8-.Ltmp3, $4  }
0x96: {  	p5 =	por p2, p3;
	p2 =	por $0x1, $0x1;
	[sflag:s15] =	ssyncadd.s32 @!p3 $0xFFFFC000  }
0x97: {  	[spmem:s2] =	stream.indirect.scatter.add.f32 @!p3 [tilespmem:s19], [sflag:$0x4], $0x80, s20, s18, $0xb8;
	[tilespmem:$0x1EC00] =	vst v63  }
0x98: {  	s15 =	simm.s32 @!p1 $0x1;
	s18 =	simm.s32 @!p5 $0x7000;
	_ =	swait.ge @!p3 [sflag:s17], $0x4000  }
0x99: {  	s19 =	sadd.s32 @!p5 $0x80, s9;
	s20 =	simm.s32 @!p5 $0x80;
	[sflag:s17] =	ssyncset.done @!p3 $0x0  }
.LBB2_9:
0x9a: {  	[sflag:s17] =	ssyncadd.s32 @!p3 $0xFFFFC000;
	s17 =	smov.u32 s10  }
0x9b: {  	s10 =	smov.u32 s11;
	s28 =	smov.u32 s25;
	p3 =	por p1, p1  }
0x9c: {  	p1 =	sge.u32 s11, s14;
	s11 =	sadd.s32 $0x2, s11;
	p6 =	por p0, p0  }
0x9d: {  	[tilespmem:s18], [sflag:$0x2] =	stream.indirect.gather @!p5 [hbm4b:s1+s20], $0x80, s19, s20, $0xb8;
	[tilespmem:$0x1EC00] =	vst v63  }
0x9e: {  	p0 =	sge.u32 @!p1 s10, s21;
	p4 =	sne.s32 s16, s11;
	_ =	swait.ge @!p3 [sflag:s15], $0x4000  }
0x9f: {  	s18 =	simm.s32 @!p3 $0x4;
	p0 =	por p0, p1;
	[sflag:s15] =	ssyncset.done @!p3 $0x0  }
0xa0: {  	s19 =	simm.s32 @!p3 $0x3000;
	[sflag:s15] =	ssyncadd.s32 @!p3 $0xFFFFC000;
	s15 =	simm.s32 @!p3 $0x80  }
0xa1: {  	[spmem:s2] =	stream.indirect.scatter.add.f32 @!p3 [tilespmem:s19], [sflag:$0x4], $0x80, s25, s15, $0xb8;
	[tilespmem:$0x1EC00] =	vst v63  }
0xa2: {  	s25 =	sadd.s32 $0x100, s25;
	s19 =	smov.u32 s26;
	_ =	swait.ge @!p3 [sflag:s18], $0x4000  }
0xa3: {  	s20 =	sadd.s32 $0x1, s17;
	s15 =	simm.s32 @!p6 $0x3000;
	[sflag:s18] =	ssyncset.done @!p3 $0x0  }
0xa4: {  	[sflag:s18] =	ssyncadd.s32 @!p3 $0xFFFFC000;
	s18 =	simm.s32 @!p6 $0x80;
	p3 =	sge.u32 s20, s14  }
0xa5: {  	[tilespmem:s15], [sflag:$0x1] =	stream.indirect.gather @!p6 [hbm4b:s1+s18], $0x80, s26, s18, $0xb8;
	[tilespmem:$0x1EC00] =	vst v63  }
0xa6: {  	s15 =	simm.s32 @!p3 $0x2;
	p5 =	sge.u32 @!p3 s17, s23;
	s26 =	sadd.s32 $0x100, s26  }
0xa7: {  	s18 =	simm.s32 @!p3 $0x80;
	s20 =	simm.s32 @!p3 $0x7000;
	_ =	swait.ge @!p3 [sflag:s15], $0x4000  }
.Ltmp4:
0xa8: {  	s28 =	sadd.s32 @!p3 $0x80, s28;
	[sflag:s15] =	ssyncset.done @!p3 $0x0;
	(pc) =	sbr.rel @p4 .LBB2_9-.Ltmp4, $4  }
0xa9: {  	s17 =	simm.s32 @!p3 $0x4;
	p5 =	por p5, p3;
	[sflag:s15] =	ssyncadd.s32 @!p3 $0xFFFFC000  }
0xaa: {  	[spmem:s2] =	stream.indirect.scatter.add.f32 @!p3 [tilespmem:s20], [sflag:$0x4], $0x80, s28, s18, $0xb8;
	[tilespmem:$0x1EC00] =	vst v63  }
0xab: {  	s15 =	simm.s32 @!p1 $0x1;
	s18 =	simm.s32 @!p5 $0x7000;
	_ =	swait.ge @!p3 [sflag:s17], $0x4000  }
0xac: {  	s19 =	sadd.s32 @!p5 $0x80, s19;
	s20 =	simm.s32 @!p5 $0x80;
	[sflag:s17] =	ssyncset.done @!p3 $0x0  }
0xad: {  	s11 =	smov.u32 s10;
	s28 =	simm.s32 $0x1800  }
.LBB2_11:
0xae: {  	p3 =	por p3, !p2  }
0xaf: {  	p1 =	por p1, p1;
	p2 =	por p5, !p2;
	[sflag:s17] =	ssyncadd.s32 @!p3 $0xFFFFC000  }
0xb0: {  	[tilespmem:s18], [sflag:$0x2] =	stream.indirect.gather @!p2 [hbm4b:s1+s20], $0x80, s19, s20, $0xb8;
	[tilespmem:$0x1EC00] =	vst v63  }
0xb1: {  	_ =	swait.ge @!p1 [sflag:s15], $0x4000  }
0xb2: {  	s10 =	simm.s32 @!p1 $0x4;
	[sflag:s15] =	ssyncset.done @!p1 $0x0  }
0xb3: {  	s17 =	simm.s32 @!p1 $0x3000;
	[sflag:s15] =	ssyncadd.s32 @!p1 $0xFFFFC000;
	s15 =	simm.s32 @!p1 $0x80  }
0xb4: {  	[spmem:s2] =	stream.indirect.scatter.add.f32 @!p1 [tilespmem:s17], [sflag:$0x4], $0x80, s25, s15, $0xb8;
	[tilespmem:$0x1EC00] =	vst v63  }
0xb5: {  	s19 =	sadd.s32 $0x1, s11;
	_ =	swait.ge @!p1 [sflag:s10], $0x4000  }
0xb6: {  	p2 =	por p0, p0;
	p0 =	sge.u32 s19, s14;
	[sflag:s10] =	ssyncset.done @!p1 $0x0  }
0xb7: {  	s15 =	simm.s32 @!p2 $0x3000;
	[sflag:s10] =	ssyncadd.s32 @!p1 $0xFFFFC000;
	s10 =	simm.s32 @!p2 $0x80  }
0xb8: {  	[tilespmem:s15], [sflag:$0x1] =	stream.indirect.gather @!p2 [hbm4b:s1+s10], $0x80, s26, s10, $0xb8;
	[tilespmem:$0x1EC00] =	vst v63  }
0xb9: {  	s10 =	simm.s32 @!p0 $0x2  }
0xba: {  	s17 =	sadd.s32 @!p0 $0x80, s25;
	_ =	swait.ge @!p0 [sflag:s10], $0x4000  }
0xbb: {  	p1 =	sge.u32 @!p0 s11, s23;
	s11 =	simm.s32 @!p0 $0x80;
	[sflag:s10] =	ssyncset.done @!p0 $0x0  }
0xbc: {  	s15 =	simm.s32 @!p0 $0x7000;
	[sflag:s10] =	ssyncadd.s32 @!p0 $0xFFFFC000;
	s10 =	simm.s32 @!p0 $0x4  }
0xbd: {  	[spmem:s2] =	stream.indirect.scatter.add.f32 @!p0 [tilespmem:s15], [sflag:$0x4], $0x80, s17, s11, $0xb8;
	[tilespmem:$0x1EC00] =	vst v63  }
0xbe: {  	s20 =	stileid.u32;
	p1 =	por p1, p0;
	_ =	swait.ge @!p0 [sflag:s10], $0x4000  }
0xbf: {  	s11 =	simm.s32 @!p1 $0x7000;
	s15 =	sadd.s32 @!p1 $0x80, s26;
	[sflag:s10] =	ssyncset.done @!p0 $0x0  }
0xc0: {  	s17 =	simm.s32 @!p1 $0x80;
	[sflag:s10] =	ssyncadd.s32 @!p0 $0xFFFFC000;
	s10 =	sshll.u32 s20, $0x6  }
0xc1: {  	[tilespmem:s11], [sflag:$0x2] =	stream.indirect.gather @!p1 [hbm4b:s1+s17], $0x80, s15, s17, $0xb8;
	[tilespmem:$0x1EC00] =	vst v63  }
0xc2: {  	s25 =	sshrl.u32 s5, $0x3;
	s10 =	sor.u32 $0x1C04, s10;
	[bflag:$0x0] =	sbarrier.arrive $0xFFFF  }
0xc3: {  	[hbm:s24], [sflag:s10] =	dma.local [spmem:s25], $0x2780  }
0xc4: {  	_ =	swait.ge [sflag:s30], $0x2780  }
0xc5: {  	s3 =	sadd.s32 $0x1, s3;
	s26 =	rddreg [dreg:$0xc]  }
0xc6: {  	p0 =	sne.s32 s3, s26  }
.Ltmp5:
0xc7: {  	_ = 	snop;
	(pc) =	sbr.rel @p0 .LBB2_1-.Ltmp5, $4  }
.Ltmp6:
0xc8: {  	_ = 	snop;
	(pc) =	sbr.rel @!p0 .LBB2_12-.Ltmp6, $4  }
0xc9: {  	_ = 	snop  }
0xca: {  	[sflag:s30] =	ssyncset.done $0x0  }
0xcb: {  	[sflag:s30] =	ssyncadd.s32 $0xFFFFD880  }
0xcc: {  	_ = 	snop  }
.LBB2_6:
.Ltmp7:
0xcd: {  	(pc) =	sbr.rel .LBB2_11-.Ltmp7, $2  }
0xce: {  	_ =	sdelay $0x2  }
0xcf: {  	s25 =	smov.u32 s8;
	s26 =	smov.u32 s9  }
.LBB2_8:
.Ltmp8:
0xd0: {  	(pc) =	sbr.rel .LBB2_11-.Ltmp8, $2  }
0xd1: {  	_ =	sdelay $0x2  }
0xd2: {  	s11 =	simm.s32 $0x2;
	s28 =	simm.s32 $0x1800  }
.LBB2_12:
0xd3: {  	_ =	sfence.sel $0x180000  }
0xd4: {  	[bflag:$0x0] =	sbarrier.arrive $0xFFFF  }
0xd5: {  	_ =	strace $0x9000004A  }
0xd6: {  	s0 =	stileid.u32;
	[bflag:$0x2] =	sbarrier.arrive $0xFFFF  }
0xd7: {  	p0 =	sne.s32 s0, $0x0;
	s0 =	rddreg [dreg:$0x3]  }
0xd8: {  	s0 =	sadd.s32 @!p0 $0x100000, s0  }
0xd9: {  	[sflag:s0] =	ssyncadd.tile.s32 @!p0 $0x1;
	_ =	shalt  }
.Lfunc_end2:
_tile_overlayer_lowered:
.L_overlay_start_2:
0xda: {  	(tag) =	ssettag $0x2  }
0xdb: {  	s0 =	rddreg [dreg:$0x0];
	s2 =	stileid.u32  }
0xdc: {  	s1 =	rddreg [dreg:$0x1];
	p0 =	sne.s32 s2, $0x0  }
0xdd: {  	s3 =	rddreg [dreg:$0x2];
	[bflag:$0x3] =	sbarrier.arrive $0xFFFF;
	s2 =	simm.s32 @!p0 $0x1C04  }
0xde: {  	[timem:s3], [sflag:s2] =	dma.local @!p0 [hbm:s0], s1  }
0xdf: {  	s0 =	simm.s32 @!p0 $0x4  }
0xe0: {  	_ =	swait.ge @!p0 [sflag:s0], s1  }
0xe1: {  	s1 =	ssub.s32 @!p0 $0x0, s1;
	[sflag:s0] =	ssyncset.done @!p0 $0x0  }
0xe2: {  	[sflag:s0] =	ssyncadd.s32 @!p0 s1  }
0xe3: {  	[bflag:$0x3] =	sbarrier.arrive $0xFFFF  }
0xe4: {  	_ =	shalt  }

</sc_bundles>
